<compile_context>
chip_gen: v7x
topology: tpu7x:2x2x1
jax: 0.10.2.dev20260603
libtpu: 0.0.44.dev20260713+nightly
codegen_flags: <defaults>
</compile_context>

<pallas_src>
import functools

import jax
import jax.numpy as jnp
from jax import lax
from jax.experimental import pallas as pl
from jax.experimental.pallas import tpu as pltpu
from jax.experimental.pallas import tpu_sc as plsc

NC = 2
NS = 16
NW = NC * NS
CH = 80


def _dot_t(a, b):
    return lax.dot_general(a, b, (((1,), (1,)), ((), ())),
                           preferred_element_type=jnp.float32)


def _uv_body(x_ref, w_ref, b_ref, u_ref, v_ref):
    d = x_ref.shape[1]
    xv = x_ref[...]
    u_ref[...] = _dot_t(xv, w_ref[:, :d]) + b_ref[...]
    v_ref[...] = _dot_t(xv, w_ref[:, d:])


def _edge_body(s_ref, w_ref, b_ref, mc_ref, mf_ref):
    sv = jnp.maximum(s_ref[...], 0.0)
    val = jnp.maximum(_dot_t(sv, w_ref[...]) + b_ref[...], 0.0)
    mc_ref[...] = val
    mf_ref[...] = val


def _edge_body_acc(s_ref, w_ref, b_ref, macc_ref, mc_ref, mf_ref):
    del macc_ref
    _edge_body(s_ref, w_ref, b_ref, mc_ref, mf_ref)


def _node_body(x_ref, p_ref, w1x_ref, w1a_ref, b1_ref, w2_ref,
               b2_ref, h_ref):
    xv = x_ref[...]
    agg = p_ref[0] + p_ref[1]
    h1 = jnp.maximum(_dot_t(xv, w1x_ref[...]) + _dot_t(agg, w1a_ref[...])
                     + b1_ref[...], 0.0)
    h_ref[...] = _dot_t(h1, w2_ref[...]) + b2_ref[...] + xv


def _gather_add_body(u_hbm, v_hbm, row_hbm, col_hbm, out_hbm,
                     ridx, cidx, ub0, vb0, ob0, ub1, vb1, ob1,
                     gs0, gs1, ws0, ws1):
    epw = ridx.shape[0]
    ch = ub0.shape[0]
    nch = epw // ch
    h = ub0.shape[1]
    wid = lax.axis_index("s") * NC + lax.axis_index("c")
    ebase = wid * epw
    pltpu.sync_copy(row_hbm.at[pl.ds(ebase, epw)], ridx)
    pltpu.sync_copy(col_hbm.at[pl.ds(ebase, epw)], cidx)

    bufs = ((ub0, vb0, ob0, gs0, ws0), (ub1, vb1, ob1, gs1, ws1))

    def fire(i, ub, vb, gs):
        off = i * ch
        pltpu.async_copy(u_hbm.at[ridx.at[pl.ds(off, ch)]], ub, gs)
        pltpu.async_copy(v_hbm.at[cidx.at[pl.ds(off, ch)]], vb, gs)

    def wait_gather(ub, vb, gs):
        pltpu.make_async_copy(u_hbm.at[ridx.at[pl.ds(0, ch)]], ub, gs).wait()
        pltpu.make_async_copy(v_hbm.at[cidx.at[pl.ds(0, ch)]], vb, gs).wait()

    def compute(ub, vb, ob):
        @plsc.parallel_loop(0, ch)
        def _row(r):
            for j in range(h // 16):
                sl = pl.ds(j * 16, 16)
                ob[r, sl] = ub[r, sl] + vb[r, sl]

    def fire_wb(i, ob, ws):
        pltpu.async_copy(ob, out_hbm.at[pl.ds(ebase + i * ch, ch)], ws)

    def wait_wb(ob, ws):
        pltpu.make_async_copy(ob, out_hbm.at[pl.ds(ebase, ch)], ws).wait()

    fire(0, ub0, vb0, gs0)
    fire(1, ub1, vb1, gs1)

    @pl.loop(0, nch // 2)
    def _main(k):
        for b in range(2):
            ub, vb, ob, gs, ws = bufs[b]
            i = 2 * k + b
            wait_gather(ub, vb, gs)

            @pl.when(k > 0)
            def _():
                wait_wb(ob, ws)

            compute(ub, vb, ob)
            fire_wb(i, ob, ws)

            @pl.when(i + 2 < nch)
            def _():
                fire(i + 2, ub, vb, gs)

    if nch % 2:
        wait_gather(ub0, vb0, gs0)
        wait_wb(ob0, ws0)
        compute(ub0, vb0, ob0)
        fire_wb(nch - 1, ob0, ws0)
    wait_wb(ob0, ws0)
    wait_wb(ob1, ws1)


def _scatter_add_body(m_hbm, row_hbm, init_hbm, out_hbm,
                      rb0, mb0, rb1, mb1, agg_sh, ds0, ds1):
    n = agg_sh.shape[0]
    ch = rb0.shape[0]
    epw = m_hbm.shape[0] // NW
    nch = epw // ch
    rpt = (n // NS) & ~7
    tail = n - NS * rpt
    c = lax.axis_index("c")
    sub = lax.axis_index("s")
    wid = sub * NC + c
    ebase = wid * epw
    nb = sub * rpt
    pltpu.sync_copy(init_hbm.at[c, pl.ds(nb, rpt)], agg_sh.at[pl.ds(nb, rpt)])
    if tail:
        @pl.when(sub == NS - 1)
        def _init_tail():
            pltpu.sync_copy(init_hbm.at[c, pl.ds(NS * rpt, tail)],
                            agg_sh.at[pl.ds(NS * rpt, tail)])
    plsc.subcore_barrier()

    bufs = ((rb0, mb0, ds0), (rb1, mb1, ds1))

    def fire(i, rb, mb, dsm):
        off = ebase + i * ch
        pltpu.async_copy(row_hbm.at[pl.ds(off, ch)], rb, dsm)
        pltpu.async_copy(m_hbm.at[pl.ds(off, ch)], mb, dsm)

    def wait_fire(rb, mb, dsm):
        pltpu.make_async_copy(row_hbm.at[pl.ds(ebase, ch)], rb, dsm).wait()
        pltpu.make_async_copy(m_hbm.at[pl.ds(ebase, ch)], mb, dsm).wait()

    fire(0, rb0, mb0, ds0)
    fire(1, rb1, mb1, ds1)

    @pl.loop(0, nch // 2)
    def _main(k):
        for b in range(2):
            rb, mb, dsm = bufs[b]
            i = 2 * k + b
            wait_fire(rb, mb, dsm)
            pltpu.sync_copy(mb, agg_sh.at[rb], add=True)

            @pl.when(i + 2 < nch)
            def _():
                fire(i + 2, rb, mb, dsm)

    if nch % 2:
        wait_fire(rb0, mb0, ds0)
        pltpu.sync_copy(mb0, agg_sh.at[rb0], add=True)

    plsc.subcore_barrier()
    pltpu.sync_copy(agg_sh.at[pl.ds(nb, rpt)], out_hbm.at[c, pl.ds(nb, rpt)])
    if tail:
        @pl.when(sub == NS - 1)
        def _out_tail():
            pltpu.sync_copy(agg_sh.at[pl.ds(NS * rpt, tail)],
                            out_hbm.at[c, pl.ds(NS * rpt, tail)])


def kernel(x, edge_index, W_e1, b_e1, W_e2, b_e2, W_n1, b_n1, W_n2, b_n2):
    n, d = x.shape
    e = edge_index.shape[1]
    h = W_e1.shape[0]

    grain = NW * CH
    ec0 = (e // (2 * grain)) * grain
    ecs = [ec0, e - ec0]
    assert all(c > 0 and c % grain == 0 for c in ecs) and n % NS == 0

    row = edge_index[0].astype(jnp.int32)
    col = edge_index[1].astype(jnp.int32)

    u, v = pl.pallas_call(
        _uv_body,
        out_shape=(jax.ShapeDtypeStruct((n, h), jnp.float32),
                   jax.ShapeDtypeStruct((n, h), jnp.float32)),
    )(x, W_e1, b_e1.reshape(1, h))

    mesh = plsc.VectorSubcoreMesh(core_axis_name="c", subcore_axis_name="s",
                                  num_cores=NC, num_subcores=NS)

    zeros = jnp.zeros((NC, n, h), jnp.float32)
    b_e2r = b_e2.reshape(1, h)
    m_acc = None
    p_acc = zeros
    off = 0
    for ec in ecs:
        epw = ec // NW
        gather_call = pl.kernel(
            _gather_add_body,
            out_type=jax.ShapeDtypeStruct((ec, h), jnp.float32),
            mesh=mesh,
            scratch_types=[
                pltpu.VMEM((epw,), jnp.int32),
                pltpu.VMEM((epw,), jnp.int32),
                pltpu.VMEM((CH, h), jnp.float32),
                pltpu.VMEM((CH, h), jnp.float32),
                pltpu.VMEM((CH, h), jnp.float32),
                pltpu.VMEM((CH, h), jnp.float32),
                pltpu.VMEM((CH, h), jnp.float32),
                pltpu.VMEM((CH, h), jnp.float32),
                pltpu.SemaphoreType.DMA,
                pltpu.SemaphoreType.DMA,
                pltpu.SemaphoreType.DMA,
                pltpu.SemaphoreType.DMA,
            ],
        )
        scatter_call = pl.kernel(
            _scatter_add_body,
            out_type=jax.ShapeDtypeStruct((NC, n, h), jnp.float32),
            mesh=mesh,
            scratch_types=[
                pltpu.VMEM((CH,), jnp.int32),
                pltpu.VMEM((CH, h), jnp.float32),
                pltpu.VMEM((CH,), jnp.int32),
                pltpu.VMEM((CH, h), jnp.float32),
                pltpu.VMEM_SHARED((n, h), jnp.float32),
                pltpu.SemaphoreType.DMA,
                pltpu.SemaphoreType.DMA,
            ],
        )
        eb = grain
        assert ec % eb == 0 and off % eb == 0
        o = off // eb
        base_in_specs = [
            pl.BlockSpec((eb, h), lambda i: (i, 0)),
            pl.BlockSpec((h, h), lambda i: (0, 0)),
            pl.BlockSpec((1, h), lambda i: (0, 0)),
        ]
        out_specs = [
            pl.BlockSpec((eb, h), lambda i: (i, 0)),
            pl.BlockSpec((eb, h), lambda i, o=o: (i + o, 0)),
        ]
        out_shape = [jax.ShapeDtypeStruct((ec, h), jnp.float32),
                     jax.ShapeDtypeStruct((e, h), jnp.float32)]
        if m_acc is None:
            edge_call = pl.pallas_call(
                _edge_body, grid=(ec // eb,), in_specs=base_in_specs,
                out_specs=out_specs, out_shape=out_shape)
        else:
            edge_call = pl.pallas_call(
                _edge_body_acc, grid=(ec // eb,),
                in_specs=base_in_specs + [
                    pl.BlockSpec(memory_space=pltpu.MemorySpace.HBM)],
                out_specs=out_specs, out_shape=out_shape,
                input_output_aliases={3: 1})

        row_c = lax.slice_in_dim(row, off, off + ec)
        col_c = lax.slice_in_dim(col, off, off + ec)
        s_c = gather_call(u, v, row_c, col_c)
        if m_acc is None:
            m_c, m_acc = edge_call(s_c, W_e2, b_e2r)
        else:
            m_c, m_acc = edge_call(s_c, W_e2, b_e2r, m_acc)
        p_acc = scatter_call(m_c, row_c, p_acc)
        off += ec

    m = m_acc

    nb = 2000
    hout = pl.pallas_call(
        _node_body,
        grid=(n // nb,),
        in_specs=[
            pl.BlockSpec((nb, d), lambda i: (i, 0)),
            pl.BlockSpec((NC, nb, h), lambda i: (0, i, 0)),
            pl.BlockSpec((h, d), lambda i: (0, 0)),
            pl.BlockSpec((h, h), lambda i: (0, 0)),
            pl.BlockSpec((1, h), lambda i: (0, 0)),
            pl.BlockSpec((d, h), lambda i: (0, 0)),
            pl.BlockSpec((1, d), lambda i: (0, 0)),
        ],
        out_specs=pl.BlockSpec((nb, d), lambda i: (i, 0)),
        out_shape=jax.ShapeDtypeStruct((n, d), jnp.float32),
    )(x, p_acc, W_n1[:, :d], W_n1[:, d:],
      b_n1.reshape(1, h), W_n2, b_n2.reshape(1, d))

    return (hout, m)

# --- scband reference (transcript-rebuilt; emitter-appended) ---
"""Pipeline reference for scband-gcl-64811056496980 (READ-ONLY COPY).

The authoritative reference and input builder live on the scoring server;
editing this copy changes nothing except your own understanding.
"""

import jax, jax.numpy as jnp
import numpy as np

N_NODES = 10000
N_EDGES = 320000
D = 128
H = 128


def setup_inputs(seed: int = 0) -> dict:
    key = jax.random.key(seed)
    ks = jax.random.split(key, 12)
    x = jax.random.normal(ks[0], (N_NODES, D), dtype=jnp.float32)
    edge_index = jax.random.randint(ks[1], (2, N_EDGES), 0, N_NODES, dtype=jnp.int64 if jax.config.jax_enable_x64 else jnp.int32)
    # edge_mlp: Linear(2*D -> H), ReLU, Linear(H -> H), ReLU
    s1 = 1.0 / np.sqrt(2 * D)
    W_e1 = jax.random.uniform(ks[2], (H, 2 * D), jnp.float32, -s1, s1)
    b_e1 = jax.random.uniform(ks[3], (H,), jnp.float32, -s1, s1)
    s2 = 1.0 / np.sqrt(H)
    W_e2 = jax.random.uniform(ks[4], (H, H), jnp.float32, -s2, s2)
    b_e2 = jax.random.uniform(ks[5], (H,), jnp.float32, -s2, s2)
    # node_mlp: Linear(H + D -> H), ReLU, Linear(H -> D)
    s3 = 1.0 / np.sqrt(H + D)
    W_n1 = jax.random.uniform(ks[6], (H, H + D), jnp.float32, -s3, s3)
    b_n1 = jax.random.uniform(ks[7], (H,), jnp.float32, -s3, s3)
    s4 = 1.0 / np.sqrt(H)
    W_n2 = jax.random.uniform(ks[8], (D, H), jnp.float32, -s4, s4)
    b_n2 = jax.random.uniform(ks[9], (D,), jnp.float32, -s4, s4)
    return {"x": x, "edge_index": edge_index, "W_e1": W_e1, "b_e1": b_e1, "W_e2": W_e2, "b_e2": b_e2, "W_n1": W_n1, "b_n1": b_n1, "W_n2": W_n2, "b_n2": b_n2}


def reference(x, edge_index, W_e1, b_e1, W_e2, b_e2, W_n1, b_n1, W_n2, b_n2):
    row = edge_index[0]
    col = edge_index[1]
    source = jnp.take(x, row, axis=0)
    target = jnp.take(x, col, axis=0)
    # edge_model (attention=False, edge_attr=None)
    edge_in = jnp.concatenate([source, target], axis=1)
    m = jax.nn.relu(edge_in @ W_e1.T + b_e1)
    m = jax.nn.relu(m @ W_e2.T + b_e2)
    # node_model: unsorted_segment_sum over row, then MLP + residual (recurrent=True)
    agg = jnp.zeros((x.shape[0], m.shape[1]), dtype=m.dtype).at[row].add(m)
    out = jnp.concatenate([x, agg], axis=1)
    h = jax.nn.relu(out @ W_n1.T + b_n1)
    h = h @ W_n2.T + b_n2
    h = h + x
    return (h, m)

if __name__ == "__main__":
    import jax
    _d = setup_inputs()
    print(jax.jit(kernel)(*tuple(_d.values())))

</pallas_src>

<mosaic_0001>
#map = affine_map<(d0, d1) -> (0, 0)>
#map1 = affine_map<(d0, d1) -> (0)>
module attributes {stable_mosaic.version = 14 : i64} {
  func.func @_gather_add_body(%arg0: i32, %arg1: i32, %arg2: memref<10000x128xf32, #tpu.memory_space<hbm>>, %arg3: memref<10000x128xf32, #tpu.memory_space<hbm>>, %arg4: memref<158720xi32, #tpu.memory_space<hbm>>, %arg5: memref<158720xi32, #tpu.memory_space<hbm>>, %arg6: memref<158720x128xf32, #tpu.memory_space<hbm>>, %arg7: memref<4960xi32, #tpu.memory_space<vmem>>, %arg8: memref<4960xi32, #tpu.memory_space<vmem>>, %arg9: memref<80x128xf32, #tpu.memory_space<vmem>>, %arg10: memref<80x128xf32, #tpu.memory_space<vmem>>, %arg11: memref<80x128xf32, #tpu.memory_space<vmem>>, %arg12: memref<80x128xf32, #tpu.memory_space<vmem>>, %arg13: memref<80x128xf32, #tpu.memory_space<vmem>>, %arg14: memref<80x128xf32, #tpu.memory_space<vmem>>, %arg15: memref<!tpu.dma_semaphore, #tpu.memory_space<semaphore_mem>>, %arg16: memref<!tpu.dma_semaphore, #tpu.memory_space<semaphore_mem>>, %arg17: memref<!tpu.dma_semaphore, #tpu.memory_space<semaphore_mem>>, %arg18: memref<!tpu.dma_semaphore, #tpu.memory_space<semaphore_mem>>) attributes {dimension_semantics = [#tpu.dimension_semantics<core_parallel>, #tpu.dimension_semantics<subcore_parallel>], iteration_bounds = array<i64: 2, 16>, scalar_prefetch = 0 : i64, scratch_operands = 12 : i64, tpu.core_type = #tpu.core_type<sc_vector_subcore>, window_params = [{transform_indices = #map}, {transform_indices = #map}, {transform_indices = #map1}, {transform_indices = #map1}, {transform_indices = #map}]} {
    %mul3A = arith.constant 2 : i32
    %mul3A_0 = arith.muli %arg1, %mul3A : i32
    %add3A = arith.addi %mul3A_0, %arg0 : i32
    %mul3A_1 = arith.constant 4960 : i32
    %mul3A_2 = arith.muli %add3A, %mul3A_1 : i32
    "tpu.region"() ({
      %run_scoped3A = tpu.sem_alloc : memref<!tpu.dma_semaphore, #tpu.memory_space<semaphore_mem>>
      %dma_start3A_33 = tpu.memref_slice %arg4[%mul3A_2] : memref<158720xi32, #tpu.memory_space<hbm>> -> memref<4960xi32, #tpu.memory_space<hbm>>
      %dma_start3A_34 = tpu.memref_slice %arg4[%mul3A_2] : memref<158720xi32, #tpu.memory_space<hbm>> -> memref<4960xi32, #tpu.memory_space<hbm>>
      tpu.enqueue_dma source(%dma_start3A_34 : memref<4960xi32, #tpu.memory_space<hbm>>) target(%arg7 : memref<4960xi32, #tpu.memory_space<vmem>>) target_semaphore(%run_scoped3A : memref<!tpu.dma_semaphore, #tpu.memory_space<semaphore_mem>>)
      %dma_wait3A_35 = tpu.memref_slice %arg4[%mul3A_2] : memref<158720xi32, #tpu.memory_space<hbm>> -> memref<4960xi32, #tpu.memory_space<hbm>>
      %dma_wait3A_36 = tpu.memref_slice %arg4[%mul3A_2] : memref<158720xi32, #tpu.memory_space<hbm>> -> memref<4960xi32, #tpu.memory_space<hbm>>
      tpu.wait_dma2 semaphore(%run_scoped3A : memref<!tpu.dma_semaphore, #tpu.memory_space<semaphore_mem>>) src(%dma_wait3A_36 : memref<4960xi32, #tpu.memory_space<hbm>>) dst(%arg7 : memref<4960xi32, #tpu.memory_space<vmem>>)
      tpu.yield
    }) : () -> ()
    "tpu.region"() ({
      %run_scoped3A = tpu.sem_alloc : memref<!tpu.dma_semaphore, #tpu.memory_space<semaphore_mem>>
      %dma_start3A_33 = tpu.memref_slice %arg5[%mul3A_2] : memref<158720xi32, #tpu.memory_space<hbm>> -> memref<4960xi32, #tpu.memory_space<hbm>>
      %dma_start3A_34 = tpu.memref_slice %arg5[%mul3A_2] : memref<158720xi32, #tpu.memory_space<hbm>> -> memref<4960xi32, #tpu.memory_space<hbm>>
      tpu.enqueue_dma source(%dma_start3A_34 : memref<4960xi32, #tpu.memory_space<hbm>>) target(%arg8 : memref<4960xi32, #tpu.memory_space<vmem>>) target_semaphore(%run_scoped3A : memref<!tpu.dma_semaphore, #tpu.memory_space<semaphore_mem>>)
      %dma_wait3A_35 = tpu.memref_slice %arg5[%mul3A_2] : memref<158720xi32, #tpu.memory_space<hbm>> -> memref<4960xi32, #tpu.memory_space<hbm>>
      %dma_wait3A_36 = tpu.memref_slice %arg5[%mul3A_2] : memref<158720xi32, #tpu.memory_space<hbm>> -> memref<4960xi32, #tpu.memory_space<hbm>>
      tpu.wait_dma2 semaphore(%run_scoped3A : memref<!tpu.dma_semaphore, #tpu.memory_space<semaphore_mem>>) src(%dma_wait3A_36 : memref<4960xi32, #tpu.memory_space<hbm>>) dst(%arg8 : memref<4960xi32, #tpu.memory_space<vmem>>)
      tpu.yield
    }) : () -> ()
    %dma_start3A = arith.constant 0 : i32
    %dma_start3A_3 = tpu.memref_slice %arg7[%dma_start3A] : memref<4960xi32, #tpu.memory_space<vmem>> -> memref<80xi32, #tpu.memory_space<vmem>>
    %dma_start3A_4 = arith.constant 0 : i32
    %dma_start3A_5 = arith.constant 0 : i32
    %dma_start3A_6 = tpu.memref_slice %arg2[%dma_start3A_4, %dma_start3A_5] : memref<10000x128xf32, #tpu.memory_space<hbm>> -> memref<10000x128xf32, #tpu.memory_space<hbm>>
    tpu.enqueue_indirect_dma source(%dma_start3A_6 : memref<10000x128xf32, #tpu.memory_space<hbm>>) target(%arg9 : memref<80x128xf32, #tpu.memory_space<vmem>>) offsets(%dma_start3A_3 : memref<80xi32, #tpu.memory_space<vmem>>) semaphore(%arg15 : memref<!tpu.dma_semaphore, #tpu.memory_space<semaphore_mem>>)
    %dma_start3A_7 = arith.constant 0 : i32
    %dma_start3A_8 = tpu.memref_slice %arg8[%dma_start3A_7] : memref<4960xi32, #tpu.memory_space<vmem>> -> memref<80xi32, #tpu.memory_space<vmem>>
    %dma_start3A_9 = arith.constant 0 : i32
    %dma_start3A_10 = arith.constant 0 : i32
    %dma_start3A_11 = tpu.memref_slice %arg3[%dma_start3A_9, %dma_start3A_10] : memref<10000x128xf32, #tpu.memory_space<hbm>> -> memref<10000x128xf32, #tpu.memory_space<hbm>>
    tpu.enqueue_indirect_dma source(%dma_start3A_11 : memref<10000x128xf32, #tpu.memory_space<hbm>>) target(%arg10 : memref<80x128xf32, #tpu.memory_space<vmem>>) offsets(%dma_start3A_8 : memref<80xi32, #tpu.memory_space<vmem>>) semaphore(%arg15 : memref<!tpu.dma_semaphore, #tpu.memory_space<semaphore_mem>>)
    %dma_start3A_12 = arith.constant 80 : i32
    %dma_start3A_13 = tpu.memref_slice %arg7[%dma_start3A_12] : memref<4960xi32, #tpu.memory_space<vmem>> -> memref<80xi32, #tpu.memory_space<vmem>>
    %dma_start3A_14 = arith.constant 0 : i32
    %dma_start3A_15 = arith.constant 0 : i32
    %dma_start3A_16 = tpu.memref_slice %arg2[%dma_start3A_14, %dma_start3A_15] : memref<10000x128xf32, #tpu.memory_space<hbm>> -> memref<10000x128xf32, #tpu.memory_space<hbm>>
    tpu.enqueue_indirect_dma source(%dma_start3A_16 : memref<10000x128xf32, #tpu.memory_space<hbm>>) target(%arg12 : memref<80x128xf32, #tpu.memory_space<vmem>>) offsets(%dma_start3A_13 : memref<80xi32, #tpu.memory_space<vmem>>) semaphore(%arg16 : memref<!tpu.dma_semaphore, #tpu.memory_space<semaphore_mem>>)
    %dma_start3A_17 = arith.constant 80 : i32
    %dma_start3A_18 = tpu.memref_slice %arg8[%dma_start3A_17] : memref<4960xi32, #tpu.memory_space<vmem>> -> memref<80xi32, #tpu.memory_space<vmem>>
    %dma_start3A_19 = arith.constant 0 : i32
    %dma_start3A_20 = arith.constant 0 : i32
    %dma_start3A_21 = tpu.memref_slice %arg3[%dma_start3A_19, %dma_start3A_20] : memref<10000x128xf32, #tpu.memory_space<hbm>> -> memref<10000x128xf32, #tpu.memory_space<hbm>>
    tpu.enqueue_indirect_dma source(%dma_start3A_21 : memref<10000x128xf32, #tpu.memory_space<hbm>>) target(%arg13 : memref<80x128xf32, #tpu.memory_space<vmem>>) offsets(%dma_start3A_18 : memref<80xi32, #tpu.memory_space<vmem>>) semaphore(%arg16 : memref<!tpu.dma_semaphore, #tpu.memory_space<semaphore_mem>>)
    %scan3A = arith.constant 0 : i32
    %scan3A_22 = arith.constant 31 : i32
    %scan3A_23 = arith.addi %scan3A, %scan3A_22 : i32
    %scan3A_24 = arith.constant 1 : i32
    scf.for %scan3A_33 = %scan3A to %scan3A_23 step %scan3A_24  : i32 {
      %mul3A_34 = arith.constant 1 : i32
      %mul3A_35 = arith.muli %scan3A_33, %mul3A_34 : i32
      %add3A_36 = arith.constant 0 : i32
      %add3A_37 = arith.addi %add3A_36, %mul3A_35 : i32
      %mul3A_38 = arith.constant 2 : i32
      %mul3A_39 = arith.muli %mul3A_38, %add3A_37 : i32
      %add3A_40 = arith.constant 0 : i32
      %add3A_41 = arith.addi %mul3A_39, %add3A_40 : i32
      %dma_wait3A_42 = arith.constant 0 : i32
      %dma_wait3A_43 = tpu.memref_slice %arg7[%dma_wait3A_42] : memref<4960xi32, #tpu.memory_space<vmem>> -> memref<80xi32, #tpu.memory_space<vmem>>
      %dma_wait3A_44 = arith.constant 0 : i32
      %dma_wait3A_45 = arith.constant 0 : i32
      %dma_wait3A_46 = tpu.memref_slice %arg2[%dma_wait3A_44, %dma_wait3A_45] : memref<10000x128xf32, #tpu.memory_space<hbm>> -> memref<10000x128xf32, #tpu.memory_space<hbm>>
      tpu.wait_indirect_dma semaphore(%arg15 : memref<!tpu.dma_semaphore, #tpu.memory_space<semaphore_mem>>) src(%dma_wait3A_46 : memref<10000x128xf32, #tpu.memory_space<hbm>>) dst(%arg9 : memref<80x128xf32, #tpu.memory_space<vmem>>)
      %dma_wait3A_47 = arith.constant 0 : i32
      %dma_wait3A_48 = tpu.memref_slice %arg8[%dma_wait3A_47] : memref<4960xi32, #tpu.memory_space<vmem>> -> memref<80xi32, #tpu.memory_space<vmem>>
      %dma_wait3A_49 = arith.constant 0 : i32
      %dma_wait3A_50 = arith.constant 0 : i32
      %dma_wait3A_51 = tpu.memref_slice %arg3[%dma_wait3A_49, %dma_wait3A_50] : memref<10000x128xf32, #tpu.memory_space<hbm>> -> memref<10000x128xf32, #tpu.memory_space<hbm>>
      tpu.wait_indirect_dma semaphore(%arg15 : memref<!tpu.dma_semaphore, #tpu.memory_space<semaphore_mem>>) src(%dma_wait3A_51 : memref<10000x128xf32, #tpu.memory_space<hbm>>) dst(%arg10 : memref<80x128xf32, #tpu.memory_space<vmem>>)
      %gt3A = arith.constant 0 : i32
      %gt3A_52 = arith.cmpi sgt, %add3A_37, %gt3A : i32
      %convert_element_type3A = arith.extui %gt3A_52 : i1 to i32
      %cond3A = arith.constant 0 : i32
      %cond3A_53 = arith.cmpi ne, %convert_element_type3A, %cond3A : i32
      scf.if %cond3A_53 {
        %dma_wait3A_105 = arith.constant 0 : i32
        %dma_wait3A_106 = tpu.memref_slice %arg6[%mul3A_2, %dma_wait3A_105] : memref<158720x128xf32, #tpu.memory_space<hbm>> -> memref<80x128xf32, #tpu.memory_space<hbm>>
        %dma_wait3A_107 = arith.constant 0 : i32
        %dma_wait3A_108 = tpu.memref_slice %arg6[%mul3A_2, %dma_wait3A_107] : memref<158720x128xf32, #tpu.memory_space<hbm>> -> memref<80x128xf32, #tpu.memory_space<hbm>>
        tpu.wait_dma2 semaphore(%arg17 : memref<!tpu.dma_semaphore, #tpu.memory_space<semaphore_mem>>) src(%arg11 : memref<80x128xf32, #tpu.memory_space<vmem>>) dst(%dma_wait3A_108 : memref<80x128xf32, #tpu.memory_space<hbm>>)
      } else {
      }
      %parallel_loop3A = arith.constant 0 : i32
      %parallel_loop3A_54 = arith.constant 80 : i32
      %parallel_loop3A_55 = arith.constant 1 : i32
      scf.for %parallel_loop3A_105 = %parallel_loop3A to %parallel_loop3A_54 step %parallel_loop3A_55  : i32 {
        %parallel_loop3A_106 = arith.index_cast %parallel_loop3A_105 : i32 to index
        %parallel_loop3A_107 = arith.constant 0 : index
        %parallel_loop3A_108 = tpu.vector_load %arg9[%parallel_loop3A_106, %parallel_loop3A_107] {strides = array<i32>} : memref<80x128xf32, #tpu.memory_space<vmem>>, vector<1x16xf32>,
        %parallel_loop3A_109 = vector.shape_cast %parallel_loop3A_108 : vector<1x16xf32> to vector<16xf32>
        %parallel_loop3A_110 = arith.index_cast %parallel_loop3A_105 : i32 to index
        %parallel_loop3A_111 = arith.constant 0 : index
        %parallel_loop3A_112 = tpu.vector_load %arg10[%parallel_loop3A_110, %parallel_loop3A_111] {strides = array<i32>} : memref<80x128xf32, #tpu.memory_space<vmem>>, vector<1x16xf32>,
        %parallel_loop3A_113 = vector.shape_cast %parallel_loop3A_112 : vector<1x16xf32> to vector<16xf32>
        %parallel_loop3A_114 = arith.addf %parallel_loop3A_109, %parallel_loop3A_113 : vector<16xf32>
        %parallel_loop3A_115 = arith.index_cast %parallel_loop3A_105 : i32 to index
        %parallel_loop3A_116 = arith.constant 0 : index
        %parallel_loop3A_117 = tpu.vector_load %arg11[%parallel_loop3A_115, %parallel_loop3A_116] {strides = array<i32>} : memref<80x128xf32, #tpu.memory_space<vmem>>, vector<1x16xf32>,
        %parallel_loop3A_118 = vector.shape_cast %parallel_loop3A_117 : vector<1x16xf32> to vector<16xf32>
        %parallel_loop3A_119 = vector.shape_cast %parallel_loop3A_114 : vector<16xf32> to vector<1x16xf32>
        tpu.vector_store %arg11[%parallel_loop3A_115, %parallel_loop3A_116], %parallel_loop3A_119 {strides = array<i32>} : memref<80x128xf32, #tpu.memory_space<vmem>>, vector<1x16xf32>,
        %parallel_loop3A_120 = arith.index_cast %parallel_loop3A_105 : i32 to index
        %parallel_loop3A_121 = arith.constant 16 : index
        %parallel_loop3A_122 = tpu.vector_load %arg9[%parallel_loop3A_120, %parallel_loop3A_121] {strides = array<i32>} : memref<80x128xf32, #tpu.memory_space<vmem>>, vector<1x16xf32>,
        %parallel_loop3A_123 = vector.shape_cast %parallel_loop3A_122 : vector<1x16xf32> to vector<16xf32>
        %parallel_loop3A_124 = arith.index_cast %parallel_loop3A_105 : i32 to index
        %parallel_loop3A_125 = arith.constant 16 : index
        %parallel_loop3A_126 = tpu.vector_load %arg10[%parallel_loop3A_124, %parallel_loop3A_125] {strides = array<i32>} : memref<80x128xf32, #tpu.memory_space<vmem>>, vector<1x16xf32>,
        %parallel_loop3A_127 = vector.shape_cast %parallel_loop3A_126 : vector<1x16xf32> to vector<16xf32>
        %parallel_loop3A_128 = arith.addf %parallel_loop3A_123, %parallel_loop3A_127 : vector<16xf32>
        %parallel_loop3A_129 = arith.index_cast %parallel_loop3A_105 : i32 to index
        %parallel_loop3A_130 = arith.constant 16 : index
        %parallel_loop3A_131 = tpu.vector_load %arg11[%parallel_loop3A_129, %parallel_loop3A_130] {strides = array<i32>} : memref<80x128xf32, #tpu.memory_space<vmem>>, vector<1x16xf32>,
        %parallel_loop3A_132 = vector.shape_cast %parallel_loop3A_131 : vector<1x16xf32> to vector<16xf32>
        %parallel_loop3A_133 = vector.shape_cast %parallel_loop3A_128 : vector<16xf32> to vector<1x16xf32>
        tpu.vector_store %arg11[%parallel_loop3A_129, %parallel_loop3A_130], %parallel_loop3A_133 {strides = array<i32>} : memref<80x128xf32, #tpu.memory_space<vmem>>, vector<1x16xf32>,
        %parallel_loop3A_134 = arith.index_cast %parallel_loop3A_105 : i32 to index
        %parallel_loop3A_135 = arith.constant 32 : index
        %parallel_loop3A_136 = tpu.vector_load %arg9[%parallel_loop3A_134, %parallel_loop3A_135] {strides = array<i32>} : memref<80x128xf32, #tpu.memory_space<vmem>>, vector<1x16xf32>,
        %parallel_loop3A_137 = vector.shape_cast %parallel_loop3A_136 : vector<1x16xf32> to vector<16xf32>
        %parallel_loop3A_138 = arith.index_cast %parallel_loop3A_105 : i32 to index
        %parallel_loop3A_139 = arith.constant 32 : index
        %parallel_loop3A_140 = tpu.vector_load %arg10[%parallel_loop3A_138, %parallel_loop3A_139] {strides = array<i32>} : memref<80x128xf32, #tpu.memory_space<vmem>>, vector<1x16xf32>,
        %parallel_loop3A_141 = vector.shape_cast %parallel_loop3A_140 : vector<1x16xf32> to vector<16xf32>
        %parallel_loop3A_142 = arith.addf %parallel_loop3A_137, %parallel_loop3A_141 : vector<16xf32>
        %parallel_loop3A_143 = arith.index_cast %parallel_loop3A_105 : i32 to index
        %parallel_loop3A_144 = arith.constant 32 : index
        %parallel_loop3A_145 = tpu.vector_load %arg11[%parallel_loop3A_143, %parallel_loop3A_144] {strides = array<i32>} : memref<80x128xf32, #tpu.memory_space<vmem>>, vector<1x16xf32>,
        %parallel_loop3A_146 = vector.shape_cast %parallel_loop3A_145 : vector<1x16xf32> to vector<16xf32>
        %parallel_loop3A_147 = vector.shape_cast %parallel_loop3A_142 : vector<16xf32> to vector<1x16xf32>
        tpu.vector_store %arg11[%parallel_loop3A_143, %parallel_loop3A_144], %parallel_loop3A_147 {strides = array<i32>} : memref<80x128xf32, #tpu.memory_space<vmem>>, vector<1x16xf32>,
        %parallel_loop3A_148 = arith.index_cast %parallel_loop3A_105 : i32 to index
        %parallel_loop3A_149 = arith.constant 48 : index
        %parallel_loop3A_150 = tpu.vector_load %arg9[%parallel_loop3A_148, %parallel_loop3A_149] {strides = array<i32>} : memref<80x128xf32, #tpu.memory_space<vmem>>, vector<1x16xf32>,
        %parallel_loop3A_151 = vector.shape_cast %parallel_loop3A_150 : vector<1x16xf32> to vector<16xf32>
        %parallel_loop3A_152 = arith.index_cast %parallel_loop3A_105 : i32 to index
        %parallel_loop3A_153 = arith.constant 48 : index
        %parallel_loop3A_154 = tpu.vector_load %arg10[%parallel_loop3A_152, %parallel_loop3A_153] {strides = array<i32>} : memref<80x128xf32, #tpu.memory_space<vmem>>, vector<1x16xf32>,
        %parallel_loop3A_155 = vector.shape_cast %parallel_loop3A_154 : vector<1x16xf32> to vector<16xf32>
        %parallel_loop3A_156 = arith.addf %parallel_loop3A_151, %parallel_loop3A_155 : vector<16xf32>
        %parallel_loop3A_157 = arith.index_cast %parallel_loop3A_105 : i32 to index
        %parallel_loop3A_158 = arith.constant 48 : index
        %parallel_loop3A_159 = tpu.vector_load %arg11[%parallel_loop3A_157, %parallel_loop3A_158] {strides = array<i32>} : memref<80x128xf32, #tpu.memory_space<vmem>>, vector<1x16xf32>,
        %parallel_loop3A_160 = vector.shape_cast %parallel_loop3A_159 : vector<1x16xf32> to vector<16xf32>
        %parallel_loop3A_161 = vector.shape_cast %parallel_loop3A_156 : vector<16xf32> to vector<1x16xf32>
        tpu.vector_store %arg11[%parallel_loop3A_157, %parallel_loop3A_158], %parallel_loop3A_161 {strides = array<i32>} : memref<80x128xf32, #tpu.memory_space<vmem>>, vector<1x16xf32>,
        %parallel_loop3A_162 = arith.index_cast %parallel_loop3A_105 : i32 to index
        %parallel_loop3A_163 = arith.constant 64 : index
        %parallel_loop3A_164 = tpu.vector_load %arg9[%parallel_loop3A_162, %parallel_loop3A_163] {strides = array<i32>} : memref<80x128xf32, #tpu.memory_space<vmem>>, vector<1x16xf32>,
        %parallel_loop3A_165 = vector.shape_cast %parallel_loop3A_164 : vector<1x16xf32> to vector<16xf32>
        %parallel_loop3A_166 = arith.index_cast %parallel_loop3A_105 : i32 to index
        %parallel_loop3A_167 = arith.constant 64 : index
        %parallel_loop3A_168 = tpu.vector_load %arg10[%parallel_loop3A_166, %parallel_loop3A_167] {strides = array<i32>} : memref<80x128xf32, #tpu.memory_space<vmem>>, vector<1x16xf32>,
        %parallel_loop3A_169 = vector.shape_cast %parallel_loop3A_168 : vector<1x16xf32> to vector<16xf32>
        %parallel_loop3A_170 = arith.addf %parallel_loop3A_165, %parallel_loop3A_169 : vector<16xf32>
        %parallel_loop3A_171 = arith.index_cast %parallel_loop3A_105 : i32 to index
        %parallel_loop3A_172 = arith.constant 64 : index
        %parallel_loop3A_173 = tpu.vector_load %arg11[%parallel_loop3A_171, %parallel_loop3A_172] {strides = array<i32>} : memref<80x128xf32, #tpu.memory_space<vmem>>, vector<1x16xf32>,
        %parallel_loop3A_174 = vector.shape_cast %parallel_loop3A_173 : vector<1x16xf32> to vector<16xf32>
        %parallel_loop3A_175 = vector.shape_cast %parallel_loop3A_170 : vector<16xf32> to vector<1x16xf32>
        tpu.vector_store %arg11[%parallel_loop3A_171, %parallel_loop3A_172], %parallel_loop3A_175 {strides = array<i32>} : memref<80x128xf32, #tpu.memory_space<vmem>>, vector<1x16xf32>,
        %parallel_loop3A_176 = arith.index_cast %parallel_loop3A_105 : i32 to index
        %parallel_loop3A_177 = arith.constant 80 : index
        %parallel_loop3A_178 = tpu.vector_load %arg9[%parallel_loop3A_176, %parallel_loop3A_177] {strides = array<i32>} : memref<80x128xf32, #tpu.memory_space<vmem>>, vector<1x16xf32>,
        %parallel_loop3A_179 = vector.shape_cast %parallel_loop3A_178 : vector<1x16xf32> to vector<16xf32>
        %parallel_loop3A_180 = arith.index_cast %parallel_loop3A_105 : i32 to index
        %parallel_loop3A_181 = arith.constant 80 : index
        %parallel_loop3A_182 = tpu.vector_load %arg10[%parallel_loop3A_180, %parallel_loop3A_181] {strides = array<i32>} : memref<80x128xf32, #tpu.memory_space<vmem>>, vector<1x16xf32>,
        %parallel_loop3A_183 = vector.shape_cast %parallel_loop3A_182 : vector<1x16xf32> to vector<16xf32>
        %parallel_loop3A_184 = arith.addf %parallel_loop3A_179, %parallel_loop3A_183 : vector<16xf32>
        %parallel_loop3A_185 = arith.index_cast %parallel_loop3A_105 : i32 to index
        %parallel_loop3A_186 = arith.constant 80 : index
        %parallel_loop3A_187 = tpu.vector_load %arg11[%parallel_loop3A_185, %parallel_loop3A_186] {strides = array<i32>} : memref<80x128xf32, #tpu.memory_space<vmem>>, vector<1x16xf32>,
        %parallel_loop3A_188 = vector.shape_cast %parallel_loop3A_187 : vector<1x16xf32> to vector<16xf32>
        %parallel_loop3A_189 = vector.shape_cast %parallel_loop3A_184 : vector<16xf32> to vector<1x16xf32>
        tpu.vector_store %arg11[%parallel_loop3A_185, %parallel_loop3A_186], %parallel_loop3A_189 {strides = array<i32>} : memref<80x128xf32, #tpu.memory_space<vmem>>, vector<1x16xf32>,
        %parallel_loop3A_190 = arith.index_cast %parallel_loop3A_105 : i32 to index
        %parallel_loop3A_191 = arith.constant 96 : index
        %parallel_loop3A_192 = tpu.vector_load %arg9[%parallel_loop3A_190, %parallel_loop3A_191] {strides = array<i32>} : memref<80x128xf32, #tpu.memory_space<vmem>>, vector<1x16xf32>,
        %parallel_loop3A_193 = vector.shape_cast %parallel_loop3A_192 : vector<1x16xf32> to vector<16xf32>
        %parallel_loop3A_194 = arith.index_cast %parallel_loop3A_105 : i32 to index
        %parallel_loop3A_195 = arith.constant 96 : index
        %parallel_loop3A_196 = tpu.vector_load %arg10[%parallel_loop3A_194, %parallel_loop3A_195] {strides = array<i32>} : memref<80x128xf32, #tpu.memory_space<vmem>>, vector<1x16xf32>,
        %parallel_loop3A_197 = vector.shape_cast %parallel_loop3A_196 : vector<1x16xf32> to vector<16xf32>
        %parallel_loop3A_198 = arith.addf %parallel_loop3A_193, %parallel_loop3A_197 : vector<16xf32>
        %parallel_loop3A_199 = arith.index_cast %parallel_loop3A_105 : i32 to index
        %parallel_loop3A_200 = arith.constant 96 : index
        %parallel_loop3A_201 = tpu.vector_load %arg11[%parallel_loop3A_199, %parallel_loop3A_200] {strides = array<i32>} : memref<80x128xf32, #tpu.memory_space<vmem>>, vector<1x16xf32>,
        %parallel_loop3A_202 = vector.shape_cast %parallel_loop3A_201 : vector<1x16xf32> to vector<16xf32>
        %parallel_loop3A_203 = vector.shape_cast %parallel_loop3A_198 : vector<16xf32> to vector<1x16xf32>
        tpu.vector_store %arg11[%parallel_loop3A_199, %parallel_loop3A_200], %parallel_loop3A_203 {strides = array<i32>} : memref<80x128xf32, #tpu.memory_space<vmem>>, vector<1x16xf32>,
        %parallel_loop3A_204 = arith.index_cast %parallel_loop3A_105 : i32 to index
        %parallel_loop3A_205 = arith.constant 112 : index
        %parallel_loop3A_206 = tpu.vector_load %arg9[%parallel_loop3A_204, %parallel_loop3A_205] {strides = array<i32>} : memref<80x128xf32, #tpu.memory_space<vmem>>, vector<1x16xf32>,
        %parallel_loop3A_207 = vector.shape_cast %parallel_loop3A_206 : vector<1x16xf32> to vector<16xf32>
        %parallel_loop3A_208 = arith.index_cast %parallel_loop3A_105 : i32 to index
        %parallel_loop3A_209 = arith.constant 112 : index
        %parallel_loop3A_210 = tpu.vector_load %arg10[%parallel_loop3A_208, %parallel_loop3A_209] {strides = array<i32>} : memref<80x128xf32, #tpu.memory_space<vmem>>, vector<1x16xf32>,
        %parallel_loop3A_211 = vector.shape_cast %parallel_loop3A_210 : vector<1x16xf32> to vector<16xf32>
        %parallel_loop3A_212 = arith.addf %parallel_loop3A_207, %parallel_loop3A_211 : vector<16xf32>
        %parallel_loop3A_213 = arith.index_cast %parallel_loop3A_105 : i32 to index
        %parallel_loop3A_214 = arith.constant 112 : index
        %parallel_loop3A_215 = tpu.vector_load %arg11[%parallel_loop3A_213, %parallel_loop3A_214] {strides = array<i32>} : memref<80x128xf32, #tpu.memory_space<vmem>>, vector<1x16xf32>,
        %parallel_loop3A_216 = vector.shape_cast %parallel_loop3A_215 : vector<1x16xf32> to vector<16xf32>
        %parallel_loop3A_217 = vector.shape_cast %parallel_loop3A_212 : vector<16xf32> to vector<1x16xf32>
        tpu.vector_store %arg11[%parallel_loop3A_213, %parallel_loop3A_214], %parallel_loop3A_217 {strides = array<i32>} : memref<80x128xf32, #tpu.memory_space<vmem>>, vector<1x16xf32>,
      } {sc.loop_unroll_factor = 1 : i64, sc.parallel_access}
      %mul3A_56 = arith.constant 80 : i32
      %mul3A_57 = arith.muli %add3A_41, %mul3A_56 : i32
      %add3A_58 = arith.addi %mul3A_2, %mul3A_57 : i32
      %dma_start3A_59 = arith.constant 0 : i32
      %dma_start3A_60 = tpu.memref_slice %arg6[%add3A_58, %dma_start3A_59] : memref<158720x128xf32, #tpu.memory_space<hbm>> -> memref<80x128xf32, #tpu.memory_space<hbm>>
      %dma_start3A_61 = arith.constant 0 : i32
      %dma_start3A_62 = tpu.memref_slice %arg6[%add3A_58, %dma_start3A_61] : memref<158720x128xf32, #tpu.memory_space<hbm>> -> memref<80x128xf32, #tpu.memory_space<hbm>>
      tpu.enqueue_dma source(%arg11 : memref<80x128xf32, #tpu.memory_space<vmem>>) target(%dma_start3A_62 : memref<80x128xf32, #tpu.memory_space<hbm>>) target_semaphore(%arg17 : memref<!tpu.dma_semaphore, #tpu.memory_space<semaphore_mem>>)
      %add3A_63 = arith.constant 2 : i32
      %add3A_64 = arith.addi %add3A_41, %add3A_63 : i32
      %lt3A = arith.constant 62 : i32
      %lt3A_65 = arith.cmpi slt, %add3A_64, %lt3A : i32
      %convert_element_type3A_66 = arith.extui %lt3A_65 : i1 to i32
      %cond3A_67 = arith.constant 0 : i32
      %cond3A_68 = arith.cmpi ne, %convert_element_type3A_66, %cond3A_67 : i32
      scf.if %cond3A_68 {
        %add3A_105 = arith.constant 2 : i32
        %add3A_106 = arith.addi %add3A_41, %add3A_105 : i32
        %mul3A_107 = arith.constant 80 : i32
        %mul3A_108 = arith.muli %add3A_106, %mul3A_107 : i32
        %dma_start3A_109 = tpu.memref_slice %arg7[%mul3A_108] : memref<4960xi32, #tpu.memory_space<vmem>> -> memref<80xi32, #tpu.memory_space<vmem>>
        %dma_start3A_110 = arith.constant 0 : i32
        %dma_start3A_111 = arith.constant 0 : i32
        %dma_start3A_112 = tpu.memref_slice %arg2[%dma_start3A_110, %dma_start3A_111] : memref<10000x128xf32, #tpu.memory_space<hbm>> -> memref<10000x128xf32, #tpu.memory_space<hbm>>
        tpu.enqueue_indirect_dma source(%dma_start3A_112 : memref<10000x128xf32, #tpu.memory_space<hbm>>) target(%arg9 : memref<80x128xf32, #tpu.memory_space<vmem>>) offsets(%dma_start3A_109 : memref<80xi32, #tpu.memory_space<vmem>>) semaphore(%arg15 : memref<!tpu.dma_semaphore, #tpu.memory_space<semaphore_mem>>)
        %dma_start3A_113 = tpu.memref_slice %arg8[%mul3A_108] : memref<4960xi32, #tpu.memory_space<vmem>> -> memref<80xi32, #tpu.memory_space<vmem>>
        %dma_start3A_114 = arith.constant 0 : i32
        %dma_start3A_115 = arith.constant 0 : i32
        %dma_start3A_116 = tpu.memref_slice %arg3[%dma_start3A_114, %dma_start3A_115] : memref<10000x128xf32, #tpu.memory_space<hbm>> -> memref<10000x128xf32, #tpu.memory_space<hbm>>
        tpu.enqueue_indirect_dma source(%dma_start3A_116 : memref<10000x128xf32, #tpu.memory_space<hbm>>) target(%arg10 : memref<80x128xf32, #tpu.memory_space<vmem>>) offsets(%dma_start3A_113 : memref<80xi32, #tpu.memory_space<vmem>>) semaphore(%arg15 : memref<!tpu.dma_semaphore, #tpu.memory_space<semaphore_mem>>)
      } else {
      }
      %mul3A_69 = arith.constant 2 : i32
      %mul3A_70 = arith.muli %mul3A_69, %add3A_37 : i32
      %add3A_71 = arith.constant 1 : i32
      %add3A_72 = arith.addi %mul3A_70, %add3A_71 : i32
      %dma_wait3A_73 = arith.constant 0 : i32
      %dma_wait3A_74 = tpu.memref_slice %arg7[%dma_wait3A_73] : memref<4960xi32, #tpu.memory_space<vmem>> -> memref<80xi32, #tpu.memory_space<vmem>>
      %dma_wait3A_75 = arith.constant 0 : i32
      %dma_wait3A_76 = arith.constant 0 : i32
      %dma_wait3A_77 = tpu.memref_slice %arg2[%dma_wait3A_75, %dma_wait3A_76] : memref<10000x128xf32, #tpu.memory_space<hbm>> -> memref<10000x128xf32, #tpu.memory_space<hbm>>
      tpu.wait_indirect_dma semaphore(%arg16 : memref<!tpu.dma_semaphore, #tpu.memory_space<semaphore_mem>>) src(%dma_wait3A_77 : memref<10000x128xf32, #tpu.memory_space<hbm>>) dst(%arg12 : memref<80x128xf32, #tpu.memory_space<vmem>>)
      %dma_wait3A_78 = arith.constant 0 : i32
      %dma_wait3A_79 = tpu.memref_slice %arg8[%dma_wait3A_78] : memref<4960xi32, #tpu.memory_space<vmem>> -> memref<80xi32, #tpu.memory_space<vmem>>
      %dma_wait3A_80 = arith.constant 0 : i32
      %dma_wait3A_81 = arith.constant 0 : i32
      %dma_wait3A_82 = tpu.memref_slice %arg3[%dma_wait3A_80, %dma_wait3A_81] : memref<10000x128xf32, #tpu.memory_space<hbm>> -> memref<10000x128xf32, #tpu.memory_space<hbm>>
      tpu.wait_indirect_dma semaphore(%arg16 : memref<!tpu.dma_semaphore, #tpu.memory_space<semaphore_mem>>) src(%dma_wait3A_82 : memref<10000x128xf32, #tpu.memory_space<hbm>>) dst(%arg13 : memref<80x128xf32, #tpu.memory_space<vmem>>)
      %gt3A_83 = arith.constant 0 : i32
      %gt3A_84 = arith.cmpi sgt, %add3A_37, %gt3A_83 : i32
      %convert_element_type3A_85 = arith.extui %gt3A_84 : i1 to i32
      %cond3A_86 = arith.constant 0 : i32
      %cond3A_87 = arith.cmpi ne, %convert_element_type3A_85, %cond3A_86 : i32
      scf.if %cond3A_87 {
        %dma_wait3A_105 = arith.constant 0 : i32
        %dma_wait3A_106 = tpu.memref_slice %arg6[%mul3A_2, %dma_wait3A_105] : memref<158720x128xf32, #tpu.memory_space<hbm>> -> memref<80x128xf32, #tpu.memory_space<hbm>>
        %dma_wait3A_107 = arith.constant 0 : i32
        %dma_wait3A_108 = tpu.memref_slice %arg6[%mul3A_2, %dma_wait3A_107] : memref<158720x128xf32, #tpu.memory_space<hbm>> -> memref<80x128xf32, #tpu.memory_space<hbm>>
        tpu.wait_dma2 semaphore(%arg18 : memref<!tpu.dma_semaphore, #tpu.memory_space<semaphore_mem>>) src(%arg14 : memref<80x128xf32, #tpu.memory_space<vmem>>) dst(%dma_wait3A_108 : memref<80x128xf32, #tpu.memory_space<hbm>>)
      } else {
      }
      %parallel_loop3A_88 = arith.constant 0 : i32
      %parallel_loop3A_89 = arith.constant 80 : i32
      %parallel_loop3A_90 = arith.constant 1 : i32
      scf.for %parallel_loop3A_105 = %parallel_loop3A_88 to %parallel_loop3A_89 step %parallel_loop3A_90  : i32 {
        %parallel_loop3A_106 = arith.index_cast %parallel_loop3A_105 : i32 to index
        %parallel_loop3A_107 = arith.constant 0 : index
        %parallel_loop3A_108 = tpu.vector_load %arg12[%parallel_loop3A_106, %parallel_loop3A_107] {strides = array<i32>} : memref<80x128xf32, #tpu.memory_space<vmem>>, vector<1x16xf32>,
        %parallel_loop3A_109 = vector.shape_cast %parallel_loop3A_108 : vector<1x16xf32> to vector<16xf32>
        %parallel_loop3A_110 = arith.index_cast %parallel_loop3A_105 : i32 to index
        %parallel_loop3A_111 = arith.constant 0 : index
        %parallel_loop3A_112 = tpu.vector_load %arg13[%parallel_loop3A_110, %parallel_loop3A_111] {strides = array<i32>} : memref<80x128xf32, #tpu.memory_space<vmem>>, vector<1x16xf32>,
        %parallel_loop3A_113 = vector.shape_cast %parallel_loop3A_112 : vector<1x16xf32> to vector<16xf32>
        %parallel_loop3A_114 = arith.addf %parallel_loop3A_109, %parallel_loop3A_113 : vector<16xf32>
        %parallel_loop3A_115 = arith.index_cast %parallel_loop3A_105 : i32 to index
        %parallel_loop3A_116 = arith.constant 0 : index
        %parallel_loop3A_117 = tpu.vector_load %arg14[%parallel_loop3A_115, %parallel_loop3A_116] {strides = array<i32>} : memref<80x128xf32, #tpu.memory_space<vmem>>, vector<1x16xf32>,
        %parallel_loop3A_118 = vector.shape_cast %parallel_loop3A_117 : vector<1x16xf32> to vector<16xf32>
        %parallel_loop3A_119 = vector.shape_cast %parallel_loop3A_114 : vector<16xf32> to vector<1x16xf32>
        tpu.vector_store %arg14[%parallel_loop3A_115, %parallel_loop3A_116], %parallel_loop3A_119 {strides = array<i32>} : memref<80x128xf32, #tpu.memory_space<vmem>>, vector<1x16xf32>,
        %parallel_loop3A_120 = arith.index_cast %parallel_loop3A_105 : i32 to index
        %parallel_loop3A_121 = arith.constant 16 : index
        %parallel_loop3A_122 = tpu.vector_load %arg12[%parallel_loop3A_120, %parallel_loop3A_121] {strides = array<i32>} : memref<80x128xf32, #tpu.memory_space<vmem>>, vector<1x16xf32>,
        %parallel_loop3A_123 = vector.shape_cast %parallel_loop3A_122 : vector<1x16xf32> to vector<16xf32>
        %parallel_loop3A_124 = arith.index_cast %parallel_loop3A_105 : i32 to index
        %parallel_loop3A_125 = arith.constant 16 : index
        %parallel_loop3A_126 = tpu.vector_load %arg13[%parallel_loop3A_124, %parallel_loop3A_125] {strides = array<i32>} : memref<80x128xf32, #tpu.memory_space<vmem>>, vector<1x16xf32>,
        %parallel_loop3A_127 = vector.shape_cast %parallel_loop3A_126 : vector<1x16xf32> to vector<16xf32>
        %parallel_loop3A_128 = arith.addf %parallel_loop3A_123, %parallel_loop3A_127 : vector<16xf32>
        %parallel_loop3A_129 = arith.index_cast %parallel_loop3A_105 : i32 to index
        %parallel_loop3A_130 = arith.constant 16 : index
        %parallel_loop3A_131 = tpu.vector_load %arg14[%parallel_loop3A_129, %parallel_loop3A_130] {strides = array<i32>} : memref<80x128xf32, #tpu.memory_space<vmem>>, vector<1x16xf32>,
        %parallel_loop3A_132 = vector.shape_cast %parallel_loop3A_131 : vector<1x16xf32> to vector<16xf32>
        %parallel_loop3A_133 = vector.shape_cast %parallel_loop3A_128 : vector<16xf32> to vector<1x16xf32>
        tpu.vector_store %arg14[%parallel_loop3A_129, %parallel_loop3A_130], %parallel_loop3A_133 {strides = array<i32>} : memref<80x128xf32, #tpu.memory_space<vmem>>, vector<1x16xf32>,
        %parallel_loop3A_134 = arith.index_cast %parallel_loop3A_105 : i32 to index
        %parallel_loop3A_135 = arith.constant 32 : index
        %parallel_loop3A_136 = tpu.vector_load %arg12[%parallel_loop3A_134, %parallel_loop3A_135] {strides = array<i32>} : memref<80x128xf32, #tpu.memory_space<vmem>>, vector<1x16xf32>,
        %parallel_loop3A_137 = vector.shape_cast %parallel_loop3A_136 : vector<1x16xf32> to vector<16xf32>
        %parallel_loop3A_138 = arith.index_cast %parallel_loop3A_105 : i32 to index
        %parallel_loop3A_139 = arith.constant 32 : index
        %parallel_loop3A_140 = tpu.vector_load %arg13[%parallel_loop3A_138, %parallel_loop3A_139] {strides = array<i32>} : memref<80x128xf32, #tpu.memory_space<vmem>>, vector<1x16xf32>,
        %parallel_loop3A_141 = vector.shape_cast %parallel_loop3A_140 : vector<1x16xf32> to vector<16xf32>
        %parallel_loop3A_142 = arith.addf %parallel_loop3A_137, %parallel_loop3A_141 : vector<16xf32>
        %parallel_loop3A_143 = arith.index_cast %parallel_loop3A_105 : i32 to index
        %parallel_loop3A_144 = arith.constant 32 : index
        %parallel_loop3A_145 = tpu.vector_load %arg14[%parallel_loop3A_143, %parallel_loop3A_144] {strides = array<i32>} : memref<80x128xf32, #tpu.memory_space<vmem>>, vector<1x16xf32>,
        %parallel_loop3A_146 = vector.shape_cast %parallel_loop3A_145 : vector<1x16xf32> to vector<16xf32>
        %parallel_loop3A_147 = vector.shape_cast %parallel_loop3A_142 : vector<16xf32> to vector<1x16xf32>
        tpu.vector_store %arg14[%parallel_loop3A_143, %parallel_loop3A_144], %parallel_loop3A_147 {strides = array<i32>} : memref<80x128xf32, #tpu.memory_space<vmem>>, vector<1x16xf32>,
        %parallel_loop3A_148 = arith.index_cast %parallel_loop3A_105 : i32 to index
        %parallel_loop3A_149 = arith.constant 48 : index
        %parallel_loop3A_150 = tpu.vector_load %arg12[%parallel_loop3A_148, %parallel_loop3A_149] {strides = array<i32>} : memref<80x128xf32, #tpu.memory_space<vmem>>, vector<1x16xf32>,
        %parallel_loop3A_151 = vector.shape_cast %parallel_loop3A_150 : vector<1x16xf32> to vector<16xf32>
        %parallel_loop3A_152 = arith.index_cast %parallel_loop3A_105 : i32 to index
        %parallel_loop3A_153 = arith.constant 48 : index
        %parallel_loop3A_154 = tpu.vector_load %arg13[%parallel_loop3A_152, %parallel_loop3A_153] {strides = array<i32>} : memref<80x128xf32, #tpu.memory_space<vmem>>, vector<1x16xf32>,
        %parallel_loop3A_155 = vector.shape_cast %parallel_loop3A_154 : vector<1x16xf32> to vector<16xf32>
        %parallel_loop3A_156 = arith.addf %parallel_loop3A_151, %parallel_loop3A_155 : vector<16xf32>
        %parallel_loop3A_157 = arith.index_cast %parallel_loop3A_105 : i32 to index
        %parallel_loop3A_158 = arith.constant 48 : index
        %parallel_loop3A_159 = tpu.vector_load %arg14[%parallel_loop3A_157, %parallel_loop3A_158] {strides = array<i32>} : memref<80x128xf32, #tpu.memory_space<vmem>>, vector<1x16xf32>,
        %parallel_loop3A_160 = vector.shape_cast %parallel_loop3A_159 : vector<1x16xf32> to vector<16xf32>
        %parallel_loop3A_161 = vector.shape_cast %parallel_loop3A_156 : vector<16xf32> to vector<1x16xf32>
        tpu.vector_store %arg14[%parallel_loop3A_157, %parallel_loop3A_158], %parallel_loop3A_161 {strides = array<i32>} : memref<80x128xf32, #tpu.memory_space<vmem>>, vector<1x16xf32>,
        %parallel_loop3A_162 = arith.index_cast %parallel_loop3A_105 : i32 to index
        %parallel_loop3A_163 = arith.constant 64 : index
        %parallel_loop3A_164 = tpu.vector_load %arg12[%parallel_loop3A_162, %parallel_loop3A_163] {strides = array<i32>} : memref<80x128xf32, #tpu.memory_space<vmem>>, vector<1x16xf32>,
        %parallel_loop3A_165 = vector.shape_cast %parallel_loop3A_164 : vector<1x16xf32> to vector<16xf32>
        %parallel_loop3A_166 = arith.index_cast %parallel_loop3A_105 : i32 to index
        %parallel_loop3A_167 = arith.constant 64 : index
        %parallel_loop3A_168 = tpu.vector_load %arg13[%parallel_loop3A_166, %parallel_loop3A_167] {strides = array<i32>} : memref<80x128xf32, #tpu.memory_space<vmem>>, vector<1x16xf32>,
        %parallel_loop3A_169 = vector.shape_cast %parallel_loop3A_168 : vector<1x16xf32> to vector<16xf32>
        %parallel_loop3A_170 = arith.addf %parallel_loop3A_165, %parallel_loop3A_169 : vector<16xf32>
        %parallel_loop3A_171 = arith.index_cast %parallel_loop3A_105 : i32 to index
        %parallel_loop3A_172 = arith.constant 64 : index
        %parallel_loop3A_173 = tpu.vector_load %arg14[%parallel_loop3A_171, %parallel_loop3A_172] {strides = array<i32>} : memref<80x128xf32, #tpu.memory_space<vmem>>, vector<1x16xf32>,
        %parallel_loop3A_174 = vector.shape_cast %parallel_loop3A_173 : vector<1x16xf32> to vector<16xf32>
        %parallel_loop3A_175 = vector.shape_cast %parallel_loop3A_170 : vector<16xf32> to vector<1x16xf32>
        tpu.vector_store %arg14[%parallel_loop3A_171, %parallel_loop3A_172], %parallel_loop3A_175 {strides = array<i32>} : memref<80x128xf32, #tpu.memory_space<vmem>>, vector<1x16xf32>,
        %parallel_loop3A_176 = arith.index_cast %parallel_loop3A_105 : i32 to index
        %parallel_loop3A_177 = arith.constant 80 : index
        %parallel_loop3A_178 = tpu.vector_load %arg12[%parallel_loop3A_176, %parallel_loop3A_177] {strides = array<i32>} : memref<80x128xf32, #tpu.memory_space<vmem>>, vector<1x16xf32>,
        %parallel_loop3A_179 = vector.shape_cast %parallel_loop3A_178 : vector<1x16xf32> to vector<16xf32>
        %parallel_loop3A_180 = arith.index_cast %parallel_loop3A_105 : i32 to index
        %parallel_loop3A_181 = arith.constant 80 : index
        %parallel_loop3A_182 = tpu.vector_load %arg13[%parallel_loop3A_180, %parallel_loop3A_181] {strides = array<i32>} : memref<80x128xf32, #tpu.memory_space<vmem>>, vector<1x16xf32>,
        %parallel_loop3A_183 = vector.shape_cast %parallel_loop3A_182 : vector<1x16xf32> to vector<16xf32>
        %parallel_loop3A_184 = arith.addf %parallel_loop3A_179, %parallel_loop3A_183 : vector<16xf32>
        %parallel_loop3A_185 = arith.index_cast %parallel_loop3A_105 : i32 to index
        %parallel_loop3A_186 = arith.constant 80 : index
        %parallel_loop3A_187 = tpu.vector_load %arg14[%parallel_loop3A_185, %parallel_loop3A_186] {strides = array<i32>} : memref<80x128xf32, #tpu.memory_space<vmem>>, vector<1x16xf32>,
        %parallel_loop3A_188 = vector.shape_cast %parallel_loop3A_187 : vector<1x16xf32> to vector<16xf32>
        %parallel_loop3A_189 = vector.shape_cast %parallel_loop3A_184 : vector<16xf32> to vector<1x16xf32>
        tpu.vector_store %arg14[%parallel_loop3A_185, %parallel_loop3A_186], %parallel_loop3A_189 {strides = array<i32>} : memref<80x128xf32, #tpu.memory_space<vmem>>, vector<1x16xf32>,
        %parallel_loop3A_190 = arith.index_cast %parallel_loop3A_105 : i32 to index
        %parallel_loop3A_191 = arith.constant 96 : index
        %parallel_loop3A_192 = tpu.vector_load %arg12[%parallel_loop3A_190, %parallel_loop3A_191] {strides = array<i32>} : memref<80x128xf32, #tpu.memory_space<vmem>>, vector<1x16xf32>,
        %parallel_loop3A_193 = vector.shape_cast %parallel_loop3A_192 : vector<1x16xf32> to vector<16xf32>
        %parallel_loop3A_194 = arith.index_cast %parallel_loop3A_105 : i32 to index
        %parallel_loop3A_195 = arith.constant 96 : index
        %parallel_loop3A_196 = tpu.vector_load %arg13[%parallel_loop3A_194, %parallel_loop3A_195] {strides = array<i32>} : memref<80x128xf32, #tpu.memory_space<vmem>>, vector<1x16xf32>,
        %parallel_loop3A_197 = vector.shape_cast %parallel_loop3A_196 : vector<1x16xf32> to vector<16xf32>
        %parallel_loop3A_198 = arith.addf %parallel_loop3A_193, %parallel_loop3A_197 : vector<16xf32>
        %parallel_loop3A_199 = arith.index_cast %parallel_loop3A_105 : i32 to index
        %parallel_loop3A_200 = arith.constant 96 : index
        %parallel_loop3A_201 = tpu.vector_load %arg14[%parallel_loop3A_199, %parallel_loop3A_200] {strides = array<i32>} : memref<80x128xf32, #tpu.memory_space<vmem>>, vector<1x16xf32>,
        %parallel_loop3A_202 = vector.shape_cast %parallel_loop3A_201 : vector<1x16xf32> to vector<16xf32>
        %parallel_loop3A_203 = vector.shape_cast %parallel_loop3A_198 : vector<16xf32> to vector<1x16xf32>
        tpu.vector_store %arg14[%parallel_loop3A_199, %parallel_loop3A_200], %parallel_loop3A_203 {strides = array<i32>} : memref<80x128xf32, #tpu.memory_space<vmem>>, vector<1x16xf32>,
        %parallel_loop3A_204 = arith.index_cast %parallel_loop3A_105 : i32 to index
        %parallel_loop3A_205 = arith.constant 112 : index
        %parallel_loop3A_206 = tpu.vector_load %arg12[%parallel_loop3A_204, %parallel_loop3A_205] {strides = array<i32>} : memref<80x128xf32, #tpu.memory_space<vmem>>, vector<1x16xf32>,
        %parallel_loop3A_207 = vector.shape_cast %parallel_loop3A_206 : vector<1x16xf32> to vector<16xf32>
        %parallel_loop3A_208 = arith.index_cast %parallel_loop3A_105 : i32 to index
        %parallel_loop3A_209 = arith.constant 112 : index
        %parallel_loop3A_210 = tpu.vector_load %arg13[%parallel_loop3A_208, %parallel_loop3A_209] {strides = array<i32>} : memref<80x128xf32, #tpu.memory_space<vmem>>, vector<1x16xf32>,
        %parallel_loop3A_211 = vector.shape_cast %parallel_loop3A_210 : vector<1x16xf32> to vector<16xf32>
        %parallel_loop3A_212 = arith.addf %parallel_loop3A_207, %parallel_loop3A_211 : vector<16xf32>
        %parallel_loop3A_213 = arith.index_cast %parallel_loop3A_105 : i32 to index
        %parallel_loop3A_214 = arith.constant 112 : index
        %parallel_loop3A_215 = tpu.vector_load %arg14[%parallel_loop3A_213, %parallel_loop3A_214] {strides = array<i32>} : memref<80x128xf32, #tpu.memory_space<vmem>>, vector<1x16xf32>,
        %parallel_loop3A_216 = vector.shape_cast %parallel_loop3A_215 : vector<1x16xf32> to vector<16xf32>
        %parallel_loop3A_217 = vector.shape_cast %parallel_loop3A_212 : vector<16xf32> to vector<1x16xf32>
        tpu.vector_store %arg14[%parallel_loop3A_213, %parallel_loop3A_214], %parallel_loop3A_217 {strides = array<i32>} : memref<80x128xf32, #tpu.memory_space<vmem>>, vector<1x16xf32>,
      } {sc.loop_unroll_factor = 1 : i64, sc.parallel_access}
      %mul3A_91 = arith.constant 80 : i32
      %mul3A_92 = arith.muli %add3A_72, %mul3A_91 : i32
      %add3A_93 = arith.addi %mul3A_2, %mul3A_92 : i32
      %dma_start3A_94 = arith.constant 0 : i32
      %dma_start3A_95 = tpu.memref_slice %arg6[%add3A_93, %dma_start3A_94] : memref<158720x128xf32, #tpu.memory_space<hbm>> -> memref<80x128xf32, #tpu.memory_space<hbm>>
      %dma_start3A_96 = arith.constant 0 : i32
      %dma_start3A_97 = tpu.memref_slice %arg6[%add3A_93, %dma_start3A_96] : memref<158720x128xf32, #tpu.memory_space<hbm>> -> memref<80x128xf32, #tpu.memory_space<hbm>>
      tpu.enqueue_dma source(%arg14 : memref<80x128xf32, #tpu.memory_space<vmem>>) target(%dma_start3A_97 : memref<80x128xf32, #tpu.memory_space<hbm>>) target_semaphore(%arg18 : memref<!tpu.dma_semaphore, #tpu.memory_space<semaphore_mem>>)
      %add3A_98 = arith.constant 2 : i32
      %add3A_99 = arith.addi %add3A_72, %add3A_98 : i32
      %lt3A_100 = arith.constant 62 : i32
      %lt3A_101 = arith.cmpi slt, %add3A_99, %lt3A_100 : i32
      %convert_element_type3A_102 = arith.extui %lt3A_101 : i1 to i32
      %cond3A_103 = arith.constant 0 : i32
      %cond3A_104 = arith.cmpi ne, %convert_element_type3A_102, %cond3A_103 : i32
      scf.if %cond3A_104 {
        %add3A_105 = arith.constant 2 : i32
        %add3A_106 = arith.addi %add3A_72, %add3A_105 : i32
        %mul3A_107 = arith.constant 80 : i32
        %mul3A_108 = arith.muli %add3A_106, %mul3A_107 : i32
        %dma_start3A_109 = tpu.memref_slice %arg7[%mul3A_108] : memref<4960xi32, #tpu.memory_space<vmem>> -> memref<80xi32, #tpu.memory_space<vmem>>
        %dma_start3A_110 = arith.constant 0 : i32
        %dma_start3A_111 = arith.constant 0 : i32
        %dma_start3A_112 = tpu.memref_slice %arg2[%dma_start3A_110, %dma_start3A_111] : memref<10000x128xf32, #tpu.memory_space<hbm>> -> memref<10000x128xf32, #tpu.memory_space<hbm>>
        tpu.enqueue_indirect_dma source(%dma_start3A_112 : memref<10000x128xf32, #tpu.memory_space<hbm>>) target(%arg12 : memref<80x128xf32, #tpu.memory_space<vmem>>) offsets(%dma_start3A_109 : memref<80xi32, #tpu.memory_space<vmem>>) semaphore(%arg16 : memref<!tpu.dma_semaphore, #tpu.memory_space<semaphore_mem>>)
        %dma_start3A_113 = tpu.memref_slice %arg8[%mul3A_108] : memref<4960xi32, #tpu.memory_space<vmem>> -> memref<80xi32, #tpu.memory_space<vmem>>
        %dma_start3A_114 = arith.constant 0 : i32
        %dma_start3A_115 = arith.constant 0 : i32
        %dma_start3A_116 = tpu.memref_slice %arg3[%dma_start3A_114, %dma_start3A_115] : memref<10000x128xf32, #tpu.memory_space<hbm>> -> memref<10000x128xf32, #tpu.memory_space<hbm>>
        tpu.enqueue_indirect_dma source(%dma_start3A_116 : memref<10000x128xf32, #tpu.memory_space<hbm>>) target(%arg13 : memref<80x128xf32, #tpu.memory_space<vmem>>) offsets(%dma_start3A_113 : memref<80xi32, #tpu.memory_space<vmem>>) semaphore(%arg16 : memref<!tpu.dma_semaphore, #tpu.memory_space<semaphore_mem>>)
      } else {
      }
    }
    %scan3A_25 = arith.constant 31 : i32
    %dma_wait3A = arith.constant 0 : i32
    %dma_wait3A_26 = tpu.memref_slice %arg6[%mul3A_2, %dma_wait3A] : memref<158720x128xf32, #tpu.memory_space<hbm>> -> memref<80x128xf32, #tpu.memory_space<hbm>>
    %dma_wait3A_27 = arith.constant 0 : i32
    %dma_wait3A_28 = tpu.memref_slice %arg6[%mul3A_2, %dma_wait3A_27] : memref<158720x128xf32, #tpu.memory_space<hbm>> -> memref<80x128xf32, #tpu.memory_space<hbm>>
    tpu.wait_dma2 semaphore(%arg17 : memref<!tpu.dma_semaphore, #tpu.memory_space<semaphore_mem>>) src(%arg11 : memref<80x128xf32, #tpu.memory_space<vmem>>) dst(%dma_wait3A_28 : memref<80x128xf32, #tpu.memory_space<hbm>>)
    %dma_wait3A_29 = arith.constant 0 : i32
    %dma_wait3A_30 = tpu.memref_slice %arg6[%mul3A_2, %dma_wait3A_29] : memref<158720x128xf32, #tpu.memory_space<hbm>> -> memref<80x128xf32, #tpu.memory_space<hbm>>
    %dma_wait3A_31 = arith.constant 0 : i32
    %dma_wait3A_32 = tpu.memref_slice %arg6[%mul3A_2, %dma_wait3A_31] : memref<158720x128xf32, #tpu.memory_space<hbm>> -> memref<80x128xf32, #tpu.memory_space<hbm>>
    tpu.wait_dma2 semaphore(%arg18 : memref<!tpu.dma_semaphore, #tpu.memory_space<semaphore_mem>>) src(%arg14 : memref<80x128xf32, #tpu.memory_space<vmem>>) dst(%dma_wait3A_32 : memref<80x128xf32, #tpu.memory_space<hbm>>)
    return
  }
}

#map = affine_map<(d0, d1) -> (0, 0)>
#map1 = affine_map<(d0, d1) -> (0)>
module attributes {stable_mosaic.version = 14 : i64} {
  func.func @_gather_add_body(%arg0: i32, %arg1: i32, %arg2: memref<10000x128xf32, #tpu.memory_space<hbm>>, %arg3: memref<10000x128xf32, #tpu.memory_space<hbm>>, %arg4: memref<161280xi32, #tpu.memory_space<hbm>>, %arg5: memref<161280xi32, #tpu.memory_space<hbm>>, %arg6: memref<161280x128xf32, #tpu.memory_space<hbm>>, %arg7: memref<5040xi32, #tpu.memory_space<vmem>>, %arg8: memref<5040xi32, #tpu.memory_space<vmem>>, %arg9: memref<80x128xf32, #tpu.memory_space<vmem>>, %arg10: memref<80x128xf32, #tpu.memory_space<vmem>>, %arg11: memref<80x128xf32, #tpu.memory_space<vmem>>, %arg12: memref<80x128xf32, #tpu.memory_space<vmem>>, %arg13: memref<80x128xf32, #tpu.memory_space<vmem>>, %arg14: memref<80x128xf32, #tpu.memory_space<vmem>>, %arg15: memref<!tpu.dma_semaphore, #tpu.memory_space<semaphore_mem>>, %arg16: memref<!tpu.dma_semaphore, #tpu.memory_space<semaphore_mem>>, %arg17: memref<!tpu.dma_semaphore, #tpu.memory_space<semaphore_mem>>, %arg18: memref<!tpu.dma_semaphore, #tpu.memory_space<semaphore_mem>>) attributes {dimension_semantics = [#tpu.dimension_semantics<core_parallel>, #tpu.dimension_semantics<subcore_parallel>], iteration_bounds = array<i64: 2, 16>, scalar_prefetch = 0 : i64, scratch_operands = 12 : i64, tpu.core_type = #tpu.core_type<sc_vector_subcore>, window_params = [{transform_indices = #map}, {transform_indices = #map}, {transform_indices = #map1}, {transform_indices = #map1}, {transform_indices = #map}]} {
    %mul3A = arith.constant 2 : i32
    %mul3A_0 = arith.muli %arg1, %mul3A : i32
    %add3A = arith.addi %mul3A_0, %arg0 : i32
    %mul3A_1 = arith.constant 5040 : i32
    %mul3A_2 = arith.muli %add3A, %mul3A_1 : i32
    "tpu.region"() ({
      %run_scoped3A = tpu.sem_alloc : memref<!tpu.dma_semaphore, #tpu.memory_space<semaphore_mem>>
      %dma_start3A_55 = tpu.memref_slice %arg4[%mul3A_2] : memref<161280xi32, #tpu.memory_space<hbm>> -> memref<5040xi32, #tpu.memory_space<hbm>>
      %dma_start3A_56 = tpu.memref_slice %arg4[%mul3A_2] : memref<161280xi32, #tpu.memory_space<hbm>> -> memref<5040xi32, #tpu.memory_space<hbm>>
      tpu.enqueue_dma source(%dma_start3A_56 : memref<5040xi32, #tpu.memory_space<hbm>>) target(%arg7 : memref<5040xi32, #tpu.memory_space<vmem>>) target_semaphore(%run_scoped3A : memref<!tpu.dma_semaphore, #tpu.memory_space<semaphore_mem>>)
      %dma_wait3A_57 = tpu.memref_slice %arg4[%mul3A_2] : memref<161280xi32, #tpu.memory_space<hbm>> -> memref<5040xi32, #tpu.memory_space<hbm>>
      %dma_wait3A_58 = tpu.memref_slice %arg4[%mul3A_2] : memref<161280xi32, #tpu.memory_space<hbm>> -> memref<5040xi32, #tpu.memory_space<hbm>>
      tpu.wait_dma2 semaphore(%run_scoped3A : memref<!tpu.dma_semaphore, #tpu.memory_space<semaphore_mem>>) src(%dma_wait3A_58 : memref<5040xi32, #tpu.memory_space<hbm>>) dst(%arg7 : memref<5040xi32, #tpu.memory_space<vmem>>)
      tpu.yield
    }) : () -> ()
    "tpu.region"() ({
      %run_scoped3A = tpu.sem_alloc : memref<!tpu.dma_semaphore, #tpu.memory_space<semaphore_mem>>
      %dma_start3A_55 = tpu.memref_slice %arg5[%mul3A_2] : memref<161280xi32, #tpu.memory_space<hbm>> -> memref<5040xi32, #tpu.memory_space<hbm>>
      %dma_start3A_56 = tpu.memref_slice %arg5[%mul3A_2] : memref<161280xi32, #tpu.memory_space<hbm>> -> memref<5040xi32, #tpu.memory_space<hbm>>
      tpu.enqueue_dma source(%dma_start3A_56 : memref<5040xi32, #tpu.memory_space<hbm>>) target(%arg8 : memref<5040xi32, #tpu.memory_space<vmem>>) target_semaphore(%run_scoped3A : memref<!tpu.dma_semaphore, #tpu.memory_space<semaphore_mem>>)
      %dma_wait3A_57 = tpu.memref_slice %arg5[%mul3A_2] : memref<161280xi32, #tpu.memory_space<hbm>> -> memref<5040xi32, #tpu.memory_space<hbm>>
      %dma_wait3A_58 = tpu.memref_slice %arg5[%mul3A_2] : memref<161280xi32, #tpu.memory_space<hbm>> -> memref<5040xi32, #tpu.memory_space<hbm>>
      tpu.wait_dma2 semaphore(%run_scoped3A : memref<!tpu.dma_semaphore, #tpu.memory_space<semaphore_mem>>) src(%dma_wait3A_58 : memref<5040xi32, #tpu.memory_space<hbm>>) dst(%arg8 : memref<5040xi32, #tpu.memory_space<vmem>>)
      tpu.yield
    }) : () -> ()
    %dma_start3A = arith.constant 0 : i32
    %dma_start3A_3 = tpu.memref_slice %arg7[%dma_start3A] : memref<5040xi32, #tpu.memory_space<vmem>> -> memref<80xi32, #tpu.memory_space<vmem>>
    %dma_start3A_4 = arith.constant 0 : i32
    %dma_start3A_5 = arith.constant 0 : i32
    %dma_start3A_6 = tpu.memref_slice %arg2[%dma_start3A_4, %dma_start3A_5] : memref<10000x128xf32, #tpu.memory_space<hbm>> -> memref<10000x128xf32, #tpu.memory_space<hbm>>
    tpu.enqueue_indirect_dma source(%dma_start3A_6 : memref<10000x128xf32, #tpu.memory_space<hbm>>) target(%arg9 : memref<80x128xf32, #tpu.memory_space<vmem>>) offsets(%dma_start3A_3 : memref<80xi32, #tpu.memory_space<vmem>>) semaphore(%arg15 : memref<!tpu.dma_semaphore, #tpu.memory_space<semaphore_mem>>)
    %dma_start3A_7 = arith.constant 0 : i32
    %dma_start3A_8 = tpu.memref_slice %arg8[%dma_start3A_7] : memref<5040xi32, #tpu.memory_space<vmem>> -> memref<80xi32, #tpu.memory_space<vmem>>
    %dma_start3A_9 = arith.constant 0 : i32
    %dma_start3A_10 = arith.constant 0 : i32
    %dma_start3A_11 = tpu.memref_slice %arg3[%dma_start3A_9, %dma_start3A_10] : memref<10000x128xf32, #tpu.memory_space<hbm>> -> memref<10000x128xf32, #tpu.memory_space<hbm>>
    tpu.enqueue_indirect_dma source(%dma_start3A_11 : memref<10000x128xf32, #tpu.memory_space<hbm>>) target(%arg10 : memref<80x128xf32, #tpu.memory_space<vmem>>) offsets(%dma_start3A_8 : memref<80xi32, #tpu.memory_space<vmem>>) semaphore(%arg15 : memref<!tpu.dma_semaphore, #tpu.memory_space<semaphore_mem>>)
    %dma_start3A_12 = arith.constant 80 : i32
    %dma_start3A_13 = tpu.memref_slice %arg7[%dma_start3A_12] : memref<5040xi32, #tpu.memory_space<vmem>> -> memref<80xi32, #tpu.memory_space<vmem>>
    %dma_start3A_14 = arith.constant 0 : i32
    %dma_start3A_15 = arith.constant 0 : i32
    %dma_start3A_16 = tpu.memref_slice %arg2[%dma_start3A_14, %dma_start3A_15] : memref<10000x128xf32, #tpu.memory_space<hbm>> -> memref<10000x128xf32, #tpu.memory_space<hbm>>
    tpu.enqueue_indirect_dma source(%dma_start3A_16 : memref<10000x128xf32, #tpu.memory_space<hbm>>) target(%arg12 : memref<80x128xf32, #tpu.memory_space<vmem>>) offsets(%dma_start3A_13 : memref<80xi32, #tpu.memory_space<vmem>>) semaphore(%arg16 : memref<!tpu.dma_semaphore, #tpu.memory_space<semaphore_mem>>)
    %dma_start3A_17 = arith.constant 80 : i32
    %dma_start3A_18 = tpu.memref_slice %arg8[%dma_start3A_17] : memref<5040xi32, #tpu.memory_space<vmem>> -> memref<80xi32, #tpu.memory_space<vmem>>
    %dma_start3A_19 = arith.constant 0 : i32
    %dma_start3A_20 = arith.constant 0 : i32
    %dma_start3A_21 = tpu.memref_slice %arg3[%dma_start3A_19, %dma_start3A_20] : memref<10000x128xf32, #tpu.memory_space<hbm>> -> memref<10000x128xf32, #tpu.memory_space<hbm>>
    tpu.enqueue_indirect_dma source(%dma_start3A_21 : memref<10000x128xf32, #tpu.memory_space<hbm>>) target(%arg13 : memref<80x128xf32, #tpu.memory_space<vmem>>) offsets(%dma_start3A_18 : memref<80xi32, #tpu.memory_space<vmem>>) semaphore(%arg16 : memref<!tpu.dma_semaphore, #tpu.memory_space<semaphore_mem>>)
    %scan3A = arith.constant 0 : i32
    %scan3A_22 = arith.constant 31 : i32
    %scan3A_23 = arith.addi %scan3A, %scan3A_22 : i32
    %scan3A_24 = arith.constant 1 : i32
    scf.for %scan3A_55 = %scan3A to %scan3A_23 step %scan3A_24  : i32 {
      %mul3A_56 = arith.constant 1 : i32
      %mul3A_57 = arith.muli %scan3A_55, %mul3A_56 : i32
      %add3A_58 = arith.constant 0 : i32
      %add3A_59 = arith.addi %add3A_58, %mul3A_57 : i32
      %mul3A_60 = arith.constant 2 : i32
      %mul3A_61 = arith.muli %mul3A_60, %add3A_59 : i32
      %add3A_62 = arith.constant 0 : i32
      %add3A_63 = arith.addi %mul3A_61, %add3A_62 : i32
      %dma_wait3A_64 = arith.constant 0 : i32
      %dma_wait3A_65 = tpu.memref_slice %arg7[%dma_wait3A_64] : memref<5040xi32, #tpu.memory_space<vmem>> -> memref<80xi32, #tpu.memory_space<vmem>>
      %dma_wait3A_66 = arith.constant 0 : i32
      %dma_wait3A_67 = arith.constant 0 : i32
      %dma_wait3A_68 = tpu.memref_slice %arg2[%dma_wait3A_66, %dma_wait3A_67] : memref<10000x128xf32, #tpu.memory_space<hbm>> -> memref<10000x128xf32, #tpu.memory_space<hbm>>
      tpu.wait_indirect_dma semaphore(%arg15 : memref<!tpu.dma_semaphore, #tpu.memory_space<semaphore_mem>>) src(%dma_wait3A_68 : memref<10000x128xf32, #tpu.memory_space<hbm>>) dst(%arg9 : memref<80x128xf32, #tpu.memory_space<vmem>>)
      %dma_wait3A_69 = arith.constant 0 : i32
      %dma_wait3A_70 = tpu.memref_slice %arg8[%dma_wait3A_69] : memref<5040xi32, #tpu.memory_space<vmem>> -> memref<80xi32, #tpu.memory_space<vmem>>
      %dma_wait3A_71 = arith.constant 0 : i32
      %dma_wait3A_72 = arith.constant 0 : i32
      %dma_wait3A_73 = tpu.memref_slice %arg3[%dma_wait3A_71, %dma_wait3A_72] : memref<10000x128xf32, #tpu.memory_space<hbm>> -> memref<10000x128xf32, #tpu.memory_space<hbm>>
      tpu.wait_indirect_dma semaphore(%arg15 : memref<!tpu.dma_semaphore, #tpu.memory_space<semaphore_mem>>) src(%dma_wait3A_73 : memref<10000x128xf32, #tpu.memory_space<hbm>>) dst(%arg10 : memref<80x128xf32, #tpu.memory_space<vmem>>)
      %gt3A = arith.constant 0 : i32
      %gt3A_74 = arith.cmpi sgt, %add3A_59, %gt3A : i32
      %convert_element_type3A = arith.extui %gt3A_74 : i1 to i32
      %cond3A = arith.constant 0 : i32
      %cond3A_75 = arith.cmpi ne, %convert_element_type3A, %cond3A : i32
      scf.if %cond3A_75 {
        %dma_wait3A_128 = arith.constant 0 : i32
        %dma_wait3A_129 = tpu.memref_slice %arg6[%mul3A_2, %dma_wait3A_128] : memref<161280x128xf32, #tpu.memory_space<hbm>> -> memref<80x128xf32, #tpu.memory_space<hbm>>
        %dma_wait3A_130 = arith.constant 0 : i32
        %dma_wait3A_131 = tpu.memref_slice %arg6[%mul3A_2, %dma_wait3A_130] : memref<161280x128xf32, #tpu.memory_space<hbm>> -> memref<80x128xf32, #tpu.memory_space<hbm>>
        tpu.wait_dma2 semaphore(%arg17 : memref<!tpu.dma_semaphore, #tpu.memory_space<semaphore_mem>>) src(%arg11 : memref<80x128xf32, #tpu.memory_space<vmem>>) dst(%dma_wait3A_131 : memref<80x128xf32, #tpu.memory_space<hbm>>)
      } else {
      }
      %parallel_loop3A_76 = arith.constant 0 : i32
      %parallel_loop3A_77 = arith.constant 80 : i32
      %parallel_loop3A_78 = arith.constant 1 : i32
      scf.for %parallel_loop3A_128 = %parallel_loop3A_76 to %parallel_loop3A_77 step %parallel_loop3A_78  : i32 {
        %parallel_loop3A_129 = arith.index_cast %parallel_loop3A_128 : i32 to index
        %parallel_loop3A_130 = arith.constant 0 : index
        %parallel_loop3A_131 = tpu.vector_load %arg9[%parallel_loop3A_129, %parallel_loop3A_130] {strides = array<i32>} : memref<80x128xf32, #tpu.memory_space<vmem>>, vector<1x16xf32>,
        %parallel_loop3A_132 = vector.shape_cast %parallel_loop3A_131 : vector<1x16xf32> to vector<16xf32>
        %parallel_loop3A_133 = arith.index_cast %parallel_loop3A_128 : i32 to index
        %parallel_loop3A_134 = arith.constant 0 : index
        %parallel_loop3A_135 = tpu.vector_load %arg10[%parallel_loop3A_133, %parallel_loop3A_134] {strides = array<i32>} : memref<80x128xf32, #tpu.memory_space<vmem>>, vector<1x16xf32>,
        %parallel_loop3A_136 = vector.shape_cast %parallel_loop3A_135 : vector<1x16xf32> to vector<16xf32>
        %parallel_loop3A_137 = arith.addf %parallel_loop3A_132, %parallel_loop3A_136 : vector<16xf32>
        %parallel_loop3A_138 = arith.index_cast %parallel_loop3A_128 : i32 to index
        %parallel_loop3A_139 = arith.constant 0 : index
        %parallel_loop3A_140 = tpu.vector_load %arg11[%parallel_loop3A_138, %parallel_loop3A_139] {strides = array<i32>} : memref<80x128xf32, #tpu.memory_space<vmem>>, vector<1x16xf32>,
        %parallel_loop3A_141 = vector.shape_cast %parallel_loop3A_140 : vector<1x16xf32> to vector<16xf32>
        %parallel_loop3A_142 = vector.shape_cast %parallel_loop3A_137 : vector<16xf32> to vector<1x16xf32>
        tpu.vector_store %arg11[%parallel_loop3A_138, %parallel_loop3A_139], %parallel_loop3A_142 {strides = array<i32>} : memref<80x128xf32, #tpu.memory_space<vmem>>, vector<1x16xf32>,
        %parallel_loop3A_143 = arith.index_cast %parallel_loop3A_128 : i32 to index
        %parallel_loop3A_144 = arith.constant 16 : index
        %parallel_loop3A_145 = tpu.vector_load %arg9[%parallel_loop3A_143, %parallel_loop3A_144] {strides = array<i32>} : memref<80x128xf32, #tpu.memory_space<vmem>>, vector<1x16xf32>,
        %parallel_loop3A_146 = vector.shape_cast %parallel_loop3A_145 : vector<1x16xf32> to vector<16xf32>
        %parallel_loop3A_147 = arith.index_cast %parallel_loop3A_128 : i32 to index
        %parallel_loop3A_148 = arith.constant 16 : index
        %parallel_loop3A_149 = tpu.vector_load %arg10[%parallel_loop3A_147, %parallel_loop3A_148] {strides = array<i32>} : memref<80x128xf32, #tpu.memory_space<vmem>>, vector<1x16xf32>,
        %parallel_loop3A_150 = vector.shape_cast %parallel_loop3A_149 : vector<1x16xf32> to vector<16xf32>
        %parallel_loop3A_151 = arith.addf %parallel_loop3A_146, %parallel_loop3A_150 : vector<16xf32>
        %parallel_loop3A_152 = arith.index_cast %parallel_loop3A_128 : i32 to index
        %parallel_loop3A_153 = arith.constant 16 : index
        %parallel_loop3A_154 = tpu.vector_load %arg11[%parallel_loop3A_152, %parallel_loop3A_153] {strides = array<i32>} : memref<80x128xf32, #tpu.memory_space<vmem>>, vector<1x16xf32>,
        %parallel_loop3A_155 = vector.shape_cast %parallel_loop3A_154 : vector<1x16xf32> to vector<16xf32>
        %parallel_loop3A_156 = vector.shape_cast %parallel_loop3A_151 : vector<16xf32> to vector<1x16xf32>
        tpu.vector_store %arg11[%parallel_loop3A_152, %parallel_loop3A_153], %parallel_loop3A_156 {strides = array<i32>} : memref<80x128xf32, #tpu.memory_space<vmem>>, vector<1x16xf32>,
        %parallel_loop3A_157 = arith.index_cast %parallel_loop3A_128 : i32 to index
        %parallel_loop3A_158 = arith.constant 32 : index
        %parallel_loop3A_159 = tpu.vector_load %arg9[%parallel_loop3A_157, %parallel_loop3A_158] {strides = array<i32>} : memref<80x128xf32, #tpu.memory_space<vmem>>, vector<1x16xf32>,
        %parallel_loop3A_160 = vector.shape_cast %parallel_loop3A_159 : vector<1x16xf32> to vector<16xf32>
        %parallel_loop3A_161 = arith.index_cast %parallel_loop3A_128 : i32 to index
        %parallel_loop3A_162 = arith.constant 32 : index
        %parallel_loop3A_163 = tpu.vector_load %arg10[%parallel_loop3A_161, %parallel_loop3A_162] {strides = array<i32>} : memref<80x128xf32, #tpu.memory_space<vmem>>, vector<1x16xf32>,
        %parallel_loop3A_164 = vector.shape_cast %parallel_loop3A_163 : vector<1x16xf32> to vector<16xf32>
        %parallel_loop3A_165 = arith.addf %parallel_loop3A_160, %parallel_loop3A_164 : vector<16xf32>
        %parallel_loop3A_166 = arith.index_cast %parallel_loop3A_128 : i32 to index
        %parallel_loop3A_167 = arith.constant 32 : index
        %parallel_loop3A_168 = tpu.vector_load %arg11[%parallel_loop3A_166, %parallel_loop3A_167] {strides = array<i32>} : memref<80x128xf32, #tpu.memory_space<vmem>>, vector<1x16xf32>,
        %parallel_loop3A_169 = vector.shape_cast %parallel_loop3A_168 : vector<1x16xf32> to vector<16xf32>
        %parallel_loop3A_170 = vector.shape_cast %parallel_loop3A_165 : vector<16xf32> to vector<1x16xf32>
        tpu.vector_store %arg11[%parallel_loop3A_166, %parallel_loop3A_167], %parallel_loop3A_170 {strides = array<i32>} : memref<80x128xf32, #tpu.memory_space<vmem>>, vector<1x16xf32>,
        %parallel_loop3A_171 = arith.index_cast %parallel_loop3A_128 : i32 to index
        %parallel_loop3A_172 = arith.constant 48 : index
        %parallel_loop3A_173 = tpu.vector_load %arg9[%parallel_loop3A_171, %parallel_loop3A_172] {strides = array<i32>} : memref<80x128xf32, #tpu.memory_space<vmem>>, vector<1x16xf32>,
        %parallel_loop3A_174 = vector.shape_cast %parallel_loop3A_173 : vector<1x16xf32> to vector<16xf32>
        %parallel_loop3A_175 = arith.index_cast %parallel_loop3A_128 : i32 to index
        %parallel_loop3A_176 = arith.constant 48 : index
        %parallel_loop3A_177 = tpu.vector_load %arg10[%parallel_loop3A_175, %parallel_loop3A_176] {strides = array<i32>} : memref<80x128xf32, #tpu.memory_space<vmem>>, vector<1x16xf32>,
        %parallel_loop3A_178 = vector.shape_cast %parallel_loop3A_177 : vector<1x16xf32> to vector<16xf32>
        %parallel_loop3A_179 = arith.addf %parallel_loop3A_174, %parallel_loop3A_178 : vector<16xf32>
        %parallel_loop3A_180 = arith.index_cast %parallel_loop3A_128 : i32 to index
        %parallel_loop3A_181 = arith.constant 48 : index
        %parallel_loop3A_182 = tpu.vector_load %arg11[%parallel_loop3A_180, %parallel_loop3A_181] {strides = array<i32>} : memref<80x128xf32, #tpu.memory_space<vmem>>, vector<1x16xf32>,
        %parallel_loop3A_183 = vector.shape_cast %parallel_loop3A_182 : vector<1x16xf32> to vector<16xf32>
        %parallel_loop3A_184 = vector.shape_cast %parallel_loop3A_179 : vector<16xf32> to vector<1x16xf32>
        tpu.vector_store %arg11[%parallel_loop3A_180, %parallel_loop3A_181], %parallel_loop3A_184 {strides = array<i32>} : memref<80x128xf32, #tpu.memory_space<vmem>>, vector<1x16xf32>,
        %parallel_loop3A_185 = arith.index_cast %parallel_loop3A_128 : i32 to index
        %parallel_loop3A_186 = arith.constant 64 : index
        %parallel_loop3A_187 = tpu.vector_load %arg9[%parallel_loop3A_185, %parallel_loop3A_186] {strides = array<i32>} : memref<80x128xf32, #tpu.memory_space<vmem>>, vector<1x16xf32>,
        %parallel_loop3A_188 = vector.shape_cast %parallel_loop3A_187 : vector<1x16xf32> to vector<16xf32>
        %parallel_loop3A_189 = arith.index_cast %parallel_loop3A_128 : i32 to index
        %parallel_loop3A_190 = arith.constant 64 : index
        %parallel_loop3A_191 = tpu.vector_load %arg10[%parallel_loop3A_189, %parallel_loop3A_190] {strides = array<i32>} : memref<80x128xf32, #tpu.memory_space<vmem>>, vector<1x16xf32>,
        %parallel_loop3A_192 = vector.shape_cast %parallel_loop3A_191 : vector<1x16xf32> to vector<16xf32>
        %parallel_loop3A_193 = arith.addf %parallel_loop3A_188, %parallel_loop3A_192 : vector<16xf32>
        %parallel_loop3A_194 = arith.index_cast %parallel_loop3A_128 : i32 to index
        %parallel_loop3A_195 = arith.constant 64 : index
        %parallel_loop3A_196 = tpu.vector_load %arg11[%parallel_loop3A_194, %parallel_loop3A_195] {strides = array<i32>} : memref<80x128xf32, #tpu.memory_space<vmem>>, vector<1x16xf32>,
        %parallel_loop3A_197 = vector.shape_cast %parallel_loop3A_196 : vector<1x16xf32> to vector<16xf32>
        %parallel_loop3A_198 = vector.shape_cast %parallel_loop3A_193 : vector<16xf32> to vector<1x16xf32>
        tpu.vector_store %arg11[%parallel_loop3A_194, %parallel_loop3A_195], %parallel_loop3A_198 {strides = array<i32>} : memref<80x128xf32, #tpu.memory_space<vmem>>, vector<1x16xf32>,
        %parallel_loop3A_199 = arith.index_cast %parallel_loop3A_128 : i32 to index
        %parallel_loop3A_200 = arith.constant 80 : index
        %parallel_loop3A_201 = tpu.vector_load %arg9[%parallel_loop3A_199, %parallel_loop3A_200] {strides = array<i32>} : memref<80x128xf32, #tpu.memory_space<vmem>>, vector<1x16xf32>,
        %parallel_loop3A_202 = vector.shape_cast %parallel_loop3A_201 : vector<1x16xf32> to vector<16xf32>
        %parallel_loop3A_203 = arith.index_cast %parallel_loop3A_128 : i32 to index
        %parallel_loop3A_204 = arith.constant 80 : index
        %parallel_loop3A_205 = tpu.vector_load %arg10[%parallel_loop3A_203, %parallel_loop3A_204] {strides = array<i32>} : memref<80x128xf32, #tpu.memory_space<vmem>>, vector<1x16xf32>,
        %parallel_loop3A_206 = vector.shape_cast %parallel_loop3A_205 : vector<1x16xf32> to vector<16xf32>
        %parallel_loop3A_207 = arith.addf %parallel_loop3A_202, %parallel_loop3A_206 : vector<16xf32>
        %parallel_loop3A_208 = arith.index_cast %parallel_loop3A_128 : i32 to index
        %parallel_loop3A_209 = arith.constant 80 : index
        %parallel_loop3A_210 = tpu.vector_load %arg11[%parallel_loop3A_208, %parallel_loop3A_209] {strides = array<i32>} : memref<80x128xf32, #tpu.memory_space<vmem>>, vector<1x16xf32>,
        %parallel_loop3A_211 = vector.shape_cast %parallel_loop3A_210 : vector<1x16xf32> to vector<16xf32>
        %parallel_loop3A_212 = vector.shape_cast %parallel_loop3A_207 : vector<16xf32> to vector<1x16xf32>
        tpu.vector_store %arg11[%parallel_loop3A_208, %parallel_loop3A_209], %parallel_loop3A_212 {strides = array<i32>} : memref<80x128xf32, #tpu.memory_space<vmem>>, vector<1x16xf32>,
        %parallel_loop3A_213 = arith.index_cast %parallel_loop3A_128 : i32 to index
        %parallel_loop3A_214 = arith.constant 96 : index
        %parallel_loop3A_215 = tpu.vector_load %arg9[%parallel_loop3A_213, %parallel_loop3A_214] {strides = array<i32>} : memref<80x128xf32, #tpu.memory_space<vmem>>, vector<1x16xf32>,
        %parallel_loop3A_216 = vector.shape_cast %parallel_loop3A_215 : vector<1x16xf32> to vector<16xf32>
        %parallel_loop3A_217 = arith.index_cast %parallel_loop3A_128 : i32 to index
        %parallel_loop3A_218 = arith.constant 96 : index
        %parallel_loop3A_219 = tpu.vector_load %arg10[%parallel_loop3A_217, %parallel_loop3A_218] {strides = array<i32>} : memref<80x128xf32, #tpu.memory_space<vmem>>, vector<1x16xf32>,
        %parallel_loop3A_220 = vector.shape_cast %parallel_loop3A_219 : vector<1x16xf32> to vector<16xf32>
        %parallel_loop3A_221 = arith.addf %parallel_loop3A_216, %parallel_loop3A_220 : vector<16xf32>
        %parallel_loop3A_222 = arith.index_cast %parallel_loop3A_128 : i32 to index
        %parallel_loop3A_223 = arith.constant 96 : index
        %parallel_loop3A_224 = tpu.vector_load %arg11[%parallel_loop3A_222, %parallel_loop3A_223] {strides = array<i32>} : memref<80x128xf32, #tpu.memory_space<vmem>>, vector<1x16xf32>,
        %parallel_loop3A_225 = vector.shape_cast %parallel_loop3A_224 : vector<1x16xf32> to vector<16xf32>
        %parallel_loop3A_226 = vector.shape_cast %parallel_loop3A_221 : vector<16xf32> to vector<1x16xf32>
        tpu.vector_store %arg11[%parallel_loop3A_222, %parallel_loop3A_223], %parallel_loop3A_226 {strides = array<i32>} : memref<80x128xf32, #tpu.memory_space<vmem>>, vector<1x16xf32>,
        %parallel_loop3A_227 = arith.index_cast %parallel_loop3A_128 : i32 to index
        %parallel_loop3A_228 = arith.constant 112 : index
        %parallel_loop3A_229 = tpu.vector_load %arg9[%parallel_loop3A_227, %parallel_loop3A_228] {strides = array<i32>} : memref<80x128xf32, #tpu.memory_space<vmem>>, vector<1x16xf32>,
        %parallel_loop3A_230 = vector.shape_cast %parallel_loop3A_229 : vector<1x16xf32> to vector<16xf32>
        %parallel_loop3A_231 = arith.index_cast %parallel_loop3A_128 : i32 to index
        %parallel_loop3A_232 = arith.constant 112 : index
        %parallel_loop3A_233 = tpu.vector_load %arg10[%parallel_loop3A_231, %parallel_loop3A_232] {strides = array<i32>} : memref<80x128xf32, #tpu.memory_space<vmem>>, vector<1x16xf32>,
        %parallel_loop3A_234 = vector.shape_cast %parallel_loop3A_233 : vector<1x16xf32> to vector<16xf32>
        %parallel_loop3A_235 = arith.addf %parallel_loop3A_230, %parallel_loop3A_234 : vector<16xf32>
        %parallel_loop3A_236 = arith.index_cast %parallel_loop3A_128 : i32 to index
        %parallel_loop3A_237 = arith.constant 112 : index
        %parallel_loop3A_238 = tpu.vector_load %arg11[%parallel_loop3A_236, %parallel_loop3A_237] {strides = array<i32>} : memref<80x128xf32, #tpu.memory_space<vmem>>, vector<1x16xf32>,
        %parallel_loop3A_239 = vector.shape_cast %parallel_loop3A_238 : vector<1x16xf32> to vector<16xf32>
        %parallel_loop3A_240 = vector.shape_cast %parallel_loop3A_235 : vector<16xf32> to vector<1x16xf32>
        tpu.vector_store %arg11[%parallel_loop3A_236, %parallel_loop3A_237], %parallel_loop3A_240 {strides = array<i32>} : memref<80x128xf32, #tpu.memory_space<vmem>>, vector<1x16xf32>,
      } {sc.loop_unroll_factor = 1 : i64, sc.parallel_access}
      %mul3A_79 = arith.constant 80 : i32
      %mul3A_80 = arith.muli %add3A_63, %mul3A_79 : i32
      %add3A_81 = arith.addi %mul3A_2, %mul3A_80 : i32
      %dma_start3A_82 = arith.constant 0 : i32
      %dma_start3A_83 = tpu.memref_slice %arg6[%add3A_81, %dma_start3A_82] : memref<161280x128xf32, #tpu.memory_space<hbm>> -> memref<80x128xf32, #tpu.memory_space<hbm>>
      %dma_start3A_84 = arith.constant 0 : i32
      %dma_start3A_85 = tpu.memref_slice %arg6[%add3A_81, %dma_start3A_84] : memref<161280x128xf32, #tpu.memory_space<hbm>> -> memref<80x128xf32, #tpu.memory_space<hbm>>
      tpu.enqueue_dma source(%arg11 : memref<80x128xf32, #tpu.memory_space<vmem>>) target(%dma_start3A_85 : memref<80x128xf32, #tpu.memory_space<hbm>>) target_semaphore(%arg17 : memref<!tpu.dma_semaphore, #tpu.memory_space<semaphore_mem>>)
      %add3A_86 = arith.constant 2 : i32
      %add3A_87 = arith.addi %add3A_63, %add3A_86 : i32
      %lt3A = arith.constant 63 : i32
      %lt3A_88 = arith.cmpi slt, %add3A_87, %lt3A : i32
      %convert_element_type3A_89 = arith.extui %lt3A_88 : i1 to i32
      %cond3A_90 = arith.constant 0 : i32
      %cond3A_91 = arith.cmpi ne, %convert_element_type3A_89, %cond3A_90 : i32
      scf.if %cond3A_91 {
        %add3A_128 = arith.constant 2 : i32
        %add3A_129 = arith.addi %add3A_63, %add3A_128 : i32
        %mul3A_130 = arith.constant 80 : i32
        %mul3A_131 = arith.muli %add3A_129, %mul3A_130 : i32
        %dma_start3A_132 = tpu.memref_slice %arg7[%mul3A_131] : memref<5040xi32, #tpu.memory_space<vmem>> -> memref<80xi32, #tpu.memory_space<vmem>>
        %dma_start3A_133 = arith.constant 0 : i32
        %dma_start3A_134 = arith.constant 0 : i32
        %dma_start3A_135 = tpu.memref_slice %arg2[%dma_start3A_133, %dma_start3A_134] : memref<10000x128xf32, #tpu.memory_space<hbm>> -> memref<10000x128xf32, #tpu.memory_space<hbm>>
        tpu.enqueue_indirect_dma source(%dma_start3A_135 : memref<10000x128xf32, #tpu.memory_space<hbm>>) target(%arg9 : memref<80x128xf32, #tpu.memory_space<vmem>>) offsets(%dma_start3A_132 : memref<80xi32, #tpu.memory_space<vmem>>) semaphore(%arg15 : memref<!tpu.dma_semaphore, #tpu.memory_space<semaphore_mem>>)
        %dma_start3A_136 = tpu.memref_slice %arg8[%mul3A_131] : memref<5040xi32, #tpu.memory_space<vmem>> -> memref<80xi32, #tpu.memory_space<vmem>>
        %dma_start3A_137 = arith.constant 0 : i32
        %dma_start3A_138 = arith.constant 0 : i32
        %dma_start3A_139 = tpu.memref_slice %arg3[%dma_start3A_137, %dma_start3A_138] : memref<10000x128xf32, #tpu.memory_space<hbm>> -> memref<10000x128xf32, #tpu.memory_space<hbm>>
        tpu.enqueue_indirect_dma source(%dma_start3A_139 : memref<10000x128xf32, #tpu.memory_space<hbm>>) target(%arg10 : memref<80x128xf32, #tpu.memory_space<vmem>>) offsets(%dma_start3A_136 : memref<80xi32, #tpu.memory_space<vmem>>) semaphore(%arg15 : memref<!tpu.dma_semaphore, #tpu.memory_space<semaphore_mem>>)
      } else {
      }
      %mul3A_92 = arith.constant 2 : i32
      %mul3A_93 = arith.muli %mul3A_92, %add3A_59 : i32
      %add3A_94 = arith.constant 1 : i32
      %add3A_95 = arith.addi %mul3A_93, %add3A_94 : i32
      %dma_wait3A_96 = arith.constant 0 : i32
      %dma_wait3A_97 = tpu.memref_slice %arg7[%dma_wait3A_96] : memref<5040xi32, #tpu.memory_space<vmem>> -> memref<80xi32, #tpu.memory_space<vmem>>
      %dma_wait3A_98 = arith.constant 0 : i32
      %dma_wait3A_99 = arith.constant 0 : i32
      %dma_wait3A_100 = tpu.memref_slice %arg2[%dma_wait3A_98, %dma_wait3A_99] : memref<10000x128xf32, #tpu.memory_space<hbm>> -> memref<10000x128xf32, #tpu.memory_space<hbm>>
      tpu.wait_indirect_dma semaphore(%arg16 : memref<!tpu.dma_semaphore, #tpu.memory_space<semaphore_mem>>) src(%dma_wait3A_100 : memref<10000x128xf32, #tpu.memory_space<hbm>>) dst(%arg12 : memref<80x128xf32, #tpu.memory_space<vmem>>)
      %dma_wait3A_101 = arith.constant 0 : i32
      %dma_wait3A_102 = tpu.memref_slice %arg8[%dma_wait3A_101] : memref<5040xi32, #tpu.memory_space<vmem>> -> memref<80xi32, #tpu.memory_space<vmem>>
      %dma_wait3A_103 = arith.constant 0 : i32
      %dma_wait3A_104 = arith.constant 0 : i32
      %dma_wait3A_105 = tpu.memref_slice %arg3[%dma_wait3A_103, %dma_wait3A_104] : memref<10000x128xf32, #tpu.memory_space<hbm>> -> memref<10000x128xf32, #tpu.memory_space<hbm>>
      tpu.wait_indirect_dma semaphore(%arg16 : memref<!tpu.dma_semaphore, #tpu.memory_space<semaphore_mem>>) src(%dma_wait3A_105 : memref<10000x128xf32, #tpu.memory_space<hbm>>) dst(%arg13 : memref<80x128xf32, #tpu.memory_space<vmem>>)
      %gt3A_106 = arith.constant 0 : i32
      %gt3A_107 = arith.cmpi sgt, %add3A_59, %gt3A_106 : i32
      %convert_element_type3A_108 = arith.extui %gt3A_107 : i1 to i32
      %cond3A_109 = arith.constant 0 : i32
      %cond3A_110 = arith.cmpi ne, %convert_element_type3A_108, %cond3A_109 : i32
      scf.if %cond3A_110 {
        %dma_wait3A_128 = arith.constant 0 : i32
        %dma_wait3A_129 = tpu.memref_slice %arg6[%mul3A_2, %dma_wait3A_128] : memref<161280x128xf32, #tpu.memory_space<hbm>> -> memref<80x128xf32, #tpu.memory_space<hbm>>
        %dma_wait3A_130 = arith.constant 0 : i32
        %dma_wait3A_131 = tpu.memref_slice %arg6[%mul3A_2, %dma_wait3A_130] : memref<161280x128xf32, #tpu.memory_space<hbm>> -> memref<80x128xf32, #tpu.memory_space<hbm>>
        tpu.wait_dma2 semaphore(%arg18 : memref<!tpu.dma_semaphore, #tpu.memory_space<semaphore_mem>>) src(%arg14 : memref<80x128xf32, #tpu.memory_space<vmem>>) dst(%dma_wait3A_131 : memref<80x128xf32, #tpu.memory_space<hbm>>)
      } else {
      }
      %parallel_loop3A_111 = arith.constant 0 : i32
      %parallel_loop3A_112 = arith.constant 80 : i32
      %parallel_loop3A_113 = arith.constant 1 : i32
      scf.for %parallel_loop3A_128 = %parallel_loop3A_111 to %parallel_loop3A_112 step %parallel_loop3A_113  : i32 {
        %parallel_loop3A_129 = arith.index_cast %parallel_loop3A_128 : i32 to index
        %parallel_loop3A_130 = arith.constant 0 : index
        %parallel_loop3A_131 = tpu.vector_load %arg12[%parallel_loop3A_129, %parallel_loop3A_130] {strides = array<i32>} : memref<80x128xf32, #tpu.memory_space<vmem>>, vector<1x16xf32>,
        %parallel_loop3A_132 = vector.shape_cast %parallel_loop3A_131 : vector<1x16xf32> to vector<16xf32>
        %parallel_loop3A_133 = arith.index_cast %parallel_loop3A_128 : i32 to index
        %parallel_loop3A_134 = arith.constant 0 : index
        %parallel_loop3A_135 = tpu.vector_load %arg13[%parallel_loop3A_133, %parallel_loop3A_134] {strides = array<i32>} : memref<80x128xf32, #tpu.memory_space<vmem>>, vector<1x16xf32>,
        %parallel_loop3A_136 = vector.shape_cast %parallel_loop3A_135 : vector<1x16xf32> to vector<16xf32>
        %parallel_loop3A_137 = arith.addf %parallel_loop3A_132, %parallel_loop3A_136 : vector<16xf32>
        %parallel_loop3A_138 = arith.index_cast %parallel_loop3A_128 : i32 to index
        %parallel_loop3A_139 = arith.constant 0 : index
        %parallel_loop3A_140 = tpu.vector_load %arg14[%parallel_loop3A_138, %parallel_loop3A_139] {strides = array<i32>} : memref<80x128xf32, #tpu.memory_space<vmem>>, vector<1x16xf32>,
        %parallel_loop3A_141 = vector.shape_cast %parallel_loop3A_140 : vector<1x16xf32> to vector<16xf32>
        %parallel_loop3A_142 = vector.shape_cast %parallel_loop3A_137 : vector<16xf32> to vector<1x16xf32>
        tpu.vector_store %arg14[%parallel_loop3A_138, %parallel_loop3A_139], %parallel_loop3A_142 {strides = array<i32>} : memref<80x128xf32, #tpu.memory_space<vmem>>, vector<1x16xf32>,
        %parallel_loop3A_143 = arith.index_cast %parallel_loop3A_128 : i32 to index
        %parallel_loop3A_144 = arith.constant 16 : index
        %parallel_loop3A_145 = tpu.vector_load %arg12[%parallel_loop3A_143, %parallel_loop3A_144] {strides = array<i32>} : memref<80x128xf32, #tpu.memory_space<vmem>>, vector<1x16xf32>,
        %parallel_loop3A_146 = vector.shape_cast %parallel_loop3A_145 : vector<1x16xf32> to vector<16xf32>
        %parallel_loop3A_147 = arith.index_cast %parallel_loop3A_128 : i32 to index
        %parallel_loop3A_148 = arith.constant 16 : index
        %parallel_loop3A_149 = tpu.vector_load %arg13[%parallel_loop3A_147, %parallel_loop3A_148] {strides = array<i32>} : memref<80x128xf32, #tpu.memory_space<vmem>>, vector<1x16xf32>,
        %parallel_loop3A_150 = vector.shape_cast %parallel_loop3A_149 : vector<1x16xf32> to vector<16xf32>
        %parallel_loop3A_151 = arith.addf %parallel_loop3A_146, %parallel_loop3A_150 : vector<16xf32>
        %parallel_loop3A_152 = arith.index_cast %parallel_loop3A_128 : i32 to index
        %parallel_loop3A_153 = arith.constant 16 : index
        %parallel_loop3A_154 = tpu.vector_load %arg14[%parallel_loop3A_152, %parallel_loop3A_153] {strides = array<i32>} : memref<80x128xf32, #tpu.memory_space<vmem>>, vector<1x16xf32>,
        %parallel_loop3A_155 = vector.shape_cast %parallel_loop3A_154 : vector<1x16xf32> to vector<16xf32>
        %parallel_loop3A_156 = vector.shape_cast %parallel_loop3A_151 : vector<16xf32> to vector<1x16xf32>
        tpu.vector_store %arg14[%parallel_loop3A_152, %parallel_loop3A_153], %parallel_loop3A_156 {strides = array<i32>} : memref<80x128xf32, #tpu.memory_space<vmem>>, vector<1x16xf32>,
        %parallel_loop3A_157 = arith.index_cast %parallel_loop3A_128 : i32 to index
        %parallel_loop3A_158 = arith.constant 32 : index
        %parallel_loop3A_159 = tpu.vector_load %arg12[%parallel_loop3A_157, %parallel_loop3A_158] {strides = array<i32>} : memref<80x128xf32, #tpu.memory_space<vmem>>, vector<1x16xf32>,
        %parallel_loop3A_160 = vector.shape_cast %parallel_loop3A_159 : vector<1x16xf32> to vector<16xf32>
        %parallel_loop3A_161 = arith.index_cast %parallel_loop3A_128 : i32 to index
        %parallel_loop3A_162 = arith.constant 32 : index
        %parallel_loop3A_163 = tpu.vector_load %arg13[%parallel_loop3A_161, %parallel_loop3A_162] {strides = array<i32>} : memref<80x128xf32, #tpu.memory_space<vmem>>, vector<1x16xf32>,
        %parallel_loop3A_164 = vector.shape_cast %parallel_loop3A_163 : vector<1x16xf32> to vector<16xf32>
        %parallel_loop3A_165 = arith.addf %parallel_loop3A_160, %parallel_loop3A_164 : vector<16xf32>
        %parallel_loop3A_166 = arith.index_cast %parallel_loop3A_128 : i32 to index
        %parallel_loop3A_167 = arith.constant 32 : index
        %parallel_loop3A_168 = tpu.vector_load %arg14[%parallel_loop3A_166, %parallel_loop3A_167] {strides = array<i32>} : memref<80x128xf32, #tpu.memory_space<vmem>>, vector<1x16xf32>,
        %parallel_loop3A_169 = vector.shape_cast %parallel_loop3A_168 : vector<1x16xf32> to vector<16xf32>
        %parallel_loop3A_170 = vector.shape_cast %parallel_loop3A_165 : vector<16xf32> to vector<1x16xf32>
        tpu.vector_store %arg14[%parallel_loop3A_166, %parallel_loop3A_167], %parallel_loop3A_170 {strides = array<i32>} : memref<80x128xf32, #tpu.memory_space<vmem>>, vector<1x16xf32>,
        %parallel_loop3A_171 = arith.index_cast %parallel_loop3A_128 : i32 to index
        %parallel_loop3A_172 = arith.constant 48 : index
        %parallel_loop3A_173 = tpu.vector_load %arg12[%parallel_loop3A_171, %parallel_loop3A_172] {strides = array<i32>} : memref<80x128xf32, #tpu.memory_space<vmem>>, vector<1x16xf32>,
        %parallel_loop3A_174 = vector.shape_cast %parallel_loop3A_173 : vector<1x16xf32> to vector<16xf32>
        %parallel_loop3A_175 = arith.index_cast %parallel_loop3A_128 : i32 to index
        %parallel_loop3A_176 = arith.constant 48 : index
        %parallel_loop3A_177 = tpu.vector_load %arg13[%parallel_loop3A_175, %parallel_loop3A_176] {strides = array<i32>} : memref<80x128xf32, #tpu.memory_space<vmem>>, vector<1x16xf32>,
        %parallel_loop3A_178 = vector.shape_cast %parallel_loop3A_177 : vector<1x16xf32> to vector<16xf32>
        %parallel_loop3A_179 = arith.addf %parallel_loop3A_174, %parallel_loop3A_178 : vector<16xf32>
        %parallel_loop3A_180 = arith.index_cast %parallel_loop3A_128 : i32 to index
        %parallel_loop3A_181 = arith.constant 48 : index
        %parallel_loop3A_182 = tpu.vector_load %arg14[%parallel_loop3A_180, %parallel_loop3A_181] {strides = array<i32>} : memref<80x128xf32, #tpu.memory_space<vmem>>, vector<1x16xf32>,
        %parallel_loop3A_183 = vector.shape_cast %parallel_loop3A_182 : vector<1x16xf32> to vector<16xf32>
        %parallel_loop3A_184 = vector.shape_cast %parallel_loop3A_179 : vector<16xf32> to vector<1x16xf32>
        tpu.vector_store %arg14[%parallel_loop3A_180, %parallel_loop3A_181], %parallel_loop3A_184 {strides = array<i32>} : memref<80x128xf32, #tpu.memory_space<vmem>>, vector<1x16xf32>,
        %parallel_loop3A_185 = arith.index_cast %parallel_loop3A_128 : i32 to index
        %parallel_loop3A_186 = arith.constant 64 : index
        %parallel_loop3A_187 = tpu.vector_load %arg12[%parallel_loop3A_185, %parallel_loop3A_186] {strides = array<i32>} : memref<80x128xf32, #tpu.memory_space<vmem>>, vector<1x16xf32>,
        %parallel_loop3A_188 = vector.shape_cast %parallel_loop3A_187 : vector<1x16xf32> to vector<16xf32>
        %parallel_loop3A_189 = arith.index_cast %parallel_loop3A_128 : i32 to index
        %parallel_loop3A_190 = arith.constant 64 : index
        %parallel_loop3A_191 = tpu.vector_load %arg13[%parallel_loop3A_189, %parallel_loop3A_190] {strides = array<i32>} : memref<80x128xf32, #tpu.memory_space<vmem>>, vector<1x16xf32>,
        %parallel_loop3A_192 = vector.shape_cast %parallel_loop3A_191 : vector<1x16xf32> to vector<16xf32>
        %parallel_loop3A_193 = arith.addf %parallel_loop3A_188, %parallel_loop3A_192 : vector<16xf32>
        %parallel_loop3A_194 = arith.index_cast %parallel_loop3A_128 : i32 to index
        %parallel_loop3A_195 = arith.constant 64 : index
        %parallel_loop3A_196 = tpu.vector_load %arg14[%parallel_loop3A_194, %parallel_loop3A_195] {strides = array<i32>} : memref<80x128xf32, #tpu.memory_space<vmem>>, vector<1x16xf32>,
        %parallel_loop3A_197 = vector.shape_cast %parallel_loop3A_196 : vector<1x16xf32> to vector<16xf32>
        %parallel_loop3A_198 = vector.shape_cast %parallel_loop3A_193 : vector<16xf32> to vector<1x16xf32>
        tpu.vector_store %arg14[%parallel_loop3A_194, %parallel_loop3A_195], %parallel_loop3A_198 {strides = array<i32>} : memref<80x128xf32, #tpu.memory_space<vmem>>, vector<1x16xf32>,
        %parallel_loop3A_199 = arith.index_cast %parallel_loop3A_128 : i32 to index
        %parallel_loop3A_200 = arith.constant 80 : index
        %parallel_loop3A_201 = tpu.vector_load %arg12[%parallel_loop3A_199, %parallel_loop3A_200] {strides = array<i32>} : memref<80x128xf32, #tpu.memory_space<vmem>>, vector<1x16xf32>,
        %parallel_loop3A_202 = vector.shape_cast %parallel_loop3A_201 : vector<1x16xf32> to vector<16xf32>
        %parallel_loop3A_203 = arith.index_cast %parallel_loop3A_128 : i32 to index
        %parallel_loop3A_204 = arith.constant 80 : index
        %parallel_loop3A_205 = tpu.vector_load %arg13[%parallel_loop3A_203, %parallel_loop3A_204] {strides = array<i32>} : memref<80x128xf32, #tpu.memory_space<vmem>>, vector<1x16xf32>,
        %parallel_loop3A_206 = vector.shape_cast %parallel_loop3A_205 : vector<1x16xf32> to vector<16xf32>
        %parallel_loop3A_207 = arith.addf %parallel_loop3A_202, %parallel_loop3A_206 : vector<16xf32>
        %parallel_loop3A_208 = arith.index_cast %parallel_loop3A_128 : i32 to index
        %parallel_loop3A_209 = arith.constant 80 : index
        %parallel_loop3A_210 = tpu.vector_load %arg14[%parallel_loop3A_208, %parallel_loop3A_209] {strides = array<i32>} : memref<80x128xf32, #tpu.memory_space<vmem>>, vector<1x16xf32>,
        %parallel_loop3A_211 = vector.shape_cast %parallel_loop3A_210 : vector<1x16xf32> to vector<16xf32>
        %parallel_loop3A_212 = vector.shape_cast %parallel_loop3A_207 : vector<16xf32> to vector<1x16xf32>
        tpu.vector_store %arg14[%parallel_loop3A_208, %parallel_loop3A_209], %parallel_loop3A_212 {strides = array<i32>} : memref<80x128xf32, #tpu.memory_space<vmem>>, vector<1x16xf32>,
        %parallel_loop3A_213 = arith.index_cast %parallel_loop3A_128 : i32 to index
        %parallel_loop3A_214 = arith.constant 96 : index
        %parallel_loop3A_215 = tpu.vector_load %arg12[%parallel_loop3A_213, %parallel_loop3A_214] {strides = array<i32>} : memref<80x128xf32, #tpu.memory_space<vmem>>, vector<1x16xf32>,
        %parallel_loop3A_216 = vector.shape_cast %parallel_loop3A_215 : vector<1x16xf32> to vector<16xf32>
        %parallel_loop3A_217 = arith.index_cast %parallel_loop3A_128 : i32 to index
        %parallel_loop3A_218 = arith.constant 96 : index
        %parallel_loop3A_219 = tpu.vector_load %arg13[%parallel_loop3A_217, %parallel_loop3A_218] {strides = array<i32>} : memref<80x128xf32, #tpu.memory_space<vmem>>, vector<1x16xf32>,
        %parallel_loop3A_220 = vector.shape_cast %parallel_loop3A_219 : vector<1x16xf32> to vector<16xf32>
        %parallel_loop3A_221 = arith.addf %parallel_loop3A_216, %parallel_loop3A_220 : vector<16xf32>
        %parallel_loop3A_222 = arith.index_cast %parallel_loop3A_128 : i32 to index
        %parallel_loop3A_223 = arith.constant 96 : index
        %parallel_loop3A_224 = tpu.vector_load %arg14[%parallel_loop3A_222, %parallel_loop3A_223] {strides = array<i32>} : memref<80x128xf32, #tpu.memory_space<vmem>>, vector<1x16xf32>,
        %parallel_loop3A_225 = vector.shape_cast %parallel_loop3A_224 : vector<1x16xf32> to vector<16xf32>
        %parallel_loop3A_226 = vector.shape_cast %parallel_loop3A_221 : vector<16xf32> to vector<1x16xf32>
        tpu.vector_store %arg14[%parallel_loop3A_222, %parallel_loop3A_223], %parallel_loop3A_226 {strides = array<i32>} : memref<80x128xf32, #tpu.memory_space<vmem>>, vector<1x16xf32>,
        %parallel_loop3A_227 = arith.index_cast %parallel_loop3A_128 : i32 to index
        %parallel_loop3A_228 = arith.constant 112 : index
        %parallel_loop3A_229 = tpu.vector_load %arg12[%parallel_loop3A_227, %parallel_loop3A_228] {strides = array<i32>} : memref<80x128xf32, #tpu.memory_space<vmem>>, vector<1x16xf32>,
        %parallel_loop3A_230 = vector.shape_cast %parallel_loop3A_229 : vector<1x16xf32> to vector<16xf32>
        %parallel_loop3A_231 = arith.index_cast %parallel_loop3A_128 : i32 to index
        %parallel_loop3A_232 = arith.constant 112 : index
        %parallel_loop3A_233 = tpu.vector_load %arg13[%parallel_loop3A_231, %parallel_loop3A_232] {strides = array<i32>} : memref<80x128xf32, #tpu.memory_space<vmem>>, vector<1x16xf32>,
        %parallel_loop3A_234 = vector.shape_cast %parallel_loop3A_233 : vector<1x16xf32> to vector<16xf32>
        %parallel_loop3A_235 = arith.addf %parallel_loop3A_230, %parallel_loop3A_234 : vector<16xf32>
        %parallel_loop3A_236 = arith.index_cast %parallel_loop3A_128 : i32 to index
        %parallel_loop3A_237 = arith.constant 112 : index
        %parallel_loop3A_238 = tpu.vector_load %arg14[%parallel_loop3A_236, %parallel_loop3A_237] {strides = array<i32>} : memref<80x128xf32, #tpu.memory_space<vmem>>, vector<1x16xf32>,
        %parallel_loop3A_239 = vector.shape_cast %parallel_loop3A_238 : vector<1x16xf32> to vector<16xf32>
        %parallel_loop3A_240 = vector.shape_cast %parallel_loop3A_235 : vector<16xf32> to vector<1x16xf32>
        tpu.vector_store %arg14[%parallel_loop3A_236, %parallel_loop3A_237], %parallel_loop3A_240 {strides = array<i32>} : memref<80x128xf32, #tpu.memory_space<vmem>>, vector<1x16xf32>,
      } {sc.loop_unroll_factor = 1 : i64, sc.parallel_access}
      %mul3A_114 = arith.constant 80 : i32
      %mul3A_115 = arith.muli %add3A_95, %mul3A_114 : i32
      %add3A_116 = arith.addi %mul3A_2, %mul3A_115 : i32
      %dma_start3A_117 = arith.constant 0 : i32
      %dma_start3A_118 = tpu.memref_slice %arg6[%add3A_116, %dma_start3A_117] : memref<161280x128xf32, #tpu.memory_space<hbm>> -> memref<80x128xf32, #tpu.memory_space<hbm>>
      %dma_start3A_119 = arith.constant 0 : i32
      %dma_start3A_120 = tpu.memref_slice %arg6[%add3A_116, %dma_start3A_119] : memref<161280x128xf32, #tpu.memory_space<hbm>> -> memref<80x128xf32, #tpu.memory_space<hbm>>
      tpu.enqueue_dma source(%arg14 : memref<80x128xf32, #tpu.memory_space<vmem>>) target(%dma_start3A_120 : memref<80x128xf32, #tpu.memory_space<hbm>>) target_semaphore(%arg18 : memref<!tpu.dma_semaphore, #tpu.memory_space<semaphore_mem>>)
      %add3A_121 = arith.constant 2 : i32
      %add3A_122 = arith.addi %add3A_95, %add3A_121 : i32
      %lt3A_123 = arith.constant 63 : i32
      %lt3A_124 = arith.cmpi slt, %add3A_122, %lt3A_123 : i32
      %convert_element_type3A_125 = arith.extui %lt3A_124 : i1 to i32
      %cond3A_126 = arith.constant 0 : i32
      %cond3A_127 = arith.cmpi ne, %convert_element_type3A_125, %cond3A_126 : i32
      scf.if %cond3A_127 {
        %add3A_128 = arith.constant 2 : i32
        %add3A_129 = arith.addi %add3A_95, %add3A_128 : i32
        %mul3A_130 = arith.constant 80 : i32
        %mul3A_131 = arith.muli %add3A_129, %mul3A_130 : i32
        %dma_start3A_132 = tpu.memref_slice %arg7[%mul3A_131] : memref<5040xi32, #tpu.memory_space<vmem>> -> memref<80xi32, #tpu.memory_space<vmem>>
        %dma_start3A_133 = arith.constant 0 : i32
        %dma_start3A_134 = arith.constant 0 : i32
        %dma_start3A_135 = tpu.memref_slice %arg2[%dma_start3A_133, %dma_start3A_134] : memref<10000x128xf32, #tpu.memory_space<hbm>> -> memref<10000x128xf32, #tpu.memory_space<hbm>>
        tpu.enqueue_indirect_dma source(%dma_start3A_135 : memref<10000x128xf32, #tpu.memory_space<hbm>>) target(%arg12 : memref<80x128xf32, #tpu.memory_space<vmem>>) offsets(%dma_start3A_132 : memref<80xi32, #tpu.memory_space<vmem>>) semaphore(%arg16 : memref<!tpu.dma_semaphore, #tpu.memory_space<semaphore_mem>>)
        %dma_start3A_136 = tpu.memref_slice %arg8[%mul3A_131] : memref<5040xi32, #tpu.memory_space<vmem>> -> memref<80xi32, #tpu.memory_space<vmem>>
        %dma_start3A_137 = arith.constant 0 : i32
        %dma_start3A_138 = arith.constant 0 : i32
        %dma_start3A_139 = tpu.memref_slice %arg3[%dma_start3A_137, %dma_start3A_138] : memref<10000x128xf32, #tpu.memory_space<hbm>> -> memref<10000x128xf32, #tpu.memory_space<hbm>>
        tpu.enqueue_indirect_dma source(%dma_start3A_139 : memref<10000x128xf32, #tpu.memory_space<hbm>>) target(%arg13 : memref<80x128xf32, #tpu.memory_space<vmem>>) offsets(%dma_start3A_136 : memref<80xi32, #tpu.memory_space<vmem>>) semaphore(%arg16 : memref<!tpu.dma_semaphore, #tpu.memory_space<semaphore_mem>>)
      } else {
      }
    }
    %scan3A_25 = arith.constant 31 : i32
    %dma_wait3A = arith.constant 0 : i32
    %dma_wait3A_26 = tpu.memref_slice %arg7[%dma_wait3A] : memref<5040xi32, #tpu.memory_space<vmem>> -> memref<80xi32, #tpu.memory_space<vmem>>
    %dma_wait3A_27 = arith.constant 0 : i32
    %dma_wait3A_28 = arith.constant 0 : i32
    %dma_wait3A_29 = tpu.memref_slice %arg2[%dma_wait3A_27, %dma_wait3A_28] : memref<10000x128xf32, #tpu.memory_space<hbm>> -> memref<10000x128xf32, #tpu.memory_space<hbm>>
    tpu.wait_indirect_dma semaphore(%arg15 : memref<!tpu.dma_semaphore, #tpu.memory_space<semaphore_mem>>) src(%dma_wait3A_29 : memref<10000x128xf32, #tpu.memory_space<hbm>>) dst(%arg9 : memref<80x128xf32, #tpu.memory_space<vmem>>)
    %dma_wait3A_30 = arith.constant 0 : i32
    %dma_wait3A_31 = tpu.memref_slice %arg8[%dma_wait3A_30] : memref<5040xi32, #tpu.memory_space<vmem>> -> memref<80xi32, #tpu.memory_space<vmem>>
    %dma_wait3A_32 = arith.constant 0 : i32
    %dma_wait3A_33 = arith.constant 0 : i32
    %dma_wait3A_34 = tpu.memref_slice %arg3[%dma_wait3A_32, %dma_wait3A_33] : memref<10000x128xf32, #tpu.memory_space<hbm>> -> memref<10000x128xf32, #tpu.memory_space<hbm>>
    tpu.wait_indirect_dma semaphore(%arg15 : memref<!tpu.dma_semaphore, #tpu.memory_space<semaphore_mem>>) src(%dma_wait3A_34 : memref<10000x128xf32, #tpu.memory_space<hbm>>) dst(%arg10 : memref<80x128xf32, #tpu.memory_space<vmem>>)
    %dma_wait3A_35 = arith.constant 0 : i32
    %dma_wait3A_36 = tpu.memref_slice %arg6[%mul3A_2, %dma_wait3A_35] : memref<161280x128xf32, #tpu.memory_space<hbm>> -> memref<80x128xf32, #tpu.memory_space<hbm>>
    %dma_wait3A_37 = arith.constant 0 : i32
    %dma_wait3A_38 = tpu.memref_slice %arg6[%mul3A_2, %dma_wait3A_37] : memref<161280x128xf32, #tpu.memory_space<hbm>> -> memref<80x128xf32, #tpu.memory_space<hbm>>
    tpu.wait_dma2 semaphore(%arg17 : memref<!tpu.dma_semaphore, #tpu.memory_space<semaphore_mem>>) src(%arg11 : memref<80x128xf32, #tpu.memory_space<vmem>>) dst(%dma_wait3A_38 : memref<80x128xf32, #tpu.memory_space<hbm>>)
    %parallel_loop3A = arith.constant 0 : i32
    %parallel_loop3A_39 = arith.constant 80 : i32
    %parallel_loop3A_40 = arith.constant 1 : i32
    scf.for %parallel_loop3A_55 = %parallel_loop3A to %parallel_loop3A_39 step %parallel_loop3A_40  : i32 {
      %parallel_loop3A_56 = arith.index_cast %parallel_loop3A_55 : i32 to index
      %parallel_loop3A_57 = arith.constant 0 : index
      %parallel_loop3A_58 = tpu.vector_load %arg9[%parallel_loop3A_56, %parallel_loop3A_57] {strides = array<i32>} : memref<80x128xf32, #tpu.memory_space<vmem>>, vector<1x16xf32>,
      %parallel_loop3A_59 = vector.shape_cast %parallel_loop3A_58 : vector<1x16xf32> to vector<16xf32>
      %parallel_loop3A_60 = arith.index_cast %parallel_loop3A_55 : i32 to index
      %parallel_loop3A_61 = arith.constant 0 : index
      %parallel_loop3A_62 = tpu.vector_load %arg10[%parallel_loop3A_60, %parallel_loop3A_61] {strides = array<i32>} : memref<80x128xf32, #tpu.memory_space<vmem>>, vector<1x16xf32>,
      %parallel_loop3A_63 = vector.shape_cast %parallel_loop3A_62 : vector<1x16xf32> to vector<16xf32>
      %parallel_loop3A_64 = arith.addf %parallel_loop3A_59, %parallel_loop3A_63 : vector<16xf32>
      %parallel_loop3A_65 = arith.index_cast %parallel_loop3A_55 : i32 to index
      %parallel_loop3A_66 = arith.constant 0 : index
      %parallel_loop3A_67 = tpu.vector_load %arg11[%parallel_loop3A_65, %parallel_loop3A_66] {strides = array<i32>} : memref<80x128xf32, #tpu.memory_space<vmem>>, vector<1x16xf32>,
      %parallel_loop3A_68 = vector.shape_cast %parallel_loop3A_67 : vector<1x16xf32> to vector<16xf32>
      %parallel_loop3A_69 = vector.shape_cast %parallel_loop3A_64 : vector<16xf32> to vector<1x16xf32>
      tpu.vector_store %arg11[%parallel_loop3A_65, %parallel_loop3A_66], %parallel_loop3A_69 {strides = array<i32>} : memref<80x128xf32, #tpu.memory_space<vmem>>, vector<1x16xf32>,
      %parallel_loop3A_70 = arith.index_cast %parallel_loop3A_55 : i32 to index
      %parallel_loop3A_71 = arith.constant 16 : index
      %parallel_loop3A_72 = tpu.vector_load %arg9[%parallel_loop3A_70, %parallel_loop3A_71] {strides = array<i32>} : memref<80x128xf32, #tpu.memory_space<vmem>>, vector<1x16xf32>,
      %parallel_loop3A_73 = vector.shape_cast %parallel_loop3A_72 : vector<1x16xf32> to vector<16xf32>
      %parallel_loop3A_74 = arith.index_cast %parallel_loop3A_55 : i32 to index
      %parallel_loop3A_75 = arith.constant 16 : index
      %parallel_loop3A_76 = tpu.vector_load %arg10[%parallel_loop3A_74, %parallel_loop3A_75] {strides = array<i32>} : memref<80x128xf32, #tpu.memory_space<vmem>>, vector<1x16xf32>,
      %parallel_loop3A_77 = vector.shape_cast %parallel_loop3A_76 : vector<1x16xf32> to vector<16xf32>
      %parallel_loop3A_78 = arith.addf %parallel_loop3A_73, %parallel_loop3A_77 : vector<16xf32>
      %parallel_loop3A_79 = arith.index_cast %parallel_loop3A_55 : i32 to index
      %parallel_loop3A_80 = arith.constant 16 : index
      %parallel_loop3A_81 = tpu.vector_load %arg11[%parallel_loop3A_79, %parallel_loop3A_80] {strides = array<i32>} : memref<80x128xf32, #tpu.memory_space<vmem>>, vector<1x16xf32>,
      %parallel_loop3A_82 = vector.shape_cast %parallel_loop3A_81 : vector<1x16xf32> to vector<16xf32>
      %parallel_loop3A_83 = vector.shape_cast %parallel_loop3A_78 : vector<16xf32> to vector<1x16xf32>
      tpu.vector_store %arg11[%parallel_loop3A_79, %parallel_loop3A_80], %parallel_loop3A_83 {strides = array<i32>} : memref<80x128xf32, #tpu.memory_space<vmem>>, vector<1x16xf32>,
      %parallel_loop3A_84 = arith.index_cast %parallel_loop3A_55 : i32 to index
      %parallel_loop3A_85 = arith.constant 32 : index
      %parallel_loop3A_86 = tpu.vector_load %arg9[%parallel_loop3A_84, %parallel_loop3A_85] {strides = array<i32>} : memref<80x128xf32, #tpu.memory_space<vmem>>, vector<1x16xf32>,
      %parallel_loop3A_87 = vector.shape_cast %parallel_loop3A_86 : vector<1x16xf32> to vector<16xf32>
      %parallel_loop3A_88 = arith.index_cast %parallel_loop3A_55 : i32 to index
      %parallel_loop3A_89 = arith.constant 32 : index
      %parallel_loop3A_90 = tpu.vector_load %arg10[%parallel_loop3A_88, %parallel_loop3A_89] {strides = array<i32>} : memref<80x128xf32, #tpu.memory_space<vmem>>, vector<1x16xf32>,
      %parallel_loop3A_91 = vector.shape_cast %parallel_loop3A_90 : vector<1x16xf32> to vector<16xf32>
      %parallel_loop3A_92 = arith.addf %parallel_loop3A_87, %parallel_loop3A_91 : vector<16xf32>
      %parallel_loop3A_93 = arith.index_cast %parallel_loop3A_55 : i32 to index
      %parallel_loop3A_94 = arith.constant 32 : index
      %parallel_loop3A_95 = tpu.vector_load %arg11[%parallel_loop3A_93, %parallel_loop3A_94] {strides = array<i32>} : memref<80x128xf32, #tpu.memory_space<vmem>>, vector<1x16xf32>,
      %parallel_loop3A_96 = vector.shape_cast %parallel_loop3A_95 : vector<1x16xf32> to vector<16xf32>
      %parallel_loop3A_97 = vector.shape_cast %parallel_loop3A_92 : vector<16xf32> to vector<1x16xf32>
      tpu.vector_store %arg11[%parallel_loop3A_93, %parallel_loop3A_94], %parallel_loop3A_97 {strides = array<i32>} : memref<80x128xf32, #tpu.memory_space<vmem>>, vector<1x16xf32>,
      %parallel_loop3A_98 = arith.index_cast %parallel_loop3A_55 : i32 to index
      %parallel_loop3A_99 = arith.constant 48 : index
      %parallel_loop3A_100 = tpu.vector_load %arg9[%parallel_loop3A_98, %parallel_loop3A_99] {strides = array<i32>} : memref<80x128xf32, #tpu.memory_space<vmem>>, vector<1x16xf32>,
      %parallel_loop3A_101 = vector.shape_cast %parallel_loop3A_100 : vector<1x16xf32> to vector<16xf32>
      %parallel_loop3A_102 = arith.index_cast %parallel_loop3A_55 : i32 to index
      %parallel_loop3A_103 = arith.constant 48 : index
      %parallel_loop3A_104 = tpu.vector_load %arg10[%parallel_loop3A_102, %parallel_loop3A_103] {strides = array<i32>} : memref<80x128xf32, #tpu.memory_space<vmem>>, vector<1x16xf32>,
      %parallel_loop3A_105 = vector.shape_cast %parallel_loop3A_104 : vector<1x16xf32> to vector<16xf32>
      %parallel_loop3A_106 = arith.addf %parallel_loop3A_101, %parallel_loop3A_105 : vector<16xf32>
      %parallel_loop3A_107 = arith.index_cast %parallel_loop3A_55 : i32 to index
      %parallel_loop3A_108 = arith.constant 48 : index
      %parallel_loop3A_109 = tpu.vector_load %arg11[%parallel_loop3A_107, %parallel_loop3A_108] {strides = array<i32>} : memref<80x128xf32, #tpu.memory_space<vmem>>, vector<1x16xf32>,
      %parallel_loop3A_110 = vector.shape_cast %parallel_loop3A_109 : vector<1x16xf32> to vector<16xf32>
      %parallel_loop3A_111 = vector.shape_cast %parallel_loop3A_106 : vector<16xf32> to vector<1x16xf32>
      tpu.vector_store %arg11[%parallel_loop3A_107, %parallel_loop3A_108], %parallel_loop3A_111 {strides = array<i32>} : memref<80x128xf32, #tpu.memory_space<vmem>>, vector<1x16xf32>,
      %parallel_loop3A_112 = arith.index_cast %parallel_loop3A_55 : i32 to index
      %parallel_loop3A_113 = arith.constant 64 : index
      %parallel_loop3A_114 = tpu.vector_load %arg9[%parallel_loop3A_112, %parallel_loop3A_113] {strides = array<i32>} : memref<80x128xf32, #tpu.memory_space<vmem>>, vector<1x16xf32>,
      %parallel_loop3A_115 = vector.shape_cast %parallel_loop3A_114 : vector<1x16xf32> to vector<16xf32>
      %parallel_loop3A_116 = arith.index_cast %parallel_loop3A_55 : i32 to index
      %parallel_loop3A_117 = arith.constant 64 : index
      %parallel_loop3A_118 = tpu.vector_load %arg10[%parallel_loop3A_116, %parallel_loop3A_117] {strides = array<i32>} : memref<80x128xf32, #tpu.memory_space<vmem>>, vector<1x16xf32>,
      %parallel_loop3A_119 = vector.shape_cast %parallel_loop3A_118 : vector<1x16xf32> to vector<16xf32>
      %parallel_loop3A_120 = arith.addf %parallel_loop3A_115, %parallel_loop3A_119 : vector<16xf32>
      %parallel_loop3A_121 = arith.index_cast %parallel_loop3A_55 : i32 to index
      %parallel_loop3A_122 = arith.constant 64 : index
      %parallel_loop3A_123 = tpu.vector_load %arg11[%parallel_loop3A_121, %parallel_loop3A_122] {strides = array<i32>} : memref<80x128xf32, #tpu.memory_space<vmem>>, vector<1x16xf32>,
      %parallel_loop3A_124 = vector.shape_cast %parallel_loop3A_123 : vector<1x16xf32> to vector<16xf32>
      %parallel_loop3A_125 = vector.shape_cast %parallel_loop3A_120 : vector<16xf32> to vector<1x16xf32>
      tpu.vector_store %arg11[%parallel_loop3A_121, %parallel_loop3A_122], %parallel_loop3A_125 {strides = array<i32>} : memref<80x128xf32, #tpu.memory_space<vmem>>, vector<1x16xf32>,
      %parallel_loop3A_126 = arith.index_cast %parallel_loop3A_55 : i32 to index
      %parallel_loop3A_127 = arith.constant 80 : index
      %parallel_loop3A_128 = tpu.vector_load %arg9[%parallel_loop3A_126, %parallel_loop3A_127] {strides = array<i32>} : memref<80x128xf32, #tpu.memory_space<vmem>>, vector<1x16xf32>,
      %parallel_loop3A_129 = vector.shape_cast %parallel_loop3A_128 : vector<1x16xf32> to vector<16xf32>
      %parallel_loop3A_130 = arith.index_cast %parallel_loop3A_55 : i32 to index
      %parallel_loop3A_131 = arith.constant 80 : index
      %parallel_loop3A_132 = tpu.vector_load %arg10[%parallel_loop3A_130, %parallel_loop3A_131] {strides = array<i32>} : memref<80x128xf32, #tpu.memory_space<vmem>>, vector<1x16xf32>,
      %parallel_loop3A_133 = vector.shape_cast %parallel_loop3A_132 : vector<1x16xf32> to vector<16xf32>
      %parallel_loop3A_134 = arith.addf %parallel_loop3A_129, %parallel_loop3A_133 : vector<16xf32>
      %parallel_loop3A_135 = arith.index_cast %parallel_loop3A_55 : i32 to index
      %parallel_loop3A_136 = arith.constant 80 : index
      %parallel_loop3A_137 = tpu.vector_load %arg11[%parallel_loop3A_135, %parallel_loop3A_136] {strides = array<i32>} : memref<80x128xf32, #tpu.memory_space<vmem>>, vector<1x16xf32>,
      %parallel_loop3A_138 = vector.shape_cast %parallel_loop3A_137 : vector<1x16xf32> to vector<16xf32>
      %parallel_loop3A_139 = vector.shape_cast %parallel_loop3A_134 : vector<16xf32> to vector<1x16xf32>
      tpu.vector_store %arg11[%parallel_loop3A_135, %parallel_loop3A_136], %parallel_loop3A_139 {strides = array<i32>} : memref<80x128xf32, #tpu.memory_space<vmem>>, vector<1x16xf32>,
      %parallel_loop3A_140 = arith.index_cast %parallel_loop3A_55 : i32 to index
      %parallel_loop3A_141 = arith.constant 96 : index
      %parallel_loop3A_142 = tpu.vector_load %arg9[%parallel_loop3A_140, %parallel_loop3A_141] {strides = array<i32>} : memref<80x128xf32, #tpu.memory_space<vmem>>, vector<1x16xf32>,
      %parallel_loop3A_143 = vector.shape_cast %parallel_loop3A_142 : vector<1x16xf32> to vector<16xf32>
      %parallel_loop3A_144 = arith.index_cast %parallel_loop3A_55 : i32 to index
      %parallel_loop3A_145 = arith.constant 96 : index
      %parallel_loop3A_146 = tpu.vector_load %arg10[%parallel_loop3A_144, %parallel_loop3A_145] {strides = array<i32>} : memref<80x128xf32, #tpu.memory_space<vmem>>, vector<1x16xf32>,
      %parallel_loop3A_147 = vector.shape_cast %parallel_loop3A_146 : vector<1x16xf32> to vector<16xf32>
      %parallel_loop3A_148 = arith.addf %parallel_loop3A_143, %parallel_loop3A_147 : vector<16xf32>
      %parallel_loop3A_149 = arith.index_cast %parallel_loop3A_55 : i32 to index
      %parallel_loop3A_150 = arith.constant 96 : index
      %parallel_loop3A_151 = tpu.vector_load %arg11[%parallel_loop3A_149, %parallel_loop3A_150] {strides = array<i32>} : memref<80x128xf32, #tpu.memory_space<vmem>>, vector<1x16xf32>,
      %parallel_loop3A_152 = vector.shape_cast %parallel_loop3A_151 : vector<1x16xf32> to vector<16xf32>
      %parallel_loop3A_153 = vector.shape_cast %parallel_loop3A_148 : vector<16xf32> to vector<1x16xf32>
      tpu.vector_store %arg11[%parallel_loop3A_149, %parallel_loop3A_150], %parallel_loop3A_153 {strides = array<i32>} : memref<80x128xf32, #tpu.memory_space<vmem>>, vector<1x16xf32>,
      %parallel_loop3A_154 = arith.index_cast %parallel_loop3A_55 : i32 to index
      %parallel_loop3A_155 = arith.constant 112 : index
      %parallel_loop3A_156 = tpu.vector_load %arg9[%parallel_loop3A_154, %parallel_loop3A_155] {strides = array<i32>} : memref<80x128xf32, #tpu.memory_space<vmem>>, vector<1x16xf32>,
      %parallel_loop3A_157 = vector.shape_cast %parallel_loop3A_156 : vector<1x16xf32> to vector<16xf32>
      %parallel_loop3A_158 = arith.index_cast %parallel_loop3A_55 : i32 to index
      %parallel_loop3A_159 = arith.constant 112 : index
      %parallel_loop3A_160 = tpu.vector_load %arg10[%parallel_loop3A_158, %parallel_loop3A_159] {strides = array<i32>} : memref<80x128xf32, #tpu.memory_space<vmem>>, vector<1x16xf32>,
      %parallel_loop3A_161 = vector.shape_cast %parallel_loop3A_160 : vector<1x16xf32> to vector<16xf32>
      %parallel_loop3A_162 = arith.addf %parallel_loop3A_157, %parallel_loop3A_161 : vector<16xf32>
      %parallel_loop3A_163 = arith.index_cast %parallel_loop3A_55 : i32 to index
      %parallel_loop3A_164 = arith.constant 112 : index
      %parallel_loop3A_165 = tpu.vector_load %arg11[%parallel_loop3A_163, %parallel_loop3A_164] {strides = array<i32>} : memref<80x128xf32, #tpu.memory_space<vmem>>, vector<1x16xf32>,
      %parallel_loop3A_166 = vector.shape_cast %parallel_loop3A_165 : vector<1x16xf32> to vector<16xf32>
      %parallel_loop3A_167 = vector.shape_cast %parallel_loop3A_162 : vector<16xf32> to vector<1x16xf32>
      tpu.vector_store %arg11[%parallel_loop3A_163, %parallel_loop3A_164], %parallel_loop3A_167 {strides = array<i32>} : memref<80x128xf32, #tpu.memory_space<vmem>>, vector<1x16xf32>,
    } {sc.loop_unroll_factor = 1 : i64, sc.parallel_access}
    %add3A_41 = arith.constant 4960 : i32
    %add3A_42 = arith.addi %mul3A_2, %add3A_41 : i32
    %dma_start3A_43 = arith.constant 0 : i32
    %dma_start3A_44 = tpu.memref_slice %arg6[%add3A_42, %dma_start3A_43] : memref<161280x128xf32, #tpu.memory_space<hbm>> -> memref<80x128xf32, #tpu.memory_space<hbm>>
    %dma_start3A_45 = arith.constant 0 : i32
    %dma_start3A_46 = tpu.memref_slice %arg6[%add3A_42, %dma_start3A_45] : memref<161280x128xf32, #tpu.memory_space<hbm>> -> memref<80x128xf32, #tpu.memory_space<hbm>>
    tpu.enqueue_dma source(%arg11 : memref<80x128xf32, #tpu.memory_space<vmem>>) target(%dma_start3A_46 : memref<80x128xf32, #tpu.memory_space<hbm>>) target_semaphore(%arg17 : memref<!tpu.dma_semaphore, #tpu.memory_space<semaphore_mem>>)
    %dma_wait3A_47 = arith.constant 0 : i32
    %dma_wait3A_48 = tpu.memref_slice %arg6[%mul3A_2, %dma_wait3A_47] : memref<161280x128xf32, #tpu.memory_space<hbm>> -> memref<80x128xf32, #tpu.memory_space<hbm>>
    %dma_wait3A_49 = arith.constant 0 : i32
    %dma_wait3A_50 = tpu.memref_slice %arg6[%mul3A_2, %dma_wait3A_49] : memref<161280x128xf32, #tpu.memory_space<hbm>> -> memref<80x128xf32, #tpu.memory_space<hbm>>
    tpu.wait_dma2 semaphore(%arg17 : memref<!tpu.dma_semaphore, #tpu.memory_space<semaphore_mem>>) src(%arg11 : memref<80x128xf32, #tpu.memory_space<vmem>>) dst(%dma_wait3A_50 : memref<80x128xf32, #tpu.memory_space<hbm>>)
    %dma_wait3A_51 = arith.constant 0 : i32
    %dma_wait3A_52 = tpu.memref_slice %arg6[%mul3A_2, %dma_wait3A_51] : memref<161280x128xf32, #tpu.memory_space<hbm>> -> memref<80x128xf32, #tpu.memory_space<hbm>>
    %dma_wait3A_53 = arith.constant 0 : i32
    %dma_wait3A_54 = tpu.memref_slice %arg6[%mul3A_2, %dma_wait3A_53] : memref<161280x128xf32, #tpu.memory_space<hbm>> -> memref<80x128xf32, #tpu.memory_space<hbm>>
    tpu.wait_dma2 semaphore(%arg18 : memref<!tpu.dma_semaphore, #tpu.memory_space<semaphore_mem>>) src(%arg14 : memref<80x128xf32, #tpu.memory_space<vmem>>) dst(%dma_wait3A_54 : memref<80x128xf32, #tpu.memory_space<hbm>>)
    return
  }
}

#map = affine_map<(d0, d1) -> (0, 0)>
#map1 = affine_map<(d0, d1) -> (0)>
#map2 = affine_map<(d0, d1) -> (0, 0, 0)>
module attributes {stable_mosaic.version = 14 : i64} {
  func.func @_scatter_add_body(%arg0: i32, %arg1: i32, %arg2: memref<158720x128xf32, #tpu.memory_space<hbm>>, %arg3: memref<158720xi32, #tpu.memory_space<hbm>>, %arg4: memref<2x10000x128xf32, #tpu.memory_space<hbm>>, %arg5: memref<2x10000x128xf32, #tpu.memory_space<hbm>>, %arg6: memref<80xi32, #tpu.memory_space<vmem>>, %arg7: memref<80x128xf32, #tpu.memory_space<vmem>>, %arg8: memref<80xi32, #tpu.memory_space<vmem>>, %arg9: memref<80x128xf32, #tpu.memory_space<vmem>>, %arg10: memref<10000x128xf32, #tpu.memory_space<vmem_shared>>, %arg11: memref<!tpu.dma_semaphore, #tpu.memory_space<semaphore_mem>>, %arg12: memref<!tpu.dma_semaphore, #tpu.memory_space<semaphore_mem>>) attributes {dimension_semantics = [#tpu.dimension_semantics<core_parallel>, #tpu.dimension_semantics<subcore_parallel>], iteration_bounds = array<i64: 2, 16>, scalar_prefetch = 0 : i64, scratch_operands = 7 : i64, tpu.core_type = #tpu.core_type<sc_vector_subcore>, window_params = [{transform_indices = #map}, {transform_indices = #map1}, {transform_indices = #map2}, {transform_indices = #map2}]} {
    %mul3A = arith.constant 2 : i32
    %mul3A_0 = arith.muli %arg1, %mul3A : i32
    %add3A = arith.addi %mul3A_0, %arg0 : i32
    %mul3A_1 = arith.constant 4960 : i32
    %mul3A_2 = arith.muli %add3A, %mul3A_1 : i32
    %mul3A_3 = arith.constant 624 : i32
    %mul3A_4 = arith.muli %arg1, %mul3A_3 : i32
    "tpu.region"() ({
      %run_scoped3A = tpu.sem_alloc : memref<!tpu.dma_semaphore, #tpu.memory_space<semaphore_mem>>
      %dma_start3A_32 = arith.constant 0 : i32
      %dma_start3A_33 = tpu.memref_slice %arg10[%mul3A_4, %dma_start3A_32] : memref<10000x128xf32, #tpu.memory_space<vmem_shared>> -> memref<624x128xf32, #tpu.memory_space<vmem_shared>>
      %dma_start3A_34 = arith.constant 0 : i32
      %dma_start3A_35 = tpu.memref_slice %arg4[%arg0, %mul3A_4, %dma_start3A_34] : memref<2x10000x128xf32, #tpu.memory_space<hbm>> -> memref<1x624x128xf32, #tpu.memory_space<hbm>>
      %dma_start3A_36 = tpu.memref_squeeze %dma_start3A_35 : memref<1x624x128xf32, #tpu.memory_space<hbm>> -> memref<624x128xf32, #tpu.memory_space<hbm>>
      tpu.enqueue_dma source(%dma_start3A_36 : memref<624x128xf32, #tpu.memory_space<hbm>>) target(%dma_start3A_33 : memref<624x128xf32, #tpu.memory_space<vmem_shared>>) target_semaphore(%run_scoped3A : memref<!tpu.dma_semaphore, #tpu.memory_space<semaphore_mem>>)
      %dma_wait3A = arith.constant 0 : i32
      %dma_wait3A_37 = tpu.memref_slice %arg10[%mul3A_4, %dma_wait3A] : memref<10000x128xf32, #tpu.memory_space<vmem_shared>> -> memref<624x128xf32, #tpu.memory_space<vmem_shared>>
      %dma_wait3A_38 = arith.constant 0 : i32
      %dma_wait3A_39 = tpu.memref_slice %arg4[%arg0, %mul3A_4, %dma_wait3A_38] : memref<2x10000x128xf32, #tpu.memory_space<hbm>> -> memref<1x624x128xf32, #tpu.memory_space<hbm>>
      %dma_wait3A_40 = tpu.memref_squeeze %dma_wait3A_39 : memref<1x624x128xf32, #tpu.memory_space<hbm>> -> memref<624x128xf32, #tpu.memory_space<hbm>>
      tpu.wait_dma2 semaphore(%run_scoped3A : memref<!tpu.dma_semaphore, #tpu.memory_space<semaphore_mem>>) src(%dma_wait3A_40 : memref<624x128xf32, #tpu.memory_space<hbm>>) dst(%dma_wait3A_37 : memref<624x128xf32, #tpu.memory_space<vmem_shared>>)
      tpu.yield
    }) : () -> ()
    %eq3A = arith.constant 15 : i32
    %eq3A_5 = arith.cmpi eq, %arg1, %eq3A : i32
    %convert_element_type3A = arith.extui %eq3A_5 : i1 to i32
    %cond3A = arith.constant 0 : i32
    %cond3A_6 = arith.cmpi ne, %convert_element_type3A, %cond3A : i32
    scf.if %cond3A_6 {
      "tpu.region"() ({
        %run_scoped3A = tpu.sem_alloc : memref<!tpu.dma_semaphore, #tpu.memory_space<semaphore_mem>>
        %dma_start3A_32 = arith.constant 9984 : i32
        %dma_start3A_33 = arith.constant 0 : i32
        %dma_start3A_34 = tpu.memref_slice %arg10[%dma_start3A_32, %dma_start3A_33] : memref<10000x128xf32, #tpu.memory_space<vmem_shared>> -> memref<16x128xf32, #tpu.memory_space<vmem_shared>>
        %dma_start3A_35 = arith.constant 9984 : i32
        %dma_start3A_36 = arith.constant 0 : i32
        %dma_start3A_37 = tpu.memref_slice %arg4[%arg0, %dma_start3A_35, %dma_start3A_36] : memref<2x10000x128xf32, #tpu.memory_space<hbm>> -> memref<1x16x128xf32, #tpu.memory_space<hbm>>
        %dma_start3A_38 = tpu.memref_squeeze %dma_start3A_37 : memref<1x16x128xf32, #tpu.memory_space<hbm>> -> memref<16x128xf32, #tpu.memory_space<hbm>>
        tpu.enqueue_dma source(%dma_start3A_38 : memref<16x128xf32, #tpu.memory_space<hbm>>) target(%dma_start3A_34 : memref<16x128xf32, #tpu.memory_space<vmem_shared>>) target_semaphore(%run_scoped3A : memref<!tpu.dma_semaphore, #tpu.memory_space<semaphore_mem>>)
        %dma_wait3A = arith.constant 9984 : i32
        %dma_wait3A_39 = arith.constant 0 : i32
        %dma_wait3A_40 = tpu.memref_slice %arg10[%dma_wait3A, %dma_wait3A_39] : memref<10000x128xf32, #tpu.memory_space<vmem_shared>> -> memref<16x128xf32, #tpu.memory_space<vmem_shared>>
        %dma_wait3A_41 = arith.constant 9984 : i32
        %dma_wait3A_42 = arith.constant 0 : i32
        %dma_wait3A_43 = tpu.memref_slice %arg4[%arg0, %dma_wait3A_41, %dma_wait3A_42] : memref<2x10000x128xf32, #tpu.memory_space<hbm>> -> memref<1x16x128xf32, #tpu.memory_space<hbm>>
        %dma_wait3A_44 = tpu.memref_squeeze %dma_wait3A_43 : memref<1x16x128xf32, #tpu.memory_space<hbm>> -> memref<16x128xf32, #tpu.memory_space<hbm>>
        tpu.wait_dma2 semaphore(%run_scoped3A : memref<!tpu.dma_semaphore, #tpu.memory_space<semaphore_mem>>) src(%dma_wait3A_44 : memref<16x128xf32, #tpu.memory_space<hbm>>) dst(%dma_wait3A_40 : memref<16x128xf32, #tpu.memory_space<vmem_shared>>)
        tpu.yield
      }) : () -> ()
    } else {
    }
    %barrier3A = arith.constant 0 : index
    tpu.barrier barrier_id(%barrier3A)
    %add3A_7 = arith.constant 0 : i32
    %add3A_8 = arith.addi %mul3A_2, %add3A_7 : i32
    %dma_start3A = tpu.memref_slice %arg3[%add3A_8] : memref<158720xi32, #tpu.memory_space<hbm>> -> memref<80xi32, #tpu.memory_space<hbm>>
    %dma_start3A_9 = tpu.memref_slice %arg3[%add3A_8] : memref<158720xi32, #tpu.memory_space<hbm>> -> memref<80xi32, #tpu.memory_space<hbm>>
    tpu.enqueue_dma source(%dma_start3A_9 : memref<80xi32, #tpu.memory_space<hbm>>) target(%arg6 : memref<80xi32, #tpu.memory_space<vmem>>) target_semaphore(%arg11 : memref<!tpu.dma_semaphore, #tpu.memory_space<semaphore_mem>>)
    %dma_start3A_10 = arith.constant 0 : i32
    %dma_start3A_11 = tpu.memref_slice %arg2[%add3A_8, %dma_start3A_10] : memref<158720x128xf32, #tpu.memory_space<hbm>> -> memref<80x128xf32, #tpu.memory_space<hbm>>
    %dma_start3A_12 = arith.constant 0 : i32
    %dma_start3A_13 = tpu.memref_slice %arg2[%add3A_8, %dma_start3A_12] : memref<158720x128xf32, #tpu.memory_space<hbm>> -> memref<80x128xf32, #tpu.memory_space<hbm>>
    tpu.enqueue_dma source(%dma_start3A_13 : memref<80x128xf32, #tpu.memory_space<hbm>>) target(%arg7 : memref<80x128xf32, #tpu.memory_space<vmem>>) target_semaphore(%arg11 : memref<!tpu.dma_semaphore, #tpu.memory_space<semaphore_mem>>)
    %add3A_14 = arith.constant 80 : i32
    %add3A_15 = arith.addi %mul3A_2, %add3A_14 : i32
    %dma_start3A_16 = tpu.memref_slice %arg3[%add3A_15] : memref<158720xi32, #tpu.memory_space<hbm>> -> memref<80xi32, #tpu.memory_space<hbm>>
    %dma_start3A_17 = tpu.memref_slice %arg3[%add3A_15] : memref<158720xi32, #tpu.memory_space<hbm>> -> memref<80xi32, #tpu.memory_space<hbm>>
    tpu.enqueue_dma source(%dma_start3A_17 : memref<80xi32, #tpu.memory_space<hbm>>) target(%arg8 : memref<80xi32, #tpu.memory_space<vmem>>) target_semaphore(%arg12 : memref<!tpu.dma_semaphore, #tpu.memory_space<semaphore_mem>>)
    %dma_start3A_18 = arith.constant 0 : i32
    %dma_start3A_19 = tpu.memref_slice %arg2[%add3A_15, %dma_start3A_18] : memref<158720x128xf32, #tpu.memory_space<hbm>> -> memref<80x128xf32, #tpu.memory_space<hbm>>
    %dma_start3A_20 = arith.constant 0 : i32
    %dma_start3A_21 = tpu.memref_slice %arg2[%add3A_15, %dma_start3A_20] : memref<158720x128xf32, #tpu.memory_space<hbm>> -> memref<80x128xf32, #tpu.memory_space<hbm>>
    tpu.enqueue_dma source(%dma_start3A_21 : memref<80x128xf32, #tpu.memory_space<hbm>>) target(%arg9 : memref<80x128xf32, #tpu.memory_space<vmem>>) target_semaphore(%arg12 : memref<!tpu.dma_semaphore, #tpu.memory_space<semaphore_mem>>)
    %scan3A = arith.constant 0 : i32
    %scan3A_22 = arith.constant 31 : i32
    %scan3A_23 = arith.addi %scan3A, %scan3A_22 : i32
    %scan3A_24 = arith.constant 1 : i32
    scf.for %scan3A_32 = %scan3A to %scan3A_23 step %scan3A_24  : i32 {
      %mul3A_33 = arith.constant 1 : i32
      %mul3A_34 = arith.muli %scan3A_32, %mul3A_33 : i32
      %add3A_35 = arith.constant 0 : i32
      %add3A_36 = arith.addi %add3A_35, %mul3A_34 : i32
      %mul3A_37 = arith.constant 2 : i32
      %mul3A_38 = arith.muli %mul3A_37, %add3A_36 : i32
      %add3A_39 = arith.constant 0 : i32
      %add3A_40 = arith.addi %mul3A_38, %add3A_39 : i32
      %dma_wait3A = tpu.memref_slice %arg3[%mul3A_2] : memref<158720xi32, #tpu.memory_space<hbm>> -> memref<80xi32, #tpu.memory_space<hbm>>
      %dma_wait3A_41 = tpu.memref_slice %arg3[%mul3A_2] : memref<158720xi32, #tpu.memory_space<hbm>> -> memref<80xi32, #tpu.memory_space<hbm>>
      tpu.wait_dma2 semaphore(%arg11 : memref<!tpu.dma_semaphore, #tpu.memory_space<semaphore_mem>>) src(%dma_wait3A_41 : memref<80xi32, #tpu.memory_space<hbm>>) dst(%arg6 : memref<80xi32, #tpu.memory_space<vmem>>)
      %dma_wait3A_42 = arith.constant 0 : i32
      %dma_wait3A_43 = tpu.memref_slice %arg2[%mul3A_2, %dma_wait3A_42] : memref<158720x128xf32, #tpu.memory_space<hbm>> -> memref<80x128xf32, #tpu.memory_space<hbm>>
      %dma_wait3A_44 = arith.constant 0 : i32
      %dma_wait3A_45 = tpu.memref_slice %arg2[%mul3A_2, %dma_wait3A_44] : memref<158720x128xf32, #tpu.memory_space<hbm>> -> memref<80x128xf32, #tpu.memory_space<hbm>>
      tpu.wait_dma2 semaphore(%arg11 : memref<!tpu.dma_semaphore, #tpu.memory_space<semaphore_mem>>) src(%dma_wait3A_45 : memref<80x128xf32, #tpu.memory_space<hbm>>) dst(%arg7 : memref<80x128xf32, #tpu.memory_space<vmem>>)
      "tpu.region"() ({
        %run_scoped3A = tpu.sem_alloc : memref<!tpu.dma_semaphore, #tpu.memory_space<semaphore_mem>>
        %dma_start3A_69 = arith.constant 0 : i32
        %dma_start3A_70 = arith.constant 0 : i32
        %dma_start3A_71 = tpu.memref_slice %arg10[%dma_start3A_69, %dma_start3A_70] : memref<10000x128xf32, #tpu.memory_space<vmem_shared>> -> memref<10000x128xf32, #tpu.memory_space<vmem_shared>>
        tpu.enqueue_indirect_dma source(%arg7 : memref<80x128xf32, #tpu.memory_space<vmem>>) target(%dma_start3A_71 : memref<10000x128xf32, #tpu.memory_space<vmem_shared>>) offsets(%arg6 : memref<80xi32, #tpu.memory_space<vmem>>) semaphore(%run_scoped3A : memref<!tpu.dma_semaphore, #tpu.memory_space<semaphore_mem>>) {add = true}
        %dma_wait3A_72 = arith.constant 0 : i32
        %dma_wait3A_73 = arith.constant 0 : i32
        %dma_wait3A_74 = tpu.memref_slice %arg10[%dma_wait3A_72, %dma_wait3A_73] : memref<10000x128xf32, #tpu.memory_space<vmem_shared>> -> memref<10000x128xf32, #tpu.memory_space<vmem_shared>>
        tpu.wait_indirect_dma semaphore(%run_scoped3A : memref<!tpu.dma_semaphore, #tpu.memory_space<semaphore_mem>>) src(%arg7 : memref<80x128xf32, #tpu.memory_space<vmem>>) dst(%dma_wait3A_74 : memref<10000x128xf32, #tpu.memory_space<vmem_shared>>)
        tpu.yield
      }) : () -> ()
      %add3A_46 = arith.constant 2 : i32
      %add3A_47 = arith.addi %add3A_40, %add3A_46 : i32
      %lt3A = arith.constant 62 : i32
      %lt3A_48 = arith.cmpi slt, %add3A_47, %lt3A : i32
      %convert_element_type3A_49 = arith.extui %lt3A_48 : i1 to i32
      %cond3A_50 = arith.constant 0 : i32
      %cond3A_51 = arith.cmpi ne, %convert_element_type3A_49, %cond3A_50 : i32
      scf.if %cond3A_51 {
        %add3A_69 = arith.constant 2 : i32
        %add3A_70 = arith.addi %add3A_40, %add3A_69 : i32
        %mul3A_71 = arith.constant 80 : i32
        %mul3A_72 = arith.muli %add3A_70, %mul3A_71 : i32
        %add3A_73 = arith.addi %mul3A_2, %mul3A_72 : i32
        %dma_start3A_74 = tpu.memref_slice %arg3[%add3A_73] : memref<158720xi32, #tpu.memory_space<hbm>> -> memref<80xi32, #tpu.memory_space<hbm>>
        %dma_start3A_75 = tpu.memref_slice %arg3[%add3A_73] : memref<158720xi32, #tpu.memory_space<hbm>> -> memref<80xi32, #tpu.memory_space<hbm>>
        tpu.enqueue_dma source(%dma_start3A_75 : memref<80xi32, #tpu.memory_space<hbm>>) target(%arg6 : memref<80xi32, #tpu.memory_space<vmem>>) target_semaphore(%arg11 : memref<!tpu.dma_semaphore, #tpu.memory_space<semaphore_mem>>)
        %dma_start3A_76 = arith.constant 0 : i32
        %dma_start3A_77 = tpu.memref_slice %arg2[%add3A_73, %dma_start3A_76] : memref<158720x128xf32, #tpu.memory_space<hbm>> -> memref<80x128xf32, #tpu.memory_space<hbm>>
        %dma_start3A_78 = arith.constant 0 : i32
        %dma_start3A_79 = tpu.memref_slice %arg2[%add3A_73, %dma_start3A_78] : memref<158720x128xf32, #tpu.memory_space<hbm>> -> memref<80x128xf32, #tpu.memory_space<hbm>>
        tpu.enqueue_dma source(%dma_start3A_79 : memref<80x128xf32, #tpu.memory_space<hbm>>) target(%arg7 : memref<80x128xf32, #tpu.memory_space<vmem>>) target_semaphore(%arg11 : memref<!tpu.dma_semaphore, #tpu.memory_space<semaphore_mem>>)
      } else {
      }
      %mul3A_52 = arith.constant 2 : i32
      %mul3A_53 = arith.muli %mul3A_52, %add3A_36 : i32
      %add3A_54 = arith.constant 1 : i32
      %add3A_55 = arith.addi %mul3A_53, %add3A_54 : i32
      %dma_wait3A_56 = tpu.memref_slice %arg3[%mul3A_2] : memref<158720xi32, #tpu.memory_space<hbm>> -> memref<80xi32, #tpu.memory_space<hbm>>
      %dma_wait3A_57 = tpu.memref_slice %arg3[%mul3A_2] : memref<158720xi32, #tpu.memory_space<hbm>> -> memref<80xi32, #tpu.memory_space<hbm>>
      tpu.wait_dma2 semaphore(%arg12 : memref<!tpu.dma_semaphore, #tpu.memory_space<semaphore_mem>>) src(%dma_wait3A_57 : memref<80xi32, #tpu.memory_space<hbm>>) dst(%arg8 : memref<80xi32, #tpu.memory_space<vmem>>)
      %dma_wait3A_58 = arith.constant 0 : i32
      %dma_wait3A_59 = tpu.memref_slice %arg2[%mul3A_2, %dma_wait3A_58] : memref<158720x128xf32, #tpu.memory_space<hbm>> -> memref<80x128xf32, #tpu.memory_space<hbm>>
      %dma_wait3A_60 = arith.constant 0 : i32
      %dma_wait3A_61 = tpu.memref_slice %arg2[%mul3A_2, %dma_wait3A_60] : memref<158720x128xf32, #tpu.memory_space<hbm>> -> memref<80x128xf32, #tpu.memory_space<hbm>>
      tpu.wait_dma2 semaphore(%arg12 : memref<!tpu.dma_semaphore, #tpu.memory_space<semaphore_mem>>) src(%dma_wait3A_61 : memref<80x128xf32, #tpu.memory_space<hbm>>) dst(%arg9 : memref<80x128xf32, #tpu.memory_space<vmem>>)
      "tpu.region"() ({
        %run_scoped3A = tpu.sem_alloc : memref<!tpu.dma_semaphore, #tpu.memory_space<semaphore_mem>>
        %dma_start3A_69 = arith.constant 0 : i32
        %dma_start3A_70 = arith.constant 0 : i32
        %dma_start3A_71 = tpu.memref_slice %arg10[%dma_start3A_69, %dma_start3A_70] : memref<10000x128xf32, #tpu.memory_space<vmem_shared>> -> memref<10000x128xf32, #tpu.memory_space<vmem_shared>>
        tpu.enqueue_indirect_dma source(%arg9 : memref<80x128xf32, #tpu.memory_space<vmem>>) target(%dma_start3A_71 : memref<10000x128xf32, #tpu.memory_space<vmem_shared>>) offsets(%arg8 : memref<80xi32, #tpu.memory_space<vmem>>) semaphore(%run_scoped3A : memref<!tpu.dma_semaphore, #tpu.memory_space<semaphore_mem>>) {add = true}
        %dma_wait3A_72 = arith.constant 0 : i32
        %dma_wait3A_73 = arith.constant 0 : i32
        %dma_wait3A_74 = tpu.memref_slice %arg10[%dma_wait3A_72, %dma_wait3A_73] : memref<10000x128xf32, #tpu.memory_space<vmem_shared>> -> memref<10000x128xf32, #tpu.memory_space<vmem_shared>>
        tpu.wait_indirect_dma semaphore(%run_scoped3A : memref<!tpu.dma_semaphore, #tpu.memory_space<semaphore_mem>>) src(%arg9 : memref<80x128xf32, #tpu.memory_space<vmem>>) dst(%dma_wait3A_74 : memref<10000x128xf32, #tpu.memory_space<vmem_shared>>)
        tpu.yield
      }) : () -> ()
      %add3A_62 = arith.constant 2 : i32
      %add3A_63 = arith.addi %add3A_55, %add3A_62 : i32
      %lt3A_64 = arith.constant 62 : i32
      %lt3A_65 = arith.cmpi slt, %add3A_63, %lt3A_64 : i32
      %convert_element_type3A_66 = arith.extui %lt3A_65 : i1 to i32
      %cond3A_67 = arith.constant 0 : i32
      %cond3A_68 = arith.cmpi ne, %convert_element_type3A_66, %cond3A_67 : i32
      scf.if %cond3A_68 {
        %add3A_69 = arith.constant 2 : i32
        %add3A_70 = arith.addi %add3A_55, %add3A_69 : i32
        %mul3A_71 = arith.constant 80 : i32
        %mul3A_72 = arith.muli %add3A_70, %mul3A_71 : i32
        %add3A_73 = arith.addi %mul3A_2, %mul3A_72 : i32
        %dma_start3A_74 = tpu.memref_slice %arg3[%add3A_73] : memref<158720xi32, #tpu.memory_space<hbm>> -> memref<80xi32, #tpu.memory_space<hbm>>
        %dma_start3A_75 = tpu.memref_slice %arg3[%add3A_73] : memref<158720xi32, #tpu.memory_space<hbm>> -> memref<80xi32, #tpu.memory_space<hbm>>
        tpu.enqueue_dma source(%dma_start3A_75 : memref<80xi32, #tpu.memory_space<hbm>>) target(%arg8 : memref<80xi32, #tpu.memory_space<vmem>>) target_semaphore(%arg12 : memref<!tpu.dma_semaphore, #tpu.memory_space<semaphore_mem>>)
        %dma_start3A_76 = arith.constant 0 : i32
        %dma_start3A_77 = tpu.memref_slice %arg2[%add3A_73, %dma_start3A_76] : memref<158720x128xf32, #tpu.memory_space<hbm>> -> memref<80x128xf32, #tpu.memory_space<hbm>>
        %dma_start3A_78 = arith.constant 0 : i32
        %dma_start3A_79 = tpu.memref_slice %arg2[%add3A_73, %dma_start3A_78] : memref<158720x128xf32, #tpu.memory_space<hbm>> -> memref<80x128xf32, #tpu.memory_space<hbm>>
        tpu.enqueue_dma source(%dma_start3A_79 : memref<80x128xf32, #tpu.memory_space<hbm>>) target(%arg9 : memref<80x128xf32, #tpu.memory_space<vmem>>) target_semaphore(%arg12 : memref<!tpu.dma_semaphore, #tpu.memory_space<semaphore_mem>>)
      } else {
      }
    }
    %scan3A_25 = arith.constant 31 : i32
    %barrier3A_26 = arith.constant 0 : index
    tpu.barrier barrier_id(%barrier3A_26)
    "tpu.region"() ({
      %run_scoped3A = tpu.sem_alloc : memref<!tpu.dma_semaphore, #tpu.memory_space<semaphore_mem>>
      %dma_start3A_32 = arith.constant 0 : i32
      %dma_start3A_33 = tpu.memref_slice %arg5[%arg0, %mul3A_4, %dma_start3A_32] : memref<2x10000x128xf32, #tpu.memory_space<hbm>> -> memref<1x624x128xf32, #tpu.memory_space<hbm>>
      %dma_start3A_34 = tpu.memref_squeeze %dma_start3A_33 : memref<1x624x128xf32, #tpu.memory_space<hbm>> -> memref<624x128xf32, #tpu.memory_space<hbm>>
      %dma_start3A_35 = arith.constant 0 : i32
      %dma_start3A_36 = tpu.memref_slice %arg10[%mul3A_4, %dma_start3A_35] : memref<10000x128xf32, #tpu.memory_space<vmem_shared>> -> memref<624x128xf32, #tpu.memory_space<vmem_shared>>
      tpu.enqueue_dma source(%dma_start3A_36 : memref<624x128xf32, #tpu.memory_space<vmem_shared>>) target(%dma_start3A_34 : memref<624x128xf32, #tpu.memory_space<hbm>>) target_semaphore(%run_scoped3A : memref<!tpu.dma_semaphore, #tpu.memory_space<semaphore_mem>>)
      %dma_wait3A = arith.constant 0 : i32
      %dma_wait3A_37 = tpu.memref_slice %arg5[%arg0, %mul3A_4, %dma_wait3A] : memref<2x10000x128xf32, #tpu.memory_space<hbm>> -> memref<1x624x128xf32, #tpu.memory_space<hbm>>
      %dma_wait3A_38 = tpu.memref_squeeze %dma_wait3A_37 : memref<1x624x128xf32, #tpu.memory_space<hbm>> -> memref<624x128xf32, #tpu.memory_space<hbm>>
      %dma_wait3A_39 = arith.constant 0 : i32
      %dma_wait3A_40 = tpu.memref_slice %arg10[%mul3A_4, %dma_wait3A_39] : memref<10000x128xf32, #tpu.memory_space<vmem_shared>> -> memref<624x128xf32, #tpu.memory_space<vmem_shared>>
      tpu.wait_dma2 semaphore(%run_scoped3A : memref<!tpu.dma_semaphore, #tpu.memory_space<semaphore_mem>>) src(%dma_wait3A_40 : memref<624x128xf32, #tpu.memory_space<vmem_shared>>) dst(%dma_wait3A_38 : memref<624x128xf32, #tpu.memory_space<hbm>>)
      tpu.yield
    }) : () -> ()
    %eq3A_27 = arith.constant 15 : i32
    %eq3A_28 = arith.cmpi eq, %arg1, %eq3A_27 : i32
    %convert_element_type3A_29 = arith.extui %eq3A_28 : i1 to i32
    %cond3A_30 = arith.constant 0 : i32
    %cond3A_31 = arith.cmpi ne, %convert_element_type3A_29, %cond3A_30 : i32
    scf.if %cond3A_31 {
      "tpu.region"() ({
        %run_scoped3A = tpu.sem_alloc : memref<!tpu.dma_semaphore, #tpu.memory_space<semaphore_mem>>
        %dma_start3A_32 = arith.constant 9984 : i32
        %dma_start3A_33 = arith.constant 0 : i32
        %dma_start3A_34 = tpu.memref_slice %arg5[%arg0, %dma_start3A_32, %dma_start3A_33] : memref<2x10000x128xf32, #tpu.memory_space<hbm>> -> memref<1x16x128xf32, #tpu.memory_space<hbm>>
        %dma_start3A_35 = tpu.memref_squeeze %dma_start3A_34 : memref<1x16x128xf32, #tpu.memory_space<hbm>> -> memref<16x128xf32, #tpu.memory_space<hbm>>
        %dma_start3A_36 = arith.constant 9984 : i32
        %dma_start3A_37 = arith.constant 0 : i32
        %dma_start3A_38 = tpu.memref_slice %arg10[%dma_start3A_36, %dma_start3A_37] : memref<10000x128xf32, #tpu.memory_space<vmem_shared>> -> memref<16x128xf32, #tpu.memory_space<vmem_shared>>
        tpu.enqueue_dma source(%dma_start3A_38 : memref<16x128xf32, #tpu.memory_space<vmem_shared>>) target(%dma_start3A_35 : memref<16x128xf32, #tpu.memory_space<hbm>>) target_semaphore(%run_scoped3A : memref<!tpu.dma_semaphore, #tpu.memory_space<semaphore_mem>>)
        %dma_wait3A = arith.constant 9984 : i32
        %dma_wait3A_39 = arith.constant 0 : i32
        %dma_wait3A_40 = tpu.memref_slice %arg5[%arg0, %dma_wait3A, %dma_wait3A_39] : memref<2x10000x128xf32, #tpu.memory_space<hbm>> -> memref<1x16x128xf32, #tpu.memory_space<hbm>>
        %dma_wait3A_41 = tpu.memref_squeeze %dma_wait3A_40 : memref<1x16x128xf32, #tpu.memory_space<hbm>> -> memref<16x128xf32, #tpu.memory_space<hbm>>
        %dma_wait3A_42 = arith.constant 9984 : i32
        %dma_wait3A_43 = arith.constant 0 : i32
        %dma_wait3A_44 = tpu.memref_slice %arg10[%dma_wait3A_42, %dma_wait3A_43] : memref<10000x128xf32, #tpu.memory_space<vmem_shared>> -> memref<16x128xf32, #tpu.memory_space<vmem_shared>>
        tpu.wait_dma2 semaphore(%run_scoped3A : memref<!tpu.dma_semaphore, #tpu.memory_space<semaphore_mem>>) src(%dma_wait3A_44 : memref<16x128xf32, #tpu.memory_space<vmem_shared>>) dst(%dma_wait3A_41 : memref<16x128xf32, #tpu.memory_space<hbm>>)
        tpu.yield
      }) : () -> ()
    } else {
    }
    return
  }
}

#map = affine_map<(d0, d1) -> (0, 0)>
#map1 = affine_map<(d0, d1) -> (0)>
#map2 = affine_map<(d0, d1) -> (0, 0, 0)>
module attributes {stable_mosaic.version = 14 : i64} {
  func.func @_scatter_add_body(%arg0: i32, %arg1: i32, %arg2: memref<161280x128xf32, #tpu.memory_space<hbm>>, %arg3: memref<161280xi32, #tpu.memory_space<hbm>>, %arg4: memref<2x10000x128xf32, #tpu.memory_space<hbm>>, %arg5: memref<2x10000x128xf32, #tpu.memory_space<hbm>>, %arg6: memref<80xi32, #tpu.memory_space<vmem>>, %arg7: memref<80x128xf32, #tpu.memory_space<vmem>>, %arg8: memref<80xi32, #tpu.memory_space<vmem>>, %arg9: memref<80x128xf32, #tpu.memory_space<vmem>>, %arg10: memref<10000x128xf32, #tpu.memory_space<vmem_shared>>, %arg11: memref<!tpu.dma_semaphore, #tpu.memory_space<semaphore_mem>>, %arg12: memref<!tpu.dma_semaphore, #tpu.memory_space<semaphore_mem>>) attributes {dimension_semantics = [#tpu.dimension_semantics<core_parallel>, #tpu.dimension_semantics<subcore_parallel>], iteration_bounds = array<i64: 2, 16>, scalar_prefetch = 0 : i64, scratch_operands = 7 : i64, tpu.core_type = #tpu.core_type<sc_vector_subcore>, window_params = [{transform_indices = #map}, {transform_indices = #map1}, {transform_indices = #map2}, {transform_indices = #map2}]} {
    %mul3A = arith.constant 2 : i32
    %mul3A_0 = arith.muli %arg1, %mul3A : i32
    %add3A = arith.addi %mul3A_0, %arg0 : i32
    %mul3A_1 = arith.constant 5040 : i32
    %mul3A_2 = arith.muli %add3A, %mul3A_1 : i32
    %mul3A_3 = arith.constant 624 : i32
    %mul3A_4 = arith.muli %arg1, %mul3A_3 : i32
    "tpu.region"() ({
      %run_scoped3A = tpu.sem_alloc : memref<!tpu.dma_semaphore, #tpu.memory_space<semaphore_mem>>
      %dma_start3A_37 = arith.constant 0 : i32
      %dma_start3A_38 = tpu.memref_slice %arg10[%mul3A_4, %dma_start3A_37] : memref<10000x128xf32, #tpu.memory_space<vmem_shared>> -> memref<624x128xf32, #tpu.memory_space<vmem_shared>>
      %dma_start3A_39 = arith.constant 0 : i32
      %dma_start3A_40 = tpu.memref_slice %arg4[%arg0, %mul3A_4, %dma_start3A_39] : memref<2x10000x128xf32, #tpu.memory_space<hbm>> -> memref<1x624x128xf32, #tpu.memory_space<hbm>>
      %dma_start3A_41 = tpu.memref_squeeze %dma_start3A_40 : memref<1x624x128xf32, #tpu.memory_space<hbm>> -> memref<624x128xf32, #tpu.memory_space<hbm>>
      tpu.enqueue_dma source(%dma_start3A_41 : memref<624x128xf32, #tpu.memory_space<hbm>>) target(%dma_start3A_38 : memref<624x128xf32, #tpu.memory_space<vmem_shared>>) target_semaphore(%run_scoped3A : memref<!tpu.dma_semaphore, #tpu.memory_space<semaphore_mem>>)
      %dma_wait3A_42 = arith.constant 0 : i32
      %dma_wait3A_43 = tpu.memref_slice %arg10[%mul3A_4, %dma_wait3A_42] : memref<10000x128xf32, #tpu.memory_space<vmem_shared>> -> memref<624x128xf32, #tpu.memory_space<vmem_shared>>
      %dma_wait3A_44 = arith.constant 0 : i32
      %dma_wait3A_45 = tpu.memref_slice %arg4[%arg0, %mul3A_4, %dma_wait3A_44] : memref<2x10000x128xf32, #tpu.memory_space<hbm>> -> memref<1x624x128xf32, #tpu.memory_space<hbm>>
      %dma_wait3A_46 = tpu.memref_squeeze %dma_wait3A_45 : memref<1x624x128xf32, #tpu.memory_space<hbm>> -> memref<624x128xf32, #tpu.memory_space<hbm>>
      tpu.wait_dma2 semaphore(%run_scoped3A : memref<!tpu.dma_semaphore, #tpu.memory_space<semaphore_mem>>) src(%dma_wait3A_46 : memref<624x128xf32, #tpu.memory_space<hbm>>) dst(%dma_wait3A_43 : memref<624x128xf32, #tpu.memory_space<vmem_shared>>)
      tpu.yield
    }) : () -> ()
    %eq3A = arith.constant 15 : i32
    %eq3A_5 = arith.cmpi eq, %arg1, %eq3A : i32
    %convert_element_type3A = arith.extui %eq3A_5 : i1 to i32
    %cond3A = arith.constant 0 : i32
    %cond3A_6 = arith.cmpi ne, %convert_element_type3A, %cond3A : i32
    scf.if %cond3A_6 {
      "tpu.region"() ({
        %run_scoped3A = tpu.sem_alloc : memref<!tpu.dma_semaphore, #tpu.memory_space<semaphore_mem>>
        %dma_start3A_37 = arith.constant 9984 : i32
        %dma_start3A_38 = arith.constant 0 : i32
        %dma_start3A_39 = tpu.memref_slice %arg10[%dma_start3A_37, %dma_start3A_38] : memref<10000x128xf32, #tpu.memory_space<vmem_shared>> -> memref<16x128xf32, #tpu.memory_space<vmem_shared>>
        %dma_start3A_40 = arith.constant 9984 : i32
        %dma_start3A_41 = arith.constant 0 : i32
        %dma_start3A_42 = tpu.memref_slice %arg4[%arg0, %dma_start3A_40, %dma_start3A_41] : memref<2x10000x128xf32, #tpu.memory_space<hbm>> -> memref<1x16x128xf32, #tpu.memory_space<hbm>>
        %dma_start3A_43 = tpu.memref_squeeze %dma_start3A_42 : memref<1x16x128xf32, #tpu.memory_space<hbm>> -> memref<16x128xf32, #tpu.memory_space<hbm>>
        tpu.enqueue_dma source(%dma_start3A_43 : memref<16x128xf32, #tpu.memory_space<hbm>>) target(%dma_start3A_39 : memref<16x128xf32, #tpu.memory_space<vmem_shared>>) target_semaphore(%run_scoped3A : memref<!tpu.dma_semaphore, #tpu.memory_space<semaphore_mem>>)
        %dma_wait3A_44 = arith.constant 9984 : i32
        %dma_wait3A_45 = arith.constant 0 : i32
        %dma_wait3A_46 = tpu.memref_slice %arg10[%dma_wait3A_44, %dma_wait3A_45] : memref<10000x128xf32, #tpu.memory_space<vmem_shared>> -> memref<16x128xf32, #tpu.memory_space<vmem_shared>>
        %dma_wait3A_47 = arith.constant 9984 : i32
        %dma_wait3A_48 = arith.constant 0 : i32
        %dma_wait3A_49 = tpu.memref_slice %arg4[%arg0, %dma_wait3A_47, %dma_wait3A_48] : memref<2x10000x128xf32, #tpu.memory_space<hbm>> -> memref<1x16x128xf32, #tpu.memory_space<hbm>>
        %dma_wait3A_50 = tpu.memref_squeeze %dma_wait3A_49 : memref<1x16x128xf32, #tpu.memory_space<hbm>> -> memref<16x128xf32, #tpu.memory_space<hbm>>
        tpu.wait_dma2 semaphore(%run_scoped3A : memref<!tpu.dma_semaphore, #tpu.memory_space<semaphore_mem>>) src(%dma_wait3A_50 : memref<16x128xf32, #tpu.memory_space<hbm>>) dst(%dma_wait3A_46 : memref<16x128xf32, #tpu.memory_space<vmem_shared>>)
        tpu.yield
      }) : () -> ()
    } else {
    }
    %barrier3A = arith.constant 0 : index
    tpu.barrier barrier_id(%barrier3A)
    %add3A_7 = arith.constant 0 : i32
    %add3A_8 = arith.addi %mul3A_2, %add3A_7 : i32
    %dma_start3A = tpu.memref_slice %arg3[%add3A_8] : memref<161280xi32, #tpu.memory_space<hbm>> -> memref<80xi32, #tpu.memory_space<hbm>>
    %dma_start3A_9 = tpu.memref_slice %arg3[%add3A_8] : memref<161280xi32, #tpu.memory_space<hbm>> -> memref<80xi32, #tpu.memory_space<hbm>>
    tpu.enqueue_dma source(%dma_start3A_9 : memref<80xi32, #tpu.memory_space<hbm>>) target(%arg6 : memref<80xi32, #tpu.memory_space<vmem>>) target_semaphore(%arg11 : memref<!tpu.dma_semaphore, #tpu.memory_space<semaphore_mem>>)
    %dma_start3A_10 = arith.constant 0 : i32
    %dma_start3A_11 = tpu.memref_slice %arg2[%add3A_8, %dma_start3A_10] : memref<161280x128xf32, #tpu.memory_space<hbm>> -> memref<80x128xf32, #tpu.memory_space<hbm>>
    %dma_start3A_12 = arith.constant 0 : i32
    %dma_start3A_13 = tpu.memref_slice %arg2[%add3A_8, %dma_start3A_12] : memref<161280x128xf32, #tpu.memory_space<hbm>> -> memref<80x128xf32, #tpu.memory_space<hbm>>
    tpu.enqueue_dma source(%dma_start3A_13 : memref<80x128xf32, #tpu.memory_space<hbm>>) target(%arg7 : memref<80x128xf32, #tpu.memory_space<vmem>>) target_semaphore(%arg11 : memref<!tpu.dma_semaphore, #tpu.memory_space<semaphore_mem>>)
    %add3A_14 = arith.constant 80 : i32
    %add3A_15 = arith.addi %mul3A_2, %add3A_14 : i32
    %dma_start3A_16 = tpu.memref_slice %arg3[%add3A_15] : memref<161280xi32, #tpu.memory_space<hbm>> -> memref<80xi32, #tpu.memory_space<hbm>>
    %dma_start3A_17 = tpu.memref_slice %arg3[%add3A_15] : memref<161280xi32, #tpu.memory_space<hbm>> -> memref<80xi32, #tpu.memory_space<hbm>>
    tpu.enqueue_dma source(%dma_start3A_17 : memref<80xi32, #tpu.memory_space<hbm>>) target(%arg8 : memref<80xi32, #tpu.memory_space<vmem>>) target_semaphore(%arg12 : memref<!tpu.dma_semaphore, #tpu.memory_space<semaphore_mem>>)
    %dma_start3A_18 = arith.constant 0 : i32
    %dma_start3A_19 = tpu.memref_slice %arg2[%add3A_15, %dma_start3A_18] : memref<161280x128xf32, #tpu.memory_space<hbm>> -> memref<80x128xf32, #tpu.memory_space<hbm>>
    %dma_start3A_20 = arith.constant 0 : i32
    %dma_start3A_21 = tpu.memref_slice %arg2[%add3A_15, %dma_start3A_20] : memref<161280x128xf32, #tpu.memory_space<hbm>> -> memref<80x128xf32, #tpu.memory_space<hbm>>
    tpu.enqueue_dma source(%dma_start3A_21 : memref<80x128xf32, #tpu.memory_space<hbm>>) target(%arg9 : memref<80x128xf32, #tpu.memory_space<vmem>>) target_semaphore(%arg12 : memref<!tpu.dma_semaphore, #tpu.memory_space<semaphore_mem>>)
    %scan3A = arith.constant 0 : i32
    %scan3A_22 = arith.constant 31 : i32
    %scan3A_23 = arith.addi %scan3A, %scan3A_22 : i32
    %scan3A_24 = arith.constant 1 : i32
    scf.for %scan3A_37 = %scan3A to %scan3A_23 step %scan3A_24  : i32 {
      %mul3A_38 = arith.constant 1 : i32
      %mul3A_39 = arith.muli %scan3A_37, %mul3A_38 : i32
      %add3A_40 = arith.constant 0 : i32
      %add3A_41 = arith.addi %add3A_40, %mul3A_39 : i32
      %mul3A_42 = arith.constant 2 : i32
      %mul3A_43 = arith.muli %mul3A_42, %add3A_41 : i32
      %add3A_44 = arith.constant 0 : i32
      %add3A_45 = arith.addi %mul3A_43, %add3A_44 : i32
      %dma_wait3A_46 = tpu.memref_slice %arg3[%mul3A_2] : memref<161280xi32, #tpu.memory_space<hbm>> -> memref<80xi32, #tpu.memory_space<hbm>>
      %dma_wait3A_47 = tpu.memref_slice %arg3[%mul3A_2] : memref<161280xi32, #tpu.memory_space<hbm>> -> memref<80xi32, #tpu.memory_space<hbm>>
      tpu.wait_dma2 semaphore(%arg11 : memref<!tpu.dma_semaphore, #tpu.memory_space<semaphore_mem>>) src(%dma_wait3A_47 : memref<80xi32, #tpu.memory_space<hbm>>) dst(%arg6 : memref<80xi32, #tpu.memory_space<vmem>>)
      %dma_wait3A_48 = arith.constant 0 : i32
      %dma_wait3A_49 = tpu.memref_slice %arg2[%mul3A_2, %dma_wait3A_48] : memref<161280x128xf32, #tpu.memory_space<hbm>> -> memref<80x128xf32, #tpu.memory_space<hbm>>
      %dma_wait3A_50 = arith.constant 0 : i32
      %dma_wait3A_51 = tpu.memref_slice %arg2[%mul3A_2, %dma_wait3A_50] : memref<161280x128xf32, #tpu.memory_space<hbm>> -> memref<80x128xf32, #tpu.memory_space<hbm>>
      tpu.wait_dma2 semaphore(%arg11 : memref<!tpu.dma_semaphore, #tpu.memory_space<semaphore_mem>>) src(%dma_wait3A_51 : memref<80x128xf32, #tpu.memory_space<hbm>>) dst(%arg7 : memref<80x128xf32, #tpu.memory_space<vmem>>)
      "tpu.region"() ({
        %run_scoped3A = tpu.sem_alloc : memref<!tpu.dma_semaphore, #tpu.memory_space<semaphore_mem>>
        %dma_start3A_75 = arith.constant 0 : i32
        %dma_start3A_76 = arith.constant 0 : i32
        %dma_start3A_77 = tpu.memref_slice %arg10[%dma_start3A_75, %dma_start3A_76] : memref<10000x128xf32, #tpu.memory_space<vmem_shared>> -> memref<10000x128xf32, #tpu.memory_space<vmem_shared>>
        tpu.enqueue_indirect_dma source(%arg7 : memref<80x128xf32, #tpu.memory_space<vmem>>) target(%dma_start3A_77 : memref<10000x128xf32, #tpu.memory_space<vmem_shared>>) offsets(%arg6 : memref<80xi32, #tpu.memory_space<vmem>>) semaphore(%run_scoped3A : memref<!tpu.dma_semaphore, #tpu.memory_space<semaphore_mem>>) {add = true}
        %dma_wait3A_78 = arith.constant 0 : i32
        %dma_wait3A_79 = arith.constant 0 : i32
        %dma_wait3A_80 = tpu.memref_slice %arg10[%dma_wait3A_78, %dma_wait3A_79] : memref<10000x128xf32, #tpu.memory_space<vmem_shared>> -> memref<10000x128xf32, #tpu.memory_space<vmem_shared>>
        tpu.wait_indirect_dma semaphore(%run_scoped3A : memref<!tpu.dma_semaphore, #tpu.memory_space<semaphore_mem>>) src(%arg7 : memref<80x128xf32, #tpu.memory_space<vmem>>) dst(%dma_wait3A_80 : memref<10000x128xf32, #tpu.memory_space<vmem_shared>>)
        tpu.yield
      }) : () -> ()
      %add3A_52 = arith.constant 2 : i32
      %add3A_53 = arith.addi %add3A_45, %add3A_52 : i32
      %lt3A = arith.constant 63 : i32
      %lt3A_54 = arith.cmpi slt, %add3A_53, %lt3A : i32
      %convert_element_type3A_55 = arith.extui %lt3A_54 : i1 to i32
      %cond3A_56 = arith.constant 0 : i32
      %cond3A_57 = arith.cmpi ne, %convert_element_type3A_55, %cond3A_56 : i32
      scf.if %cond3A_57 {
        %add3A_75 = arith.constant 2 : i32
        %add3A_76 = arith.addi %add3A_45, %add3A_75 : i32
        %mul3A_77 = arith.constant 80 : i32
        %mul3A_78 = arith.muli %add3A_76, %mul3A_77 : i32
        %add3A_79 = arith.addi %mul3A_2, %mul3A_78 : i32
        %dma_start3A_80 = tpu.memref_slice %arg3[%add3A_79] : memref<161280xi32, #tpu.memory_space<hbm>> -> memref<80xi32, #tpu.memory_space<hbm>>
        %dma_start3A_81 = tpu.memref_slice %arg3[%add3A_79] : memref<161280xi32, #tpu.memory_space<hbm>> -> memref<80xi32, #tpu.memory_space<hbm>>
        tpu.enqueue_dma source(%dma_start3A_81 : memref<80xi32, #tpu.memory_space<hbm>>) target(%arg6 : memref<80xi32, #tpu.memory_space<vmem>>) target_semaphore(%arg11 : memref<!tpu.dma_semaphore, #tpu.memory_space<semaphore_mem>>)
        %dma_start3A_82 = arith.constant 0 : i32
        %dma_start3A_83 = tpu.memref_slice %arg2[%add3A_79, %dma_start3A_82] : memref<161280x128xf32, #tpu.memory_space<hbm>> -> memref<80x128xf32, #tpu.memory_space<hbm>>
        %dma_start3A_84 = arith.constant 0 : i32
        %dma_start3A_85 = tpu.memref_slice %arg2[%add3A_79, %dma_start3A_84] : memref<161280x128xf32, #tpu.memory_space<hbm>> -> memref<80x128xf32, #tpu.memory_space<hbm>>
        tpu.enqueue_dma source(%dma_start3A_85 : memref<80x128xf32, #tpu.memory_space<hbm>>) target(%arg7 : memref<80x128xf32, #tpu.memory_space<vmem>>) target_semaphore(%arg11 : memref<!tpu.dma_semaphore, #tpu.memory_space<semaphore_mem>>)
      } else {
      }
      %mul3A_58 = arith.constant 2 : i32
      %mul3A_59 = arith.muli %mul3A_58, %add3A_41 : i32
      %add3A_60 = arith.constant 1 : i32
      %add3A_61 = arith.addi %mul3A_59, %add3A_60 : i32
      %dma_wait3A_62 = tpu.memref_slice %arg3[%mul3A_2] : memref<161280xi32, #tpu.memory_space<hbm>> -> memref<80xi32, #tpu.memory_space<hbm>>
      %dma_wait3A_63 = tpu.memref_slice %arg3[%mul3A_2] : memref<161280xi32, #tpu.memory_space<hbm>> -> memref<80xi32, #tpu.memory_space<hbm>>
      tpu.wait_dma2 semaphore(%arg12 : memref<!tpu.dma_semaphore, #tpu.memory_space<semaphore_mem>>) src(%dma_wait3A_63 : memref<80xi32, #tpu.memory_space<hbm>>) dst(%arg8 : memref<80xi32, #tpu.memory_space<vmem>>)
      %dma_wait3A_64 = arith.constant 0 : i32
      %dma_wait3A_65 = tpu.memref_slice %arg2[%mul3A_2, %dma_wait3A_64] : memref<161280x128xf32, #tpu.memory_space<hbm>> -> memref<80x128xf32, #tpu.memory_space<hbm>>
      %dma_wait3A_66 = arith.constant 0 : i32
      %dma_wait3A_67 = tpu.memref_slice %arg2[%mul3A_2, %dma_wait3A_66] : memref<161280x128xf32, #tpu.memory_space<hbm>> -> memref<80x128xf32, #tpu.memory_space<hbm>>
      tpu.wait_dma2 semaphore(%arg12 : memref<!tpu.dma_semaphore, #tpu.memory_space<semaphore_mem>>) src(%dma_wait3A_67 : memref<80x128xf32, #tpu.memory_space<hbm>>) dst(%arg9 : memref<80x128xf32, #tpu.memory_space<vmem>>)
      "tpu.region"() ({
        %run_scoped3A = tpu.sem_alloc : memref<!tpu.dma_semaphore, #tpu.memory_space<semaphore_mem>>
        %dma_start3A_75 = arith.constant 0 : i32
        %dma_start3A_76 = arith.constant 0 : i32
        %dma_start3A_77 = tpu.memref_slice %arg10[%dma_start3A_75, %dma_start3A_76] : memref<10000x128xf32, #tpu.memory_space<vmem_shared>> -> memref<10000x128xf32, #tpu.memory_space<vmem_shared>>
        tpu.enqueue_indirect_dma source(%arg9 : memref<80x128xf32, #tpu.memory_space<vmem>>) target(%dma_start3A_77 : memref<10000x128xf32, #tpu.memory_space<vmem_shared>>) offsets(%arg8 : memref<80xi32, #tpu.memory_space<vmem>>) semaphore(%run_scoped3A : memref<!tpu.dma_semaphore, #tpu.memory_space<semaphore_mem>>) {add = true}
        %dma_wait3A_78 = arith.constant 0 : i32
        %dma_wait3A_79 = arith.constant 0 : i32
        %dma_wait3A_80 = tpu.memref_slice %arg10[%dma_wait3A_78, %dma_wait3A_79] : memref<10000x128xf32, #tpu.memory_space<vmem_shared>> -> memref<10000x128xf32, #tpu.memory_space<vmem_shared>>
        tpu.wait_indirect_dma semaphore(%run_scoped3A : memref<!tpu.dma_semaphore, #tpu.memory_space<semaphore_mem>>) src(%arg9 : memref<80x128xf32, #tpu.memory_space<vmem>>) dst(%dma_wait3A_80 : memref<10000x128xf32, #tpu.memory_space<vmem_shared>>)
        tpu.yield
      }) : () -> ()
      %add3A_68 = arith.constant 2 : i32
      %add3A_69 = arith.addi %add3A_61, %add3A_68 : i32
      %lt3A_70 = arith.constant 63 : i32
      %lt3A_71 = arith.cmpi slt, %add3A_69, %lt3A_70 : i32
      %convert_element_type3A_72 = arith.extui %lt3A_71 : i1 to i32
      %cond3A_73 = arith.constant 0 : i32
      %cond3A_74 = arith.cmpi ne, %convert_element_type3A_72, %cond3A_73 : i32
      scf.if %cond3A_74 {
        %add3A_75 = arith.constant 2 : i32
        %add3A_76 = arith.addi %add3A_61, %add3A_75 : i32
        %mul3A_77 = arith.constant 80 : i32
        %mul3A_78 = arith.muli %add3A_76, %mul3A_77 : i32
        %add3A_79 = arith.addi %mul3A_2, %mul3A_78 : i32
        %dma_start3A_80 = tpu.memref_slice %arg3[%add3A_79] : memref<161280xi32, #tpu.memory_space<hbm>> -> memref<80xi32, #tpu.memory_space<hbm>>
        %dma_start3A_81 = tpu.memref_slice %arg3[%add3A_79] : memref<161280xi32, #tpu.memory_space<hbm>> -> memref<80xi32, #tpu.memory_space<hbm>>
        tpu.enqueue_dma source(%dma_start3A_81 : memref<80xi32, #tpu.memory_space<hbm>>) target(%arg8 : memref<80xi32, #tpu.memory_space<vmem>>) target_semaphore(%arg12 : memref<!tpu.dma_semaphore, #tpu.memory_space<semaphore_mem>>)
        %dma_start3A_82 = arith.constant 0 : i32
        %dma_start3A_83 = tpu.memref_slice %arg2[%add3A_79, %dma_start3A_82] : memref<161280x128xf32, #tpu.memory_space<hbm>> -> memref<80x128xf32, #tpu.memory_space<hbm>>
        %dma_start3A_84 = arith.constant 0 : i32
        %dma_start3A_85 = tpu.memref_slice %arg2[%add3A_79, %dma_start3A_84] : memref<161280x128xf32, #tpu.memory_space<hbm>> -> memref<80x128xf32, #tpu.memory_space<hbm>>
        tpu.enqueue_dma source(%dma_start3A_85 : memref<80x128xf32, #tpu.memory_space<hbm>>) target(%arg9 : memref<80x128xf32, #tpu.memory_space<vmem>>) target_semaphore(%arg12 : memref<!tpu.dma_semaphore, #tpu.memory_space<semaphore_mem>>)
      } else {
      }
    }
    %scan3A_25 = arith.constant 31 : i32
    %dma_wait3A = tpu.memref_slice %arg3[%mul3A_2] : memref<161280xi32, #tpu.memory_space<hbm>> -> memref<80xi32, #tpu.memory_space<hbm>>
    %dma_wait3A_26 = tpu.memref_slice %arg3[%mul3A_2] : memref<161280xi32, #tpu.memory_space<hbm>> -> memref<80xi32, #tpu.memory_space<hbm>>
    tpu.wait_dma2 semaphore(%arg11 : memref<!tpu.dma_semaphore, #tpu.memory_space<semaphore_mem>>) src(%dma_wait3A_26 : memref<80xi32, #tpu.memory_space<hbm>>) dst(%arg6 : memref<80xi32, #tpu.memory_space<vmem>>)
    %dma_wait3A_27 = arith.constant 0 : i32
    %dma_wait3A_28 = tpu.memref_slice %arg2[%mul3A_2, %dma_wait3A_27] : memref<161280x128xf32, #tpu.memory_space<hbm>> -> memref<80x128xf32, #tpu.memory_space<hbm>>
    %dma_wait3A_29 = arith.constant 0 : i32
    %dma_wait3A_30 = tpu.memref_slice %arg2[%mul3A_2, %dma_wait3A_29] : memref<161280x128xf32, #tpu.memory_space<hbm>> -> memref<80x128xf32, #tpu.memory_space<hbm>>
    tpu.wait_dma2 semaphore(%arg11 : memref<!tpu.dma_semaphore, #tpu.memory_space<semaphore_mem>>) src(%dma_wait3A_30 : memref<80x128xf32, #tpu.memory_space<hbm>>) dst(%arg7 : memref<80x128xf32, #tpu.memory_space<vmem>>)
    "tpu.region"() ({
      %run_scoped3A = tpu.sem_alloc : memref<!tpu.dma_semaphore, #tpu.memory_space<semaphore_mem>>
      %dma_start3A_37 = arith.constant 0 : i32
      %dma_start3A_38 = arith.constant 0 : i32
      %dma_start3A_39 = tpu.memref_slice %arg10[%dma_start3A_37, %dma_start3A_38] : memref<10000x128xf32, #tpu.memory_space<vmem_shared>> -> memref<10000x128xf32, #tpu.memory_space<vmem_shared>>
      tpu.enqueue_indirect_dma source(%arg7 : memref<80x128xf32, #tpu.memory_space<vmem>>) target(%dma_start3A_39 : memref<10000x128xf32, #tpu.memory_space<vmem_shared>>) offsets(%arg6 : memref<80xi32, #tpu.memory_space<vmem>>) semaphore(%run_scoped3A : memref<!tpu.dma_semaphore, #tpu.memory_space<semaphore_mem>>) {add = true}
      %dma_wait3A_40 = arith.constant 0 : i32
      %dma_wait3A_41 = arith.constant 0 : i32
      %dma_wait3A_42 = tpu.memref_slice %arg10[%dma_wait3A_40, %dma_wait3A_41] : memref<10000x128xf32, #tpu.memory_space<vmem_shared>> -> memref<10000x128xf32, #tpu.memory_space<vmem_shared>>
      tpu.wait_indirect_dma semaphore(%run_scoped3A : memref<!tpu.dma_semaphore, #tpu.memory_space<semaphore_mem>>) src(%arg7 : memref<80x128xf32, #tpu.memory_space<vmem>>) dst(%dma_wait3A_42 : memref<10000x128xf32, #tpu.memory_space<vmem_shared>>)
      tpu.yield
    }) : () -> ()
    %barrier3A_31 = arith.constant 0 : index
    tpu.barrier barrier_id(%barrier3A_31)
    "tpu.region"() ({
      %run_scoped3A = tpu.sem_alloc : memref<!tpu.dma_semaphore, #tpu.memory_space<semaphore_mem>>
      %dma_start3A_37 = arith.constant 0 : i32
      %dma_start3A_38 = tpu.memref_slice %arg5[%arg0, %mul3A_4, %dma_start3A_37] : memref<2x10000x128xf32, #tpu.memory_space<hbm>> -> memref<1x624x128xf32, #tpu.memory_space<hbm>>
      %dma_start3A_39 = tpu.memref_squeeze %dma_start3A_38 : memref<1x624x128xf32, #tpu.memory_space<hbm>> -> memref<624x128xf32, #tpu.memory_space<hbm>>
      %dma_start3A_40 = arith.constant 0 : i32
      %dma_start3A_41 = tpu.memref_slice %arg10[%mul3A_4, %dma_start3A_40] : memref<10000x128xf32, #tpu.memory_space<vmem_shared>> -> memref<624x128xf32, #tpu.memory_space<vmem_shared>>
      tpu.enqueue_dma source(%dma_start3A_41 : memref<624x128xf32, #tpu.memory_space<vmem_shared>>) target(%dma_start3A_39 : memref<624x128xf32, #tpu.memory_space<hbm>>) target_semaphore(%run_scoped3A : memref<!tpu.dma_semaphore, #tpu.memory_space<semaphore_mem>>)
      %dma_wait3A_42 = arith.constant 0 : i32
      %dma_wait3A_43 = tpu.memref_slice %arg5[%arg0, %mul3A_4, %dma_wait3A_42] : memref<2x10000x128xf32, #tpu.memory_space<hbm>> -> memref<1x624x128xf32, #tpu.memory_space<hbm>>
      %dma_wait3A_44 = tpu.memref_squeeze %dma_wait3A_43 : memref<1x624x128xf32, #tpu.memory_space<hbm>> -> memref<624x128xf32, #tpu.memory_space<hbm>>
      %dma_wait3A_45 = arith.constant 0 : i32
      %dma_wait3A_46 = tpu.memref_slice %arg10[%mul3A_4, %dma_wait3A_45] : memref<10000x128xf32, #tpu.memory_space<vmem_shared>> -> memref<624x128xf32, #tpu.memory_space<vmem_shared>>
      tpu.wait_dma2 semaphore(%run_scoped3A : memref<!tpu.dma_semaphore, #tpu.memory_space<semaphore_mem>>) src(%dma_wait3A_46 : memref<624x128xf32, #tpu.memory_space<vmem_shared>>) dst(%dma_wait3A_44 : memref<624x128xf32, #tpu.memory_space<hbm>>)
      tpu.yield
    }) : () -> ()
    %eq3A_32 = arith.constant 15 : i32
    %eq3A_33 = arith.cmpi eq, %arg1, %eq3A_32 : i32
    %convert_element_type3A_34 = arith.extui %eq3A_33 : i1 to i32
    %cond3A_35 = arith.constant 0 : i32
    %cond3A_36 = arith.cmpi ne, %convert_element_type3A_34, %cond3A_35 : i32
    scf.if %cond3A_36 {
      "tpu.region"() ({
        %run_scoped3A = tpu.sem_alloc : memref<!tpu.dma_semaphore, #tpu.memory_space<semaphore_mem>>
        %dma_start3A_37 = arith.constant 9984 : i32
        %dma_start3A_38 = arith.constant 0 : i32
        %dma_start3A_39 = tpu.memref_slice %arg5[%arg0, %dma_start3A_37, %dma_start3A_38] : memref<2x10000x128xf32, #tpu.memory_space<hbm>> -> memref<1x16x128xf32, #tpu.memory_space<hbm>>
        %dma_start3A_40 = tpu.memref_squeeze %dma_start3A_39 : memref<1x16x128xf32, #tpu.memory_space<hbm>> -> memref<16x128xf32, #tpu.memory_space<hbm>>
        %dma_start3A_41 = arith.constant 9984 : i32
        %dma_start3A_42 = arith.constant 0 : i32
        %dma_start3A_43 = tpu.memref_slice %arg10[%dma_start3A_41, %dma_start3A_42] : memref<10000x128xf32, #tpu.memory_space<vmem_shared>> -> memref<16x128xf32, #tpu.memory_space<vmem_shared>>
        tpu.enqueue_dma source(%dma_start3A_43 : memref<16x128xf32, #tpu.memory_space<vmem_shared>>) target(%dma_start3A_40 : memref<16x128xf32, #tpu.memory_space<hbm>>) target_semaphore(%run_scoped3A : memref<!tpu.dma_semaphore, #tpu.memory_space<semaphore_mem>>)
        %dma_wait3A_44 = arith.constant 9984 : i32
        %dma_wait3A_45 = arith.constant 0 : i32
        %dma_wait3A_46 = tpu.memref_slice %arg5[%arg0, %dma_wait3A_44, %dma_wait3A_45] : memref<2x10000x128xf32, #tpu.memory_space<hbm>> -> memref<1x16x128xf32, #tpu.memory_space<hbm>>
        %dma_wait3A_47 = tpu.memref_squeeze %dma_wait3A_46 : memref<1x16x128xf32, #tpu.memory_space<hbm>> -> memref<16x128xf32, #tpu.memory_space<hbm>>
        %dma_wait3A_48 = arith.constant 9984 : i32
        %dma_wait3A_49 = arith.constant 0 : i32
        %dma_wait3A_50 = tpu.memref_slice %arg10[%dma_wait3A_48, %dma_wait3A_49] : memref<10000x128xf32, #tpu.memory_space<vmem_shared>> -> memref<16x128xf32, #tpu.memory_space<vmem_shared>>
        tpu.wait_dma2 semaphore(%run_scoped3A : memref<!tpu.dma_semaphore, #tpu.memory_space<semaphore_mem>>) src(%dma_wait3A_50 : memref<16x128xf32, #tpu.memory_space<vmem_shared>>) dst(%dma_wait3A_47 : memref<16x128xf32, #tpu.memory_space<hbm>>)
        tpu.yield
      }) : () -> ()
    } else {
    }
    return
  }
}

module attributes {stable_mosaic.version = 14 : i64} {
  func.func @_uv_body(%arg0: memref<10000x128xf32, #tpu.memory_space<vmem>>, %arg1: memref<128x256xf32, #tpu.memory_space<vmem>>, %arg2: memref<1x128xf32, #tpu.memory_space<vmem>>, %arg3: memref<10000x128xf32, #tpu.memory_space<vmem>>, %arg4: memref<10000x128xf32, #tpu.memory_space<vmem>>) attributes {dimension_semantics = [], scalar_prefetch = 0 : i64, scratch_operands = 0 : i64, tpu.core_type = #tpu.core_type<tc>} {
    %get3A = arith.constant 0 : index
    %get3A_0 = arith.constant 0 : index
    %get3A_1 = vector.load %arg0[%get3A, %get3A_0] : memref<10000x128xf32, #tpu.memory_space<vmem>>, vector<10000x128xf32>
    %get3A_2 = arith.constant 0 : index
    %get3A_3 = arith.constant 0 : index
    %get3A_4 = vector.load %arg1[%get3A_2, %get3A_3] : memref<128x256xf32, #tpu.memory_space<vmem>>, vector<128x128xf32>
    %dot_general3A = arith.constant dense<0.000000e+00> : vector<10000x128xf32>
    %dot_general3A_5 = tpu.matmul %get3A_1, %get3A_4, %dot_general3A {dimension_numbers = #tpu.dot_dimension_numbers<[1], [1], [0], [0], [0, 0, 1, 0], [], []>, transpose_lhs_hint = false} : vector<10000x128xf32>, vector<128x128xf32>, vector<10000x128xf32> -> vector<10000x128xf32>
    %get3A_6 = arith.constant 0 : index
    %get3A_7 = arith.constant 0 : index
    %get3A_8 = vector.load %arg2[%get3A_6, %get3A_7] : memref<1x128xf32, #tpu.memory_space<vmem>>, vector<1x128xf32>
    %add3A = vector.broadcast %get3A_8 : vector<1x128xf32> to vector<10000x128xf32>
    %add3A_9 = arith.addf %dot_general3A_5, %add3A : vector<10000x128xf32>
    %swap3A = arith.constant 0 : index
    %swap3A_10 = arith.constant 0 : index
    %swap3A_11 = vector.load %arg3[%swap3A, %swap3A_10] : memref<10000x128xf32, #tpu.memory_space<vmem>>, vector<10000x128xf32>
    tpu.vector_store %arg3[%swap3A, %swap3A_10], %add3A_9 {strides = array<i32>} : memref<10000x128xf32, #tpu.memory_space<vmem>>, vector<10000x128xf32>,
    %get3A_12 = arith.constant 0 : index
    %get3A_13 = arith.constant 128 : index
    %get3A_14 = vector.load %arg1[%get3A_12, %get3A_13] : memref<128x256xf32, #tpu.memory_space<vmem>>, vector<128x128xf32>
    %dot_general3A_15 = arith.constant dense<0.000000e+00> : vector<10000x128xf32>
    %dot_general3A_16 = tpu.matmul %get3A_1, %get3A_14, %dot_general3A_15 {dimension_numbers = #tpu.dot_dimension_numbers<[1], [1], [0], [0], [0, 0, 1, 0], [], []>, transpose_lhs_hint = false} : vector<10000x128xf32>, vector<128x128xf32>, vector<10000x128xf32> -> vector<10000x128xf32>
    %swap3A_17 = arith.constant 0 : index
    %swap3A_18 = arith.constant 0 : index
    %swap3A_19 = vector.load %arg4[%swap3A_17, %swap3A_18] : memref<10000x128xf32, #tpu.memory_space<vmem>>, vector<10000x128xf32>
    tpu.vector_store %arg4[%swap3A_17, %swap3A_18], %dot_general3A_16 {strides = array<i32>} : memref<10000x128xf32, #tpu.memory_space<vmem>>, vector<10000x128xf32>,
    return
  }
}

module attributes {stable_mosaic.version = 14 : i64} {
  func.func @_edge_body(%arg0: i32, %arg1: memref<2560x128xf32, #tpu.memory_space<vmem>>, %arg2: memref<128x128xf32, #tpu.memory_space<vmem>>, %arg3: memref<1x128xf32, #tpu.memory_space<vmem>>, %arg4: memref<2560x128xf32, #tpu.memory_space<vmem>>, %arg5: memref<2560x128xf32, #tpu.memory_space<vmem>>) attributes {dimension_semantics = [#tpu.dimension_semantics<arbitrary>], iteration_bounds = array<i64: 62>, scalar_prefetch = 0 : i64, scratch_operands = 0 : i64, tpu.core_type = #tpu.core_type<tc>, window_params = [{transform_indices = @transform_0, window_bounds = array<i64: 2560, 128>}, {pipeline_mode = #tpu.pipeline_mode<synchronous>, transform_indices = @transform_1, window_bounds = array<i64: 128, 128>}, {pipeline_mode = #tpu.pipeline_mode<synchronous>, transform_indices = @transform_2, window_bounds = array<i64: 1, 128>}, {transform_indices = @transform_3, window_bounds = array<i64: 2560, 128>}, {transform_indices = @transform_4, window_bounds = array<i64: 2560, 128>}]} {
    %get3A = arith.constant 0 : index
    %get3A_0 = arith.constant 0 : index
    %get3A_1 = vector.load %arg1[%get3A, %get3A_0] : memref<2560x128xf32, #tpu.memory_space<vmem>>, vector<2560x128xf32>
    %max3A = arith.constant 0.000000e+00 : f32
    %max3A_2 = vector.broadcast %max3A : f32 to vector<2560x128xf32>
    %max3A_3 = arith.maximumf %get3A_1, %max3A_2 : vector<2560x128xf32>
    %get3A_4 = arith.constant 0 : index
    %get3A_5 = arith.constant 0 : index
    %get3A_6 = vector.load %arg2[%get3A_4, %get3A_5] : memref<128x128xf32, #tpu.memory_space<vmem>>, vector<128x128xf32>
    %dot_general3A = arith.constant dense<0.000000e+00> : vector<2560x128xf32>
    %dot_general3A_7 = tpu.matmul %max3A_3, %get3A_6, %dot_general3A {dimension_numbers = #tpu.dot_dimension_numbers<[1], [1], [0], [0], [0, 0, 1, 0], [], []>, transpose_lhs_hint = false} : vector<2560x128xf32>, vector<128x128xf32>, vector<2560x128xf32> -> vector<2560x128xf32>
    %get3A_8 = arith.constant 0 : index
    %get3A_9 = arith.constant 0 : index
    %get3A_10 = vector.load %arg3[%get3A_8, %get3A_9] : memref<1x128xf32, #tpu.memory_space<vmem>>, vector<1x128xf32>
    %add3A = vector.broadcast %get3A_10 : vector<1x128xf32> to vector<2560x128xf32>
    %add3A_11 = arith.addf %dot_general3A_7, %add3A : vector<2560x128xf32>
    %max3A_12 = arith.constant 0.000000e+00 : f32
    %max3A_13 = vector.broadcast %max3A_12 : f32 to vector<2560x128xf32>
    %max3A_14 = arith.maximumf %add3A_11, %max3A_13 : vector<2560x128xf32>
    %swap3A = arith.constant 0 : index
    %swap3A_15 = arith.constant 0 : index
    %swap3A_16 = vector.load %arg4[%swap3A, %swap3A_15] : memref<2560x128xf32, #tpu.memory_space<vmem>>, vector<2560x128xf32>
    tpu.vector_store %arg4[%swap3A, %swap3A_15], %max3A_14 {strides = array<i32>} : memref<2560x128xf32, #tpu.memory_space<vmem>>, vector<2560x128xf32>,
    %swap3A_17 = arith.constant 0 : index
    %swap3A_18 = arith.constant 0 : index
    %swap3A_19 = vector.load %arg5[%swap3A_17, %swap3A_18] : memref<2560x128xf32, #tpu.memory_space<vmem>>, vector<2560x128xf32>
    tpu.vector_store %arg5[%swap3A_17, %swap3A_18], %max3A_14 {strides = array<i32>} : memref<2560x128xf32, #tpu.memory_space<vmem>>, vector<2560x128xf32>,
    return
  }
  func.func @transform_0(%arg0: i32) -> (i32, i32) {
    %c0_i32 = arith.constant 0 : i32
    %c0_i32_0 = arith.constant 0 : i32
    return %arg0, %c0_i32 : i32, i32
  }
  func.func @transform_1(%arg0: i32) -> (i32, i32) {
    %c0_i32 = arith.constant 0 : i32
    %c0_i32_0 = arith.constant 0 : i32
    %c0_i32_1 = arith.constant 0 : i32
    return %c0_i32, %c0_i32_0 : i32, i32
  }
  func.func @transform_2(%arg0: i32) -> (i32, i32) {
    %c0_i32 = arith.constant 0 : i32
    %c0_i32_0 = arith.constant 0 : i32
    %c0_i32_1 = arith.constant 0 : i32
    return %c0_i32, %c0_i32_0 : i32, i32
  }
  func.func @transform_3(%arg0: i32) -> (i32, i32) {
    %c0_i32 = arith.constant 0 : i32
    %c0_i32_0 = arith.constant 0 : i32
    return %arg0, %c0_i32 : i32, i32
  }
  func.func @transform_4(%arg0: i32) -> (i32, i32) {
    %add3A = arith.constant 0 : i32
    %add3A_0 = arith.addi %arg0, %add3A : i32
    %c0_i32 = arith.constant 0 : i32
    %c0_i32_1 = arith.constant 0 : i32
    return %add3A_0, %c0_i32 : i32, i32
  }
}

module attributes {stable_mosaic.version = 14 : i64} {
  func.func @_edge_body_acc(%arg0: i32, %arg1: memref<2560x128xf32, #tpu.memory_space<vmem>>, %arg2: memref<128x128xf32, #tpu.memory_space<vmem>>, %arg3: memref<1x128xf32, #tpu.memory_space<vmem>>, %arg4: memref<320000x128xf32, #tpu.memory_space<hbm>>, %arg5: memref<2560x128xf32, #tpu.memory_space<vmem>>, %arg6: memref<2560x128xf32, #tpu.memory_space<vmem>>) attributes {dimension_semantics = [#tpu.dimension_semantics<arbitrary>], iteration_bounds = array<i64: 63>, scalar_prefetch = 0 : i64, scratch_operands = 0 : i64, tpu.core_type = #tpu.core_type<tc>, window_params = [{transform_indices = @transform_0, window_bounds = array<i64: 2560, 128>}, {pipeline_mode = #tpu.pipeline_mode<synchronous>, transform_indices = @transform_1, window_bounds = array<i64: 128, 128>}, {pipeline_mode = #tpu.pipeline_mode<synchronous>, transform_indices = @transform_2, window_bounds = array<i64: 1, 128>}, {}, {transform_indices = @transform_4, window_bounds = array<i64: 2560, 128>}, {transform_indices = @transform_5, window_bounds = array<i64: 2560, 128>}]} {
    %get3A = arith.constant 0 : index
    %get3A_0 = arith.constant 0 : index
    %get3A_1 = vector.load %arg1[%get3A, %get3A_0] : memref<2560x128xf32, #tpu.memory_space<vmem>>, vector<2560x128xf32>
    %max3A = arith.constant 0.000000e+00 : f32
    %max3A_2 = vector.broadcast %max3A : f32 to vector<2560x128xf32>
    %max3A_3 = arith.maximumf %get3A_1, %max3A_2 : vector<2560x128xf32>
    %get3A_4 = arith.constant 0 : index
    %get3A_5 = arith.constant 0 : index
    %get3A_6 = vector.load %arg2[%get3A_4, %get3A_5] : memref<128x128xf32, #tpu.memory_space<vmem>>, vector<128x128xf32>
    %dot_general3A = arith.constant dense<0.000000e+00> : vector<2560x128xf32>
    %dot_general3A_7 = tpu.matmul %max3A_3, %get3A_6, %dot_general3A {dimension_numbers = #tpu.dot_dimension_numbers<[1], [1], [0], [0], [0, 0, 1, 0], [], []>, transpose_lhs_hint = false} : vector<2560x128xf32>, vector<128x128xf32>, vector<2560x128xf32> -> vector<2560x128xf32>
    %get3A_8 = arith.constant 0 : index
    %get3A_9 = arith.constant 0 : index
    %get3A_10 = vector.load %arg3[%get3A_8, %get3A_9] : memref<1x128xf32, #tpu.memory_space<vmem>>, vector<1x128xf32>
    %add3A = vector.broadcast %get3A_10 : vector<1x128xf32> to vector<2560x128xf32>
    %add3A_11 = arith.addf %dot_general3A_7, %add3A : vector<2560x128xf32>
    %max3A_12 = arith.constant 0.000000e+00 : f32
    %max3A_13 = vector.broadcast %max3A_12 : f32 to vector<2560x128xf32>
    %max3A_14 = arith.maximumf %add3A_11, %max3A_13 : vector<2560x128xf32>
    %swap3A = arith.constant 0 : index
    %swap3A_15 = arith.constant 0 : index
    %swap3A_16 = vector.load %arg5[%swap3A, %swap3A_15] : memref<2560x128xf32, #tpu.memory_space<vmem>>, vector<2560x128xf32>
    tpu.vector_store %arg5[%swap3A, %swap3A_15], %max3A_14 {strides = array<i32>} : memref<2560x128xf32, #tpu.memory_space<vmem>>, vector<2560x128xf32>,
    %swap3A_17 = arith.constant 0 : index
    %swap3A_18 = arith.constant 0 : index
    %swap3A_19 = vector.load %arg6[%swap3A_17, %swap3A_18] : memref<2560x128xf32, #tpu.memory_space<vmem>>, vector<2560x128xf32>
    tpu.vector_store %arg6[%swap3A_17, %swap3A_18], %max3A_14 {strides = array<i32>} : memref<2560x128xf32, #tpu.memory_space<vmem>>, vector<2560x128xf32>,
    return
  }
  func.func @transform_0(%arg0: i32) -> (i32, i32) {
    %c0_i32 = arith.constant 0 : i32
    %c0_i32_0 = arith.constant 0 : i32
    return %arg0, %c0_i32 : i32, i32
  }
  func.func @transform_1(%arg0: i32) -> (i32, i32) {
    %c0_i32 = arith.constant 0 : i32
    %c0_i32_0 = arith.constant 0 : i32
    %c0_i32_1 = arith.constant 0 : i32
    return %c0_i32, %c0_i32_0 : i32, i32
  }
  func.func @transform_2(%arg0: i32) -> (i32, i32) {
    %c0_i32 = arith.constant 0 : i32
    %c0_i32_0 = arith.constant 0 : i32
    %c0_i32_1 = arith.constant 0 : i32
    return %c0_i32, %c0_i32_0 : i32, i32
  }
  func.func @transform_4(%arg0: i32) -> (i32, i32) {
    %c0_i32 = arith.constant 0 : i32
    %c0_i32_0 = arith.constant 0 : i32
    return %arg0, %c0_i32 : i32, i32
  }
  func.func @transform_5(%arg0: i32) -> (i32, i32) {
    %add3A = arith.constant 62 : i32
    %add3A_0 = arith.addi %arg0, %add3A : i32
    %c0_i32 = arith.constant 0 : i32
    %c0_i32_1 = arith.constant 0 : i32
    return %add3A_0, %c0_i32 : i32, i32
  }
}

module attributes {stable_mosaic.version = 14 : i64} {
  func.func @_node_body(%arg0: i32, %arg1: memref<2000x128xf32, #tpu.memory_space<vmem>>, %arg2: memref<2x2000x128xf32, #tpu.memory_space<vmem>>, %arg3: memref<128x128xf32, #tpu.memory_space<vmem>>, %arg4: memref<128x128xf32, #tpu.memory_space<vmem>>, %arg5: memref<1x128xf32, #tpu.memory_space<vmem>>, %arg6: memref<128x128xf32, #tpu.memory_space<vmem>>, %arg7: memref<1x128xf32, #tpu.memory_space<vmem>>, %arg8: memref<2000x128xf32, #tpu.memory_space<vmem>>) attributes {dimension_semantics = [#tpu.dimension_semantics<arbitrary>], iteration_bounds = array<i64: 5>, scalar_prefetch = 0 : i64, scratch_operands = 0 : i64, tpu.core_type = #tpu.core_type<tc>, window_params = [{transform_indices = @transform_0, window_bounds = array<i64: 2000, 128>}, {transform_indices = @transform_1, window_bounds = array<i64: 2, 2000, 128>}, {pipeline_mode = #tpu.pipeline_mode<synchronous>, transform_indices = @transform_2, window_bounds = array<i64: 128, 128>}, {pipeline_mode = #tpu.pipeline_mode<synchronous>, transform_indices = @transform_3, window_bounds = array<i64: 128, 128>}, {pipeline_mode = #tpu.pipeline_mode<synchronous>, transform_indices = @transform_4, window_bounds = array<i64: 1, 128>}, {pipeline_mode = #tpu.pipeline_mode<synchronous>, transform_indices = @transform_5, window_bounds = array<i64: 128, 128>}, {pipeline_mode = #tpu.pipeline_mode<synchronous>, transform_indices = @transform_6, window_bounds = array<i64: 1, 128>}, {transform_indices = @transform_7, window_bounds = array<i64: 2000, 128>}]} {
    %get3A = arith.constant 0 : index
    %get3A_0 = arith.constant 0 : index
    %get3A_1 = vector.load %arg1[%get3A, %get3A_0] : memref<2000x128xf32, #tpu.memory_space<vmem>>, vector<2000x128xf32>
    %get3A_2 = arith.constant 0 : index
    %get3A_3 = arith.constant 0 : index
    %get3A_4 = arith.constant 0 : index
    %get3A_5 = vector.load %arg2[%get3A_2, %get3A_3, %get3A_4] : memref<2x2000x128xf32, #tpu.memory_space<vmem>>, vector<1x2000x128xf32>
    %get3A_6 = vector.shape_cast %get3A_5 : vector<1x2000x128xf32> to vector<2000x128xf32>
    %get3A_7 = arith.constant 1 : index
    %get3A_8 = arith.constant 0 : index
    %get3A_9 = arith.constant 0 : index
    %get3A_10 = vector.load %arg2[%get3A_7, %get3A_8, %get3A_9] : memref<2x2000x128xf32, #tpu.memory_space<vmem>>, vector<1x2000x128xf32>
    %get3A_11 = vector.shape_cast %get3A_10 : vector<1x2000x128xf32> to vector<2000x128xf32>
    %add3A = arith.addf %get3A_6, %get3A_11 : vector<2000x128xf32>
    %get3A_12 = arith.constant 0 : index
    %get3A_13 = arith.constant 0 : index
    %get3A_14 = vector.load %arg3[%get3A_12, %get3A_13] : memref<128x128xf32, #tpu.memory_space<vmem>>, vector<128x128xf32>
    %dot_general3A = arith.constant dense<0.000000e+00> : vector<2000x128xf32>
    %dot_general3A_15 = tpu.matmul %get3A_1, %get3A_14, %dot_general3A {dimension_numbers = #tpu.dot_dimension_numbers<[1], [1], [0], [0], [0, 0, 1, 0], [], []>, transpose_lhs_hint = false} : vector<2000x128xf32>, vector<128x128xf32>, vector<2000x128xf32> -> vector<2000x128xf32>
    %get3A_16 = arith.constant 0 : index
    %get3A_17 = arith.constant 0 : index
    %get3A_18 = vector.load %arg4[%get3A_16, %get3A_17] : memref<128x128xf32, #tpu.memory_space<vmem>>, vector<128x128xf32>
    %dot_general3A_19 = arith.constant dense<0.000000e+00> : vector<2000x128xf32>
    %dot_general3A_20 = tpu.matmul %add3A, %get3A_18, %dot_general3A_19 {dimension_numbers = #tpu.dot_dimension_numbers<[1], [1], [0], [0], [0, 0, 1, 0], [], []>, transpose_lhs_hint = false} : vector<2000x128xf32>, vector<128x128xf32>, vector<2000x128xf32> -> vector<2000x128xf32>
    %add3A_21 = arith.addf %dot_general3A_15, %dot_general3A_20 : vector<2000x128xf32>
    %get3A_22 = arith.constant 0 : index
    %get3A_23 = arith.constant 0 : index
    %get3A_24 = vector.load %arg5[%get3A_22, %get3A_23] : memref<1x128xf32, #tpu.memory_space<vmem>>, vector<1x128xf32>
    %add3A_25 = vector.broadcast %get3A_24 : vector<1x128xf32> to vector<2000x128xf32>
    %add3A_26 = arith.addf %add3A_21, %add3A_25 : vector<2000x128xf32>
    %max3A = arith.constant 0.000000e+00 : f32
    %max3A_27 = vector.broadcast %max3A : f32 to vector<2000x128xf32>
    %max3A_28 = arith.maximumf %add3A_26, %max3A_27 : vector<2000x128xf32>
    %get3A_29 = arith.constant 0 : index
    %get3A_30 = arith.constant 0 : index
    %get3A_31 = vector.load %arg6[%get3A_29, %get3A_30] : memref<128x128xf32, #tpu.memory_space<vmem>>, vector<128x128xf32>
    %dot_general3A_32 = arith.constant dense<0.000000e+00> : vector<2000x128xf32>
    %dot_general3A_33 = tpu.matmul %max3A_28, %get3A_31, %dot_general3A_32 {dimension_numbers = #tpu.dot_dimension_numbers<[1], [1], [0], [0], [0, 0, 1, 0], [], []>, transpose_lhs_hint = false} : vector<2000x128xf32>, vector<128x128xf32>, vector<2000x128xf32> -> vector<2000x128xf32>
    %get3A_34 = arith.constant 0 : index
    %get3A_35 = arith.constant 0 : index
    %get3A_36 = vector.load %arg7[%get3A_34, %get3A_35] : memref<1x128xf32, #tpu.memory_space<vmem>>, vector<1x128xf32>
    %add3A_37 = vector.broadcast %get3A_36 : vector<1x128xf32> to vector<2000x128xf32>
    %add3A_38 = arith.addf %dot_general3A_33, %add3A_37 : vector<2000x128xf32>
    %add3A_39 = arith.addf %add3A_38, %get3A_1 : vector<2000x128xf32>
    %swap3A = arith.constant 0 : index
    %swap3A_40 = arith.constant 0 : index
    %swap3A_41 = vector.load %arg8[%swap3A, %swap3A_40] : memref<2000x128xf32, #tpu.memory_space<vmem>>, vector<2000x128xf32>
    tpu.vector_store %arg8[%swap3A, %swap3A_40], %add3A_39 {strides = array<i32>} : memref<2000x128xf32, #tpu.memory_space<vmem>>, vector<2000x128xf32>,
    return
  }
  func.func @transform_0(%arg0: i32) -> (i32, i32) {
    %c0_i32 = arith.constant 0 : i32
    %c0_i32_0 = arith.constant 0 : i32
    return %arg0, %c0_i32 : i32, i32
  }
  func.func @transform_1(%arg0: i32) -> (i32, i32, i32) {
    %c0_i32 = arith.constant 0 : i32
    %c0_i32_0 = arith.constant 0 : i32
    %c0_i32_1 = arith.constant 0 : i32
    return %c0_i32, %arg0, %c0_i32_0 : i32, i32, i32
  }
  func.func @transform_2(%arg0: i32) -> (i32, i32) {
    %c0_i32 = arith.constant 0 : i32
    %c0_i32_0 = arith.constant 0 : i32
    %c0_i32_1 = arith.constant 0 : i32
    return %c0_i32, %c0_i32_0 : i32, i32
  }
  func.func @transform_3(%arg0: i32) -> (i32, i32) {
    %c0_i32 = arith.constant 0 : i32
    %c0_i32_0 = arith.constant 0 : i32
    %c0_i32_1 = arith.constant 0 : i32
    return %c0_i32, %c0_i32_0 : i32, i32
  }
  func.func @transform_4(%arg0: i32) -> (i32, i32) {
    %c0_i32 = arith.constant 0 : i32
    %c0_i32_0 = arith.constant 0 : i32
    %c0_i32_1 = arith.constant 0 : i32
    return %c0_i32, %c0_i32_0 : i32, i32
  }
  func.func @transform_5(%arg0: i32) -> (i32, i32) {
    %c0_i32 = arith.constant 0 : i32
    %c0_i32_0 = arith.constant 0 : i32
    %c0_i32_1 = arith.constant 0 : i32
    return %c0_i32, %c0_i32_0 : i32, i32
  }
  func.func @transform_6(%arg0: i32) -> (i32, i32) {
    %c0_i32 = arith.constant 0 : i32
    %c0_i32_0 = arith.constant 0 : i32
    %c0_i32_1 = arith.constant 0 : i32
    return %c0_i32, %c0_i32_0 : i32, i32
  }
  func.func @transform_7(%arg0: i32) -> (i32, i32) {
    %c0_i32 = arith.constant 0 : i32
    %c0_i32_0 = arith.constant 0 : i32
    return %arg0, %c0_i32 : i32, i32
  }
}

</mosaic_0001>

<sc_bundles>
// kernel: kernel.10.cloned.1.call-start
scs
__scs_entry_jumppad:
0x0: {  	(pc) =	sbr.rel $0x88, $3  }
0x1: {  	(tag) =	ssettag $0x0;
	lr =	simm.s32 $0x1  }
0x2: {  	[smem:$0x3F97] =	sst lr;
	_ =	strace $0xD0000000  }
0x3: {  	_ = 	snop  }
0x4: {  	_ = 	snop  }
0x5: {  	_ = 	snop  }
0x6: {  	_ = 	snop  }
0x7: {  	_ = 	snop  }
__scs_overlays_trampoline_lowered:
0x8: {  	[smem:$0x3FA6] =	sst s0  }
0x9: {  	[smem:$0x3FA7] =	sst s1  }
0xa: {  	[smem:$0x3FA8] =	sst s2  }
0xb: {  	[smem:$0x3FA9] =	sst s3  }
0xc: {  	[smem:$0x3FAA] =	sst s4  }
0xd: {  	[smem:$0x3FAB] =	sst s5  }
0xe: {  	[smem:$0x3FAC] =	sst s6  }
0xf: {  	[smem:$0x3FAD] =	sst s7  }
0x10: {  	[smem:$0x3FAE] =	sst s8  }
0x11: {  	[smem:$0x3FAF] =	sst s9;
	s0 =	simm.s32 @!p0 $0x0  }
0x12: {  	s1 =	sld [smem:$0x3F95];
	s0 =	simm.s32 @p0 $0x1  }
0x13: {  	[smem:$0x3FB0] =	sst s0;
	s0 =	simm.s32 @!p1 $0x0  }
0x14: {  	s2 =	sld [smem:$0x3F94];
	s0 =	simm.s32 @p1 $0x1  }
0x15: {  	[smem:$0x3FB1] =	sst s0;
	s0 =	simm.s32 @!p2 $0x0  }
0x16: {  	s3 =	sld [smem:$0x3FDB];
	s0 =	simm.s32 @p2 $0x1  }
0x17: {  	s4 =	simm.s32 $0x1BF5;
	[smem:$0x3FB3] =	sst s0  }
0x18: {  	s0 =	sld [smem:$0x3F96];
	_ =	swait.ge [sflag:s4], $0x0  }
0x19: {  	s7 =	sld [smem:$0x3F97]  }
0x1a: {  	s8 =	sadd.s32 $0xFFFFE003, lr  }
0x1b: {  	s9 =	sadd.s32 $0xFFFFFEF7, lr;
	s5 =	simm.s32 $0xFFFFFFFF;
	p2 =	slt.u32 s8, $0xFFFFF086  }
0x1c: {  	p1 =	slt.u32 s9, $0xF7A;
	s5 =	simm.s32 @!p2 $0x0  }
0x1d: {  	s5 =	simm.s32 @p1 $0x1;
	p0 =	seq.s32 s7, s2  }
0x1e: {  	s7 =	smul.u32 @!p0 $0xF7A, s2;
	p2 =	seq.s32 @!p0 s5, $0x0  }
0x1f: {  	s9 =	smul.u32 $0xF7A, s1;
	s8 =	simm.s32 @!p0 $0x1BF5;
	p2 =	por !p2, p0  }
0x20: {  	[sflag:s8] =	ssyncset.s32 @!p0 $0xFFFFF086;
	s6 =	sadd.s32 @!p0 s3, s7;
	s7 =	simm.s32 @!p0 $0x108  }
0x21: {  	s3 =	sadd.s32 s3, s9;
	s6 =	sadd.s32 @!p0 $0x88, s6;
	s7 =	simm.s32 @p2 $0x1082  }
0x22: {  	[simem:s7], [sflag:s8] =	dma.local @!p0 [hbm:s6], $0xF7A  }
0x23: {  	s9 =	sor.u32 $0xD0000000, s2;
	s6 =	simm.s32 $0x108;
	_ =	swait.ge @!p0 [sflag:s8], $0x0  }
0x24: {  	s3 =	sadd.s32 $0x88, s3;
	s6 =	simm.s32 @!p1 $0x1082;
	[sflag:s4] =	ssyncset.s32 $0xFFFFF086  }
0x25: {  	[simem:s6], [sflag:s4] =	dma.local [hbm:s3], $0xF7A  }
0x26: {  	[smem:$0x3F97] =	sst s1;
	(tag) =	ssettag s2;
	_ =	strace s9  }
0x27: {  	s1 =	sld [smem:$0x3FA7]  }
0x28: {  	s2 =	sld [smem:$0x3FA8]  }
0x29: {  	s4 =	sld [smem:$0x3FAA]  }
0x2a: {  	p0 =	seq.s32 s5, $0x0;
	s5 =	sld [smem:$0x3FAB]  }
0x2b: {  	s6 =	sld [smem:$0x3FAC]  }
0x2c: {  	s7 =	sld [smem:$0x3FAD]  }
0x2d: {  	s3 =	simm.s32 $0x108;
	s8 =	sld [smem:$0x3FAE]  }
0x2e: {  	s3 =	simm.s32 @!p0 $0x1082;
	s9 =	sld [smem:$0x3FAF]  }
0x2f: {  	lr =	sadd.s32 s0, s3;
	s0 =	sld [smem:$0x3FA6]  }
0x30: {  	s3 =	sld [smem:$0x3FA9]  }
0x31: {  	[smem:$0x3FB2] =	sst s10  }
0x32: {  	s10 =	sld [smem:$0x3FB0];
	_ =	sdelay $0x3  }
0x33: {  	p0 =	seq.s32 s10, $0x1;
	s10 =	sld [smem:$0x3FB2];
	_ =	sdelay $0x3  }
0x34: {  	[smem:$0x3FB2] =	sst s10  }
0x35: {  	s10 =	sld [smem:$0x3FB1];
	_ =	sdelay $0x3  }
0x36: {  	p1 =	seq.s32 s10, $0x1;
	s10 =	sld [smem:$0x3FB2];
	_ =	sdelay $0x3  }
0x37: {  	[smem:$0x3FB2] =	sst s10  }
0x38: {  	s10 =	sld [smem:$0x3FB3]  }
0x39: {  	_ = 	snop;
	(pc) =	sbr.ind lr, $3  }
0x3a: {  	_ = 	snop  }
0x3b: {  	_ = 	snop  }
0x3c: {  	p2 =	seq.s32 s10, $0x1;
	s10 =	sld [smem:$0x3FB2]  }
0x3d: {  	_ =	shalt  }
0x3e: {  	_ =	shalt  }
0x3f: {  	_ =	shalt  }
0x40: {  	_ =	shalt  }
0x41: {  	_ =	shalt  }
0x42: {  	_ =	shalt  }
0x43: {  	_ =	shalt  }
0x44: {  	_ =	shalt  }
0x45: {  	_ =	shalt  }
0x46: {  	_ =	shalt  }
0x47: {  	_ =	shalt  }
0x48: {  	_ =	shalt  }
0x49: {  	_ =	shalt  }
0x4a: {  	_ =	shalt  }
0x4b: {  	_ =	shalt  }
0x4c: {  	_ =	shalt  }
0x4d: {  	_ =	shalt  }
0x4e: {  	_ =	shalt  }
0x4f: {  	_ =	shalt  }
0x50: {  	_ =	shalt  }
0x51: {  	_ =	shalt  }
0x52: {  	_ =	shalt  }
0x53: {  	_ =	shalt  }
0x54: {  	_ =	shalt  }
0x55: {  	_ =	shalt  }
0x56: {  	_ =	shalt  }
0x57: {  	_ =	shalt  }
0x58: {  	_ =	shalt  }
0x59: {  	_ =	shalt  }
0x5a: {  	_ =	shalt  }
0x5b: {  	_ =	shalt  }
0x5c: {  	_ =	shalt  }
0x5d: {  	_ =	shalt  }
0x5e: {  	_ =	shalt  }
0x5f: {  	_ =	shalt  }
0x60: {  	_ =	shalt  }
0x61: {  	_ =	shalt  }
0x62: {  	_ =	shalt  }
0x63: {  	_ =	shalt  }
0x64: {  	_ =	shalt  }
0x65: {  	_ =	shalt  }
0x66: {  	_ =	shalt  }
0x67: {  	_ =	shalt  }
0x68: {  	_ =	shalt  }
0x69: {  	_ =	shalt  }
0x6a: {  	_ =	shalt  }
0x6b: {  	_ =	shalt  }
0x6c: {  	_ =	shalt  }
0x6d: {  	_ =	shalt  }
0x6e: {  	_ =	shalt  }
0x6f: {  	_ =	shalt  }
0x70: {  	_ =	shalt  }
0x71: {  	_ =	shalt  }
0x72: {  	_ =	shalt  }
0x73: {  	_ =	shalt  }
0x74: {  	_ =	shalt  }
0x75: {  	_ =	shalt  }
0x76: {  	_ =	shalt  }
0x77: {  	_ =	shalt  }
0x78: {  	_ =	shalt  }
0x79: {  	_ =	shalt  }
0x7a: {  	_ =	shalt  }
0x7b: {  	_ =	shalt  }
0x7c: {  	_ =	shalt  }
0x7d: {  	_ =	shalt  }
0x7e: {  	_ =	shalt  }
0x7f: {  	_ =	shalt  }
0x80: {  	_ =	shalt  }
0x81: {  	_ =	shalt  }
0x82: {  	_ =	shalt  }
0x83: {  	_ =	shalt  }
0x84: {  	_ =	shalt  }
0x85: {  	_ =	shalt  }
0x86: {  	_ =	shalt  }
0x87: {  	_ =	shalt  }
.Lfunc_end0:
.L_simem_size_0:
called_computation_lowered:
.L_overlay_start_0:
0x88: {  	s2 =	sld [smem:$0x3FD9]  }
0x89: {  	s3 =	sld [smem:$0x3FFE];
	_ =	sdelay $0x1  }
0x8a: {  	s1 =	srdreg.scid  }
0x8b: {  	s0 =	sand.u32 $0x1, s1  }
0x8c: {  	s14 =	sshll.u32 s0, $0xA;
	s2 =	sadd.s32 s3, s2  }
0x8d: {  	s2 =	sadd.s32 s2, s14  }
0x8e: {  	[smem:$0x3FBE] =	sst s2  }
0x8f: {  	_ = 	snop  }
0x90: {  	s2 =	sld [smem:$0x3FD0];
	_ =	sdelay $0x2  }
0x91: {  	s15 =	simm.s32 $0xB;
	s4 =	simm.s32 $0x10  }
0x92: {  	[smem:s4], [sflag:s15] =	dma.local [hbm:s2], $0x1  }
0x93: {  	_ =	swait.eq [sflag:s15], $0x1  }
0x94: {  	[sflag:s15] =	ssyncset.done $0x0  }
0x95: {  	s16 =	sld [smem:$0x10];
	[sflag:s15] =	ssyncadd.s32 $0xFFFFFFFF  }
0x96: {  	s17 =	sld [smem:$0x11];
	(tm) =	ssettm $0x1  }
0x97: {  	s18 =	sld [smem:$0x3FFB];
	_ =	sdelay $0x3  }
0x98: {  	_ =	strace s18  }
0x99: {  	s4 =	sld [smem:$0x3FFC];
	_ =	sdelay $0x3  }
0x9a: {  	_ =	strace s4  }
0x9b: {  	s4 =	sld [smem:$0x3FFD];
	_ =	sdelay $0x3  }
0x9c: {  	_ =	strace s4  }
0x9d: {  	_ =	strace $0x8FFFFFFF  }
0x9e: {  	s19 =	sld [smem:$0x3FDB];
	_ =	sdelay $0x1  }
0x9f: {  	s5 =	simm.s32 $_scs_section_size  }
0xa0: {  	s6 =	simm.s32 $_size__tile_overlayer_lowered;
	s7 =	simm.s32 $_tile_overlayer_lowered  }
0xa1: {  	s22 =	simm.s32 $0x1BFF;
	s21 =	sshll.u32 s7, $0x1;
	s4 =	sadd.s32 s5, s19  }
0xa2: {  	s8 =	simm.s32 $0x0;
	s20 =	sshll.u32 s6, $0x1;
	s6 =	sadd.s32 s21, s4  }
0xa3: {  	[timem:s8], [sflag:s22] =	dma.local [hbm:s6], s20  }
0xa4: {  	_ =	swait.ge [sflag:s22], s20  }
0xa5: {  	s5 =	ssub.s32 $0x0, s20;
	[sflag:s22] =	ssyncset.done $0x0  }
0xa6: {  	[sflag:s22] =	ssyncadd.s32 s5;
	_ =	sdelay $0x1  }
0xa7: {  	s23 =	simm.s32 $0x1B8B  }
0xa8: {  	_ =	swait.ge [sflag:s23], $0x1  }
0xa9: {  	[sflag:s23] =	ssyncset.done $0x0  }
0xaa: {  	s25 =	simm.s32 $0x1B8E;
	s24 =	sld [smem:$0x3FFE];
	[sflag:s23] =	ssyncadd.s32 $0xFFFFFFFF  }
0xab: {  	s26 =	simm.s32 $execute0_lowered;
	[smem:$0x3FD2] =	sst s25  }
0xac: {  	s6 =	sshll.u32 s26, $0x1;
	_ =	strace $0x80000046;
	[dreg:$0x1] =	wrdreg $0xFFFFFFFF  }
0xad: {  	s28 =	simm.s32 $_size_execute0_lowered;
	s4 =	sadd.s32 s4, s6;
	[dreg:$0x0] =	wrdreg $0x0  }
0xae: {  	s6 =	sshll.u32 s28, $0x1;
	[dreg:$0x2] =	wrdreg s4  }
0xaf: {  	[dreg:$0x3] =	wrdreg s6  }
0xb0: {  	[dreg:$0x4] =	wrdreg $0xC0  }
0xb1: {  	_ =	task [dreg:s8], $0x5FFFF  }
0xb2: {  	[dreg:$0x1] =	wrdreg $0xFFFFFFFF  }
0xb3: {  	[dreg:$0x0] =	wrdreg $0x60  }
0xb4: {  	[dreg:$0x2] =	wrdreg s16  }
0xb5: {  	[dreg:$0x3] =	wrdreg s24  }
0xb6: {  	[dreg:$0x4] =	wrdreg s17  }
0xb7: {  	[dreg:$0x5] =	wrdreg $0xA  }
0xb8: {  	_ =	task.clear_ibuf [dreg:s8], $0x6FFFF;
	_ =	strace $0x90000046  }
0xb9: {  	s29 =	simm.s32 $0xA;
	_ =	strace $0x80000048  }
0xba: {  	_ =	swait.ge [sflag:s29], $0x1  }
0xbb: {  	[sflag:s29] =	ssyncadd.s32 $0xFFFFFFFF  }
0xbc: {  	_ =	strace $0x90000048  }
0xbd: {  	_ =	sfence  }
0xbe: {  	s30 =	sld [smem:$0x0];
	_ =	sdelay $0x2  }
0xbf: {  	s31 =	sshll.u32 s1, $0xD;
	s1 =	sshrl.u32 s1, $0x2  }
0xc0: {  	s3 =	sand.u32 $0x4000, s31;
	s1 =	sadd.s32 s1, s30  }
0xc1: {  	s0 =	sor.u32 s3, s0;
	s1 =	sshll.u32 s1, $0x11  }
0xc2: {  	s0 =	sor.u32 s1, s0  }
0xc3: {  	s0 =	sadd.s32 $0x8F2B, s0  }
0xc4: {  	[sflag:s0] =	ssyncadd.remote.s32 $0x1  }
0xc5: {  	_ =	sfence.sel $0xFFFF  }
0xc6: {  	[dreg:$0x0] =	wrdreg $0xFFFFFFFF;
	(pc) =	sbr.abs _section_cstart, $3  }
0xc7: {  	[dreg:$0x1] =	wrdreg $0xFFFFFFFF  }
0xc8: {  	_ =	task.clear_ibuf [dreg:s8], $0x2FFFF;
	_ =	strace $0x9FFFFFFF  }
0xc9: {  	(tm) =	ssettm $0x7FFFFFFF  }
tec
execute0_lowered:
.L_overlay_start_1:
0x0: {  	(tag) =	ssettag $0x1  }
0x1: {  	s1 =	rddreg [dreg:$0x0];
	s2 =	srdreg.scid  }
0x2: {  	s0 =	stileid.u32;
	s6 =	rddreg [dreg:$0x1]  }
0x3: {  	s8 =	rddreg [dreg:$0x2];
	s3 =	simm.s32 $0x0;
	s12 =	simm.s32 $0x1380  }
0x4: {  	s13 =	simm.s32 $0x50;
	s14 =	simm.s32 $0x2700;
	s15 =	simm.s32 $0x4F00  }
0x5: {  	s16 =	simm.s32 $0x9F00;
	s17 =	simm.s32 $0x13D0;
	s18 =	simm.s32 $0xC700  }
0x6: {  	s19 =	simm.s32 $0x1;
	s20 =	simm.s32 $0x7700;
	s21 =	simm.s32 $0x2  }
0x7: {  	s22 =	simm.s32 $0xEF00;
	s5 =	sand.u32 $0x1, s2;
	s31 =	sshll.u32 s0, $0x1  }
0x8: {  	s23 =	simm.s32 $0x3;
	s24 =	simm.s32 $0x4;
	s4 =	sor.u32 s5, s31  }
0x9: {  	s25 =	simm.s32 $0x0;
	s2 =	rddreg [dreg:$0x3];
	s4 =	smul.u32 $0x1360, s4  }
.Ltmp0:
0xa: {  	[smem:$0x7FF] =	sst s3;
	s7 =	ssub.s32 $0x2, s5;
	(pc) =	sbr.rel .LBB2_1-.Ltmp0, $4  }
0xb: {  	_ =	strace $0x80000047;
	s11 =	sshrl.u32 s7, $0x1;
	s9 =	sshrl.u32 s4, $0x3  }
0xc: {  	s5 =	sadd.s32 $0x7C00, s6;
	s11 =	ssub.s32 s7, s11;
	s10 =	sadd.s32 s9, s6  }
0xd: {  	s6 =	sadd.s32 $0x2EE00, s6;
	s8 =	sadd.s32 s8, s9;
	s9 =	sadd.s32 $0x50, s4  }
0xe: {  	s7 =	sadd.s32 $0x2E00, s10;
	s10 =	smax.u32 s11, $0x1;
	s11 =	simm.s32 $0x5  }
.LBB2_8:
0xf: {  	s25 =	sadd.s32 $0x1, s25  }
0x10: {  	_ =	swait.ge [sflag:s23], $0x2800;
	p0 =	sne.s32 s25, s10  }
.Ltmp1:
0x11: {  	[sflag:s23] =	ssyncset.done $0x0;
	(pc) =	sbr.rel @!p0 .LBB2_9-.Ltmp1, $4  }
0x12: {  	[sflag:s23] =	ssyncadd.s32 $0xFFFFD800  }
0x13: {  	_ =	swait.ge [sflag:s24], $0x2800  }
0x14: {  	[sflag:s24] =	ssyncset.done $0x0  }
0x15: {  	[sflag:s24] =	ssyncadd.s32 $0xFFFFD800  }
.LBB2_1:
0x16: {  	[tilespmem:s3], [sflag:$0x5] =	stream.linear.gather [hbm4b:s7+s3], $0x1360, $0x38;
	[tilespmem:$0x11700] =	vst v63  }
0x17: {  	_ =	swait.ge [sflag:s11], $0x1360  }
0x18: {  	[sflag:s11] =	ssyncset.done $0x0  }
0x19: {  	[sflag:s11] =	ssyncadd.s32 $0xFFFFECA0  }
0x1a: {  	[tilespmem:s12], [sflag:$0x5] =	stream.linear.gather [hbm4b:s8+s3], $0x1360, $0x38;
	[tilespmem:$0x11700] =	vst v63  }
0x1b: {  	_ =	swait.ge [sflag:s11], $0x1360  }
0x1c: {  	[sflag:s11] =	ssyncset.done $0x0  }
0x1d: {  	[sflag:s11] =	ssyncadd.s32 $0xFFFFECA0  }
0x1e: {  	[tilespmem:s14], [sflag:$0x1] =	stream.indirect.gather [hbm4b:s1+s13], $0x80, s3, s13, $0xb8;
	[tilespmem:$0x11700] =	vst v63  }
0x1f: {  	_ = 	snop  }
0x20: {  	[tilespmem:s15], [sflag:$0x1] =	stream.indirect.gather [hbm4b:s5+s13], $0x80, s12, s13, $0xb8;
	[tilespmem:$0x11700] =	vst v63  }
0x21: {  	_ = 	snop  }
0x22: {  	[tilespmem:s16], [sflag:$0x2] =	stream.indirect.gather [hbm4b:s1+s13], $0x80, s13, s13, $0xb8;
	[tilespmem:$0x11700] =	vst v63  }
0x23: {  	s26 =	simm.s32 $0x0  }
0x24: {  	[tilespmem:s18], [sflag:$0x2] =	stream.indirect.gather [hbm4b:s5+s13], $0x80, s17, s13, $0xb8;
	[tilespmem:$0x11700] =	vst v63  }
.LBB2_2:
0x25: {  	_ =	swait.ge [sflag:s19], $0x2800  }
0x26: {  	[sflag:s19] =	ssyncset.done $0x0  }
0x27: {  	[sflag:s19] =	ssyncadd.s32 $0xFFFFD800  }
0x28: {  	_ =	swait.ge [sflag:s19], $0x2800  }
0x29: {  	p0 =	seq.s32 s26, $0x0;
	[sflag:s19] =	ssyncset.done $0x0  }
0x2a: {  	s28 =	simm.s32 @!p0 $0x3;
	[sflag:s19] =	ssyncadd.s32 $0xFFFFD800  }
0x2b: {  	_ =	swait.ge @!p0 [sflag:s28], $0x2800  }
0x2c: {  	[sflag:s28] =	ssyncset.done @!p0 $0x0  }
0x2d: {  	[sflag:s28] =	ssyncadd.s32 @!p0 $0xFFFFD800;
	s28 =	simm.s32 $0x0  }
0x2e: {  	v0 =	vld [tilespmem:s28+$0x2770]  }
0x2f: {  	v1 =	vld [tilespmem:s28+$0x4F70]  }
0x30: {  	v2 =	vld [tilespmem:s28+$0x2700]  }
0x31: {  	v3 =	vld [tilespmem:s28+$0x4F00]  }
0x32: {  	v4 =	vld [tilespmem:s28+$0x2710]  }
0x33: {  	v5 =	vld [tilespmem:s28+$0x4F10]  }
0x34: {  	v6 =	vld [tilespmem:s28+$0x2720]  }
0x35: {  	v7 =	vld [tilespmem:s28+$0x2730]  }
0x36: {  	v0 =	vadd.f32 v1, v0;
	v1 =	vld [tilespmem:s28+$0x4F20]  }
0x37: {  	v2 =	vadd.f32 v3, v2;
	v3 =	vld [tilespmem:s28+$0x4F30]  }
0x38: {  	v8 =	vld [tilespmem:s28+$0x4F40]  }
0x39: {  	[tilespmem:s28+$0x7770] =	vst v0;
	v0 =	vadd.f32 v5, v4;
	v4 =	vld [tilespmem:s28+$0x2740]  }
0x3a: {  	[tilespmem:s28+$0x7700] =	vst v2;
	v2 =	vld [tilespmem:s28+$0x4F50]  }
0x3b: {  	[tilespmem:s28+$0x7710] =	vst v0;
	v0 =	vld [tilespmem:s28+$0x2750];
	v1 =	vadd.f32 v1, v6  }
0x3c: {  	v6 =	vadd.f32 v3, v7;
	v3 =	vld [tilespmem:s28+$0x4F60]  }
0x3d: {  	s29 =	simm.s32 $0x80;
	[tilespmem:s28+$0x7720] =	vst v1;
	v1 =	vld [tilespmem:s28+$0x2760]  }
0x3e: {  	s30 =	simm.s32 $0x400;
	v5 =	vld [tilespmem:s29+$0x2770];
	[tilespmem:s28+$0x7730] =	vst v6;
	v4 =	vadd.f32 v8, v4  }
.LBB2_3:
0x3f: {  	p1 =	sne.s32 s30, $0x9E00;
	v6 =	vld [tilespmem:s29+$0x4F70]  }
0x40: {  	v7 =	vld [tilespmem:s29+$0x2700];
	[tilespmem:s28+$0x7740] =	vst v4;
	v0 =	vadd.f32 v2, v0  }
0x41: {  	v2 =	vld [tilespmem:s29+$0x4F00]  }
0x42: {  	v4 =	vld [tilespmem:s29+$0x2710];
	[tilespmem:s28+$0x7750] =	vst v0;
	v0 =	vadd.f32 v3, v1  }
0x43: {  	v1 =	vld [tilespmem:s29+$0x4F10]  }
0x44: {  	v3 =	vld [tilespmem:s29+$0x2720];
	v5 =	vadd.f32 v6, v5;
	[tilespmem:s28+$0x7760] =	vst v0;
	s28 =	smov.u32 s29  }
0x45: {  	v0 =	vld [tilespmem:s28+$0x4F20]  }
0x46: {  	v2 =	vadd.f32 v2, v7;
	v6 =	vld [tilespmem:s28+$0x2730];
	[tilespmem:s28+$0x7770] =	vst v5  }
0x47: {  	v5 =	vld [tilespmem:s28+$0x4F30]  }
0x48: {  	[tilespmem:s28+$0x7700] =	vst v2;
	v1 =	vadd.f32 v1, v4;
	v4 =	vld [tilespmem:s28+$0x2740]  }
0x49: {  	v7 =	vld [tilespmem:s28+$0x4F40]  }
.Ltmp2:
0x4a: {  	[tilespmem:s28+$0x7710] =	vst v1;
	v1 =	vadd.f32 v0, v3;
	v0 =	vld [tilespmem:s28+$0x2750];
	(pc) =	sbr.rel @p1 .LBB2_3-.Ltmp2, $4  }
0x4b: {  	v2 =	vld [tilespmem:s28+$0x4F50]  }
0x4c: {  	[tilespmem:s28+$0x7720] =	vst v1;
	v6 =	vadd.f32 v5, v6;
	v1 =	vld [tilespmem:s28+$0x2760]  }
0x4d: {  	s29 =	sshra.s32 s30, $0x2;
	v3 =	vld [tilespmem:s28+$0x4F60]  }
0x4e: {  	s30 =	sadd.s32 $0x200, s30;
	v5 =	vld [tilespmem:s29+$0x2770];
	[tilespmem:s28+$0x7730] =	vst v6;
	v4 =	vadd.f32 v7, v4  }
0x4f: {  	v6 =	vld [tilespmem:s29+$0x4F70]  }
0x50: {  	v7 =	vld [tilespmem:s29+$0x2700]  }
0x51: {  	v8 =	vld [tilespmem:s29+$0x4F00]  }
0x52: {  	v9 =	vld [tilespmem:s29+$0x2710]  }
0x53: {  	v10 =	vld [tilespmem:s29+$0x4F10]  }
0x54: {  	v11 =	vld [tilespmem:s29+$0x2720]  }
0x55: {  	v12 =	vld [tilespmem:s29+$0x2730]  }
0x56: {  	v5 =	vadd.f32 v6, v5;
	v6 =	vld [tilespmem:s29+$0x4F20]  }
0x57: {  	v60 =	vld [tilespmem:s29+$0x2740]  }
0x58: {  	v61 =	vld [tilespmem:s29+$0x4F40];
	v7 =	vadd.f32 v8, v7  }
0x59: {  	v62 =	vld [tilespmem:s29+$0x4F50];
	[tilespmem:s29+$0x7770] =	vst v5  }
0x5a: {  	v5 =	vld [tilespmem:s29+$0x4F30];
	[tilespmem:s29+$0x7700] =	vst v7;
	v7 =	vadd.f32 v10, v9  }
0x5b: {  	v0 =	vadd.f32 v2, v0;
	v2 =	vld [tilespmem:s29+$0x4F60];
	v6 =	vadd.f32 v6, v11  }
0x5c: {  	[tilespmem:s29+$0x7710] =	vst v7;
	v7 =	vld [tilespmem:s29+$0x2750]  }
0x5d: {  	[tilespmem:s29+$0x7720] =	vst v6;
	v6 =	vld [tilespmem:s29+$0x2760]  }
0x5e: {  	[tilespmem:s28+$0x7740] =	vst v4;
	v1 =	vadd.f32 v3, v1  }
0x5f: {  	[tilespmem:s28+$0x7750] =	vst v0;
	v0 =	vadd.f32 v5, v12  }
0x60: {  	[tilespmem:s28+$0x7760] =	vst v1;
	v1 =	vadd.f32 v61, v60;
	s28 =	smul.u32 $0xA0, s26  }
0x61: {  	[tilespmem:s29+$0x7730] =	vst v0;
	v0 =	vadd.f32 v62, v7  }
0x62: {  	[tilespmem:s29+$0x7740] =	vst v1;
	s30 =	sadd.s32 s4, s28;
	v1 =	vadd.f32 v2, v6  }
0x63: {  	s30 =	sshll.u32 s30, $0x4;
	[tilespmem:s29+$0x7750] =	vst v0  }
0x64: {  	p1 =	seq.s32 s26, $0x1E;
	[tilespmem:s29+$0x7760] =	vst v1;
	s29 =	sadd.s32 s6, s30  }
0x65: {  	[hbm4b:s29+s3] =	stream.linear.scatter [tilespmem:s20], [sflag:$0x3], $0x2800, $0x38;
	[tilespmem:$0x11700] =	vst v63  }
0x66: {  	s31 =	simm.s32 @!p1 $0x2700;
	s30 =	simm.s32 @!p1 $0x50;
	s29 =	sadd.s32 @!p1 $0xA0, s28  }
0x67: {  	[tilespmem:s31], [sflag:$0x1] =	stream.indirect.gather @!p1 [hbm4b:s1+s30], $0x80, s29, s30, $0xb8;
	[tilespmem:$0x11700] =	vst v63  }
0x68: {  	s29 =	sadd.s32 @!p1 $0x1420, s28;
	s31 =	simm.s32 @!p1 $0x4F00  }
0x69: {  	[tilespmem:s31], [sflag:$0x1] =	stream.indirect.gather @!p1 [hbm4b:s5+s30], $0x80, s29, s30, $0xb8;
	[tilespmem:$0x11700] =	vst v63  }
0x6a: {  	_ =	swait.ge [sflag:s21], $0x2800  }
0x6b: {  	[sflag:s21] =	ssyncset.done $0x0  }
0x6c: {  	[sflag:s21] =	ssyncadd.s32 $0xFFFFD800  }
0x6d: {  	_ =	swait.ge [sflag:s21], $0x2800  }
0x6e: {  	[sflag:s21] =	ssyncset.done $0x0  }
0x6f: {  	s29 =	simm.s32 @!p0 $0x4;
	[sflag:s21] =	ssyncadd.s32 $0xFFFFD800  }
0x70: {  	_ =	swait.ge @!p0 [sflag:s29], $0x2800  }
0x71: {  	[sflag:s29] =	ssyncset.done @!p0 $0x0  }
0x72: {  	[sflag:s29] =	ssyncadd.s32 @!p0 $0xFFFFD800;
	s29 =	simm.s32 $0x0  }
0x73: {  	v0 =	vld [tilespmem:s29+$0x9F70]  }
0x74: {  	v1 =	vld [tilespmem:s29+$0xC770]  }
0x75: {  	v2 =	vld [tilespmem:s29+$0x9F00]  }
0x76: {  	v3 =	vld [tilespmem:s29+$0xC700]  }
0x77: {  	v4 =	vld [tilespmem:s29+$0x9F10]  }
0x78: {  	v5 =	vld [tilespmem:s29+$0xC710]  }
0x79: {  	v6 =	vld [tilespmem:s29+$0x9F20]  }
0x7a: {  	v7 =	vld [tilespmem:s29+$0x9F30]  }
0x7b: {  	v0 =	vadd.f32 v1, v0;
	v1 =	vld [tilespmem:s29+$0xC720]  }
0x7c: {  	v2 =	vadd.f32 v3, v2;
	v3 =	vld [tilespmem:s29+$0xC730]  }
0x7d: {  	v63 =	vld [tilespmem:s29+$0xC740]  }
0x7e: {  	[tilespmem:s29+$0xEF70] =	vst v0;
	v0 =	vadd.f32 v5, v4;
	v4 =	vld [tilespmem:s29+$0x9F40]  }
0x7f: {  	[tilespmem:s29+$0xEF00] =	vst v2;
	v2 =	vld [tilespmem:s29+$0xC750]  }
0x80: {  	[tilespmem:s29+$0xEF10] =	vst v0;
	v0 =	vld [tilespmem:s29+$0x9F50];
	v1 =	vadd.f32 v1, v6  }
0x81: {  	v6 =	vadd.f32 v3, v7;
	v3 =	vld [tilespmem:s29+$0xC760]  }
0x82: {  	s30 =	simm.s32 $0x80;
	[tilespmem:s29+$0xEF20] =	vst v1;
	v1 =	vld [tilespmem:s29+$0x9F60]  }
0x83: {  	s31 =	simm.s32 $0x400;
	v5 =	vld [tilespmem:s30+$0x9F70];
	[tilespmem:s29+$0xEF30] =	vst v6;
	v4 =	vadd.f32 v63, v4  }
.LBB2_5:
0x84: {  	p0 =	sne.s32 s31, $0x9E00;
	v6 =	vld [tilespmem:s30+$0xC770]  }
0x85: {  	v7 =	vld [tilespmem:s30+$0x9F00];
	[tilespmem:s29+$0xEF40] =	vst v4;
	v0 =	vadd.f32 v2, v0  }
0x86: {  	v2 =	vld [tilespmem:s30+$0xC700]  }
0x87: {  	v4 =	vld [tilespmem:s30+$0x9F10];
	[tilespmem:s29+$0xEF50] =	vst v0;
	v0 =	vadd.f32 v3, v1  }
0x88: {  	v1 =	vld [tilespmem:s30+$0xC710]  }
0x89: {  	v3 =	vld [tilespmem:s30+$0x9F20];
	v5 =	vadd.f32 v6, v5;
	[tilespmem:s29+$0xEF60] =	vst v0;
	s29 =	smov.u32 s30  }
0x8a: {  	v0 =	vld [tilespmem:s29+$0xC720]  }
0x8b: {  	v2 =	vadd.f32 v2, v7;
	v6 =	vld [tilespmem:s29+$0x9F30];
	[tilespmem:s29+$0xEF70] =	vst v5  }
0x8c: {  	v5 =	vld [tilespmem:s29+$0xC730]  }
0x8d: {  	[tilespmem:s29+$0xEF00] =	vst v2;
	v1 =	vadd.f32 v1, v4;
	v4 =	vld [tilespmem:s29+$0x9F40]  }
0x8e: {  	v7 =	vld [tilespmem:s29+$0xC740]  }
.Ltmp3:
0x8f: {  	[tilespmem:s29+$0xEF10] =	vst v1;
	v1 =	vadd.f32 v0, v3;
	v0 =	vld [tilespmem:s29+$0x9F50];
	(pc) =	sbr.rel @p0 .LBB2_5-.Ltmp3, $4  }
0x90: {  	v2 =	vld [tilespmem:s29+$0xC750]  }
0x91: {  	[tilespmem:s29+$0xEF20] =	vst v1;
	v6 =	vadd.f32 v5, v6;
	v1 =	vld [tilespmem:s29+$0x9F60]  }
0x92: {  	s30 =	sshra.s32 s31, $0x2;
	v3 =	vld [tilespmem:s29+$0xC760]  }
0x93: {  	s31 =	sadd.s32 $0x200, s31;
	v5 =	vld [tilespmem:s30+$0x9F70];
	[tilespmem:s29+$0xEF30] =	vst v6;
	v4 =	vadd.f32 v7, v4  }
0x94: {  	v6 =	vld [tilespmem:s30+$0xC770]  }
0x95: {  	v7 =	vld [tilespmem:s30+$0x9F00]  }
0x96: {  	v8 =	vld [tilespmem:s30+$0xC700]  }
0x97: {  	v9 =	vld [tilespmem:s30+$0x9F10]  }
0x98: {  	v10 =	vld [tilespmem:s30+$0xC710]  }
0x99: {  	v11 =	vld [tilespmem:s30+$0x9F20]  }
0x9a: {  	v51 =	vld [tilespmem:s30+$0xC720]  }
0x9b: {  	v12 =	vld [tilespmem:s30+$0x9F30]  }
0x9c: {  	v52 =	vld [tilespmem:s30+$0xC730]  }
0x9d: {  	v54 =	vld [tilespmem:s30+$0x9F40]  }
0x9e: {  	v55 =	vld [tilespmem:s30+$0xC740];
	v0 =	vadd.f32 v2, v0  }
0x9f: {  	v56 =	vld [tilespmem:s30+$0x9F50];
	[tilespmem:s29+$0xEF40] =	vst v4;
	v1 =	vadd.f32 v3, v1  }
0xa0: {  	v57 =	vld [tilespmem:s30+$0xC750];
	[tilespmem:s29+$0xEF50] =	vst v0;
	v5 =	vadd.f32 v6, v5  }
0xa1: {  	v58 =	vld [tilespmem:s30+$0x9F60];
	v7 =	vadd.f32 v8, v7;
	[tilespmem:s29+$0xEF60] =	vst v1  }
0xa2: {  	v59 =	vld [tilespmem:s30+$0xC760];
	v53 =	vadd.f32 v10, v9;
	[tilespmem:s30+$0xEF70] =	vst v5  }
0xa3: {  	v6 =	vadd.f32 v51, v11;
	[tilespmem:s30+$0xEF00] =	vst v7  }
0xa4: {  	v60 =	vadd.f32 v52, v12;
	[tilespmem:s30+$0xEF10] =	vst v53  }
0xa5: {  	v61 =	vadd.f32 v55, v54;
	[tilespmem:s30+$0xEF20] =	vst v6  }
.Ltmp4:
0xa6: {  	v62 =	vadd.f32 v57, v56;
	[tilespmem:s30+$0xEF30] =	vst v60;
	(pc) =	sbr.rel @p1 .LBB2_8-.Ltmp4, $4  }
0xa7: {  	s31 =	sadd.s32 s28, s9;
	v63 =	vadd.f32 v59, v58;
	[tilespmem:s30+$0xEF40] =	vst v61  }
0xa8: {  	s29 =	sshll.u32 s31, $0x4;
	[tilespmem:s30+$0xEF50] =	vst v62  }
0xa9: {  	s29 =	sadd.s32 s6, s29;
	[tilespmem:s30+$0xEF60] =	vst v63  }
0xaa: {  	[hbm4b:s29+s3] =	stream.linear.scatter [tilespmem:s22], [sflag:$0x4], $0x2800, $0x38;
	[tilespmem:$0x11700] =	vst v63  }
.Ltmp5:
0xab: {  	(pc) =	sbr.rel .LBB2_2-.Ltmp5, $4  }
0xac: {  	s29 =	sadd.s32 $0xF0, s28  }
0xad: {  	[tilespmem:s16], [sflag:$0x2] =	stream.indirect.gather [hbm4b:s1+s13], $0x80, s29, s13, $0xb8;
	[tilespmem:$0x11700] =	vst v63  }
0xae: {  	s31 =	sadd.s32 $0x1470, s28;
	s26 =	sadd.s32 $0x1, s26  }
0xaf: {  	[tilespmem:s18], [sflag:$0x2] =	stream.indirect.gather [hbm4b:s5+s13], $0x80, s31, s13, $0xb8;
	[tilespmem:$0x11700] =	vst v63  }
.LBB2_9:
0xb0: {  	_ =	sfence.sel $0x180000  }
0xb1: {  	[bflag:$0x0] =	sbarrier.arrive $0xFFFF  }
0xb2: {  	p0 =	sne.s32 s0, $0x0;
	_ =	strace $0x90000047  }
0xb3: {  	s0 =	sadd.s32 @!p0 $0x100000, s2;
	[bflag:$0x2] =	sbarrier.arrive $0xFFFF  }
0xb4: {  	[sflag:s0] =	ssyncadd.tile.s32 @!p0 $0x1;
	_ =	shalt  }
.Lfunc_end2:
_tile_overlayer_lowered:
.L_overlay_start_2:
0xb5: {  	(tag) =	ssettag $0x2  }
0xb6: {  	s0 =	rddreg [dreg:$0x0];
	s2 =	stileid.u32  }
0xb7: {  	s1 =	rddreg [dreg:$0x1];
	p0 =	sne.s32 s2, $0x0  }
0xb8: {  	s3 =	rddreg [dreg:$0x2];
	[bflag:$0x3] =	sbarrier.arrive $0xFFFF;
	s2 =	simm.s32 @!p0 $0x1C05  }
0xb9: {  	[timem:s3], [sflag:s2] =	dma.local @!p0 [hbm:s0], s1  }
0xba: {  	s0 =	simm.s32 @!p0 $0x5  }
0xbb: {  	_ =	swait.ge @!p0 [sflag:s0], s1  }
0xbc: {  	s1 =	ssub.s32 @!p0 $0x0, s1;
	[sflag:s0] =	ssyncset.done @!p0 $0x0  }
0xbd: {  	[sflag:s0] =	ssyncadd.s32 @!p0 s1  }
0xbe: {  	[bflag:$0x3] =	sbarrier.arrive $0xFFFF  }
0xbf: {  	_ =	shalt  }

// kernel: kernel.13.cloned.1.call-start
scs
__scs_entry_jumppad:
0x0: {  	(pc) =	sbr.rel $0x88, $3  }
0x1: {  	(tag) =	ssettag $0x0;
	lr =	simm.s32 $0x1  }
0x2: {  	[smem:$0x3F97] =	sst lr;
	_ =	strace $0xD0000000  }
0x3: {  	_ = 	snop  }
0x4: {  	_ = 	snop  }
0x5: {  	_ = 	snop  }
0x6: {  	_ = 	snop  }
0x7: {  	_ = 	snop  }
__scs_overlays_trampoline_lowered:
0x8: {  	[smem:$0x3FA6] =	sst s0  }
0x9: {  	[smem:$0x3FA7] =	sst s1  }
0xa: {  	[smem:$0x3FA8] =	sst s2  }
0xb: {  	[smem:$0x3FA9] =	sst s3  }
0xc: {  	[smem:$0x3FAA] =	sst s4  }
0xd: {  	[smem:$0x3FAB] =	sst s5  }
0xe: {  	[smem:$0x3FAC] =	sst s6  }
0xf: {  	[smem:$0x3FAD] =	sst s7  }
0x10: {  	[smem:$0x3FAE] =	sst s8  }
0x11: {  	[smem:$0x3FAF] =	sst s9;
	s0 =	simm.s32 @!p0 $0x0  }
0x12: {  	s1 =	sld [smem:$0x3F95];
	s0 =	simm.s32 @p0 $0x1  }
0x13: {  	[smem:$0x3FB0] =	sst s0;
	s0 =	simm.s32 @!p1 $0x0  }
0x14: {  	s2 =	sld [smem:$0x3F94];
	s0 =	simm.s32 @p1 $0x1  }
0x15: {  	[smem:$0x3FB1] =	sst s0;
	s0 =	simm.s32 @!p2 $0x0  }
0x16: {  	s3 =	sld [smem:$0x3FDB];
	s0 =	simm.s32 @p2 $0x1  }
0x17: {  	s4 =	simm.s32 $0x1BF5;
	[smem:$0x3FB3] =	sst s0  }
0x18: {  	s0 =	sld [smem:$0x3F96];
	_ =	swait.ge [sflag:s4], $0x0  }
0x19: {  	s7 =	sld [smem:$0x3F97]  }
0x1a: {  	s8 =	sadd.s32 $0xFFFFE003, lr  }
0x1b: {  	s9 =	sadd.s32 $0xFFFFFEF7, lr;
	s5 =	simm.s32 $0xFFFFFFFF;
	p2 =	slt.u32 s8, $0xFFFFF086  }
0x1c: {  	p1 =	slt.u32 s9, $0xF7A;
	s5 =	simm.s32 @!p2 $0x0  }
0x1d: {  	s5 =	simm.s32 @p1 $0x1;
	p0 =	seq.s32 s7, s2  }
0x1e: {  	s7 =	smul.u32 @!p0 $0xF7A, s2;
	p2 =	seq.s32 @!p0 s5, $0x0  }
0x1f: {  	s9 =	smul.u32 $0xF7A, s1;
	s8 =	simm.s32 @!p0 $0x1BF5;
	p2 =	por !p2, p0  }
0x20: {  	[sflag:s8] =	ssyncset.s32 @!p0 $0xFFFFF086;
	s6 =	sadd.s32 @!p0 s3, s7;
	s7 =	simm.s32 @!p0 $0x108  }
0x21: {  	s3 =	sadd.s32 s3, s9;
	s6 =	sadd.s32 @!p0 $0x88, s6;
	s7 =	simm.s32 @p2 $0x1082  }
0x22: {  	[simem:s7], [sflag:s8] =	dma.local @!p0 [hbm:s6], $0xF7A  }
0x23: {  	s9 =	sor.u32 $0xD0000000, s2;
	s6 =	simm.s32 $0x108;
	_ =	swait.ge @!p0 [sflag:s8], $0x0  }
0x24: {  	s3 =	sadd.s32 $0x88, s3;
	s6 =	simm.s32 @!p1 $0x1082;
	[sflag:s4] =	ssyncset.s32 $0xFFFFF086  }
0x25: {  	[simem:s6], [sflag:s4] =	dma.local [hbm:s3], $0xF7A  }
0x26: {  	[smem:$0x3F97] =	sst s1;
	(tag) =	ssettag s2;
	_ =	strace s9  }
0x27: {  	s1 =	sld [smem:$0x3FA7]  }
0x28: {  	s2 =	sld [smem:$0x3FA8]  }
0x29: {  	s4 =	sld [smem:$0x3FAA]  }
0x2a: {  	p0 =	seq.s32 s5, $0x0;
	s5 =	sld [smem:$0x3FAB]  }
0x2b: {  	s6 =	sld [smem:$0x3FAC]  }
0x2c: {  	s7 =	sld [smem:$0x3FAD]  }
0x2d: {  	s3 =	simm.s32 $0x108;
	s8 =	sld [smem:$0x3FAE]  }
0x2e: {  	s3 =	simm.s32 @!p0 $0x1082;
	s9 =	sld [smem:$0x3FAF]  }
0x2f: {  	lr =	sadd.s32 s0, s3;
	s0 =	sld [smem:$0x3FA6]  }
0x30: {  	s3 =	sld [smem:$0x3FA9]  }
0x31: {  	[smem:$0x3FB2] =	sst s10  }
0x32: {  	s10 =	sld [smem:$0x3FB0];
	_ =	sdelay $0x3  }
0x33: {  	p0 =	seq.s32 s10, $0x1;
	s10 =	sld [smem:$0x3FB2];
	_ =	sdelay $0x3  }
0x34: {  	[smem:$0x3FB2] =	sst s10  }
0x35: {  	s10 =	sld [smem:$0x3FB1];
	_ =	sdelay $0x3  }
0x36: {  	p1 =	seq.s32 s10, $0x1;
	s10 =	sld [smem:$0x3FB2];
	_ =	sdelay $0x3  }
0x37: {  	[smem:$0x3FB2] =	sst s10  }
0x38: {  	s10 =	sld [smem:$0x3FB3]  }
0x39: {  	_ = 	snop;
	(pc) =	sbr.ind lr, $3  }
0x3a: {  	_ = 	snop  }
0x3b: {  	_ = 	snop  }
0x3c: {  	p2 =	seq.s32 s10, $0x1;
	s10 =	sld [smem:$0x3FB2]  }
0x3d: {  	_ =	shalt  }
0x3e: {  	_ =	shalt  }
0x3f: {  	_ =	shalt  }
0x40: {  	_ =	shalt  }
0x41: {  	_ =	shalt  }
0x42: {  	_ =	shalt  }
0x43: {  	_ =	shalt  }
0x44: {  	_ =	shalt  }
0x45: {  	_ =	shalt  }
0x46: {  	_ =	shalt  }
0x47: {  	_ =	shalt  }
0x48: {  	_ =	shalt  }
0x49: {  	_ =	shalt  }
0x4a: {  	_ =	shalt  }
0x4b: {  	_ =	shalt  }
0x4c: {  	_ =	shalt  }
0x4d: {  	_ =	shalt  }
0x4e: {  	_ =	shalt  }
0x4f: {  	_ =	shalt  }
0x50: {  	_ =	shalt  }
0x51: {  	_ =	shalt  }
0x52: {  	_ =	shalt  }
0x53: {  	_ =	shalt  }
0x54: {  	_ =	shalt  }
0x55: {  	_ =	shalt  }
0x56: {  	_ =	shalt  }
0x57: {  	_ =	shalt  }
0x58: {  	_ =	shalt  }
0x59: {  	_ =	shalt  }
0x5a: {  	_ =	shalt  }
0x5b: {  	_ =	shalt  }
0x5c: {  	_ =	shalt  }
0x5d: {  	_ =	shalt  }
0x5e: {  	_ =	shalt  }
0x5f: {  	_ =	shalt  }
0x60: {  	_ =	shalt  }
0x61: {  	_ =	shalt  }
0x62: {  	_ =	shalt  }
0x63: {  	_ =	shalt  }
0x64: {  	_ =	shalt  }
0x65: {  	_ =	shalt  }
0x66: {  	_ =	shalt  }
0x67: {  	_ =	shalt  }
0x68: {  	_ =	shalt  }
0x69: {  	_ =	shalt  }
0x6a: {  	_ =	shalt  }
0x6b: {  	_ =	shalt  }
0x6c: {  	_ =	shalt  }
0x6d: {  	_ =	shalt  }
0x6e: {  	_ =	shalt  }
0x6f: {  	_ =	shalt  }
0x70: {  	_ =	shalt  }
0x71: {  	_ =	shalt  }
0x72: {  	_ =	shalt  }
0x73: {  	_ =	shalt  }
0x74: {  	_ =	shalt  }
0x75: {  	_ =	shalt  }
0x76: {  	_ =	shalt  }
0x77: {  	_ =	shalt  }
0x78: {  	_ =	shalt  }
0x79: {  	_ =	shalt  }
0x7a: {  	_ =	shalt  }
0x7b: {  	_ =	shalt  }
0x7c: {  	_ =	shalt  }
0x7d: {  	_ =	shalt  }
0x7e: {  	_ =	shalt  }
0x7f: {  	_ =	shalt  }
0x80: {  	_ =	shalt  }
0x81: {  	_ =	shalt  }
0x82: {  	_ =	shalt  }
0x83: {  	_ =	shalt  }
0x84: {  	_ =	shalt  }
0x85: {  	_ =	shalt  }
0x86: {  	_ =	shalt  }
0x87: {  	_ =	shalt  }
.Lfunc_end0:
.L_simem_size_0:
called_computation.1_lowered:
.L_overlay_start_0:
0x88: {  	s2 =	sld [smem:$0x3FD9]  }
0x89: {  	s3 =	sld [smem:$0x3FFE];
	_ =	sdelay $0x1  }
0x8a: {  	s1 =	srdreg.scid  }
0x8b: {  	s0 =	sand.u32 $0x1, s1  }
0x8c: {  	s17 =	sshll.u32 s0, $0xA;
	s2 =	sadd.s32 s3, s2  }
0x8d: {  	s2 =	sadd.s32 s2, s17  }
0x8e: {  	[smem:$0x3FBE] =	sst s2  }
0x8f: {  	_ = 	snop  }
0x90: {  	(tm) =	ssettm $0x1  }
0x91: {  	s18 =	sld [smem:$0x3FFB];
	_ =	sdelay $0x3  }
0x92: {  	_ =	strace s18  }
0x93: {  	s2 =	sld [smem:$0x3FFC];
	_ =	sdelay $0x3  }
0x94: {  	_ =	strace s2  }
0x95: {  	s2 =	sld [smem:$0x3FFD];
	_ =	sdelay $0x3  }
0x96: {  	_ =	strace s2  }
0x97: {  	_ =	strace $0x8FFFFFFF  }
0x98: {  	s19 =	sld [smem:$0x3FDB];
	_ =	sdelay $0x1  }
0x99: {  	s20 =	simm.s32 $_scs_section_size  }
0x9a: {  	s4 =	simm.s32 $_size__tile_overlayer_lowered;
	s5 =	simm.s32 $_tile_overlayer_lowered  }
0x9b: {  	s6 =	simm.s32 $0x1BFF;
	s21 =	sshll.u32 s5, $0x1;
	s3 =	sadd.s32 s20, s19  }
0x9c: {  	s22 =	simm.s32 $0x0;
	s4 =	sshll.u32 s4, $0x1;
	s5 =	sadd.s32 s21, s3  }
0x9d: {  	[timem:s22], [sflag:s6] =	dma.local [hbm:s5], s4  }
0x9e: {  	_ =	swait.ge [sflag:s6], s4  }
0x9f: {  	s4 =	ssub.s32 $0x0, s4;
	[sflag:s6] =	ssyncset.done $0x0  }
0xa0: {  	[sflag:s6] =	ssyncadd.s32 s4;
	_ =	sdelay $0x1  }
0xa1: {  	s23 =	simm.s32 $0x1B8B  }
0xa2: {  	_ =	swait.ge [sflag:s23], $0x1  }
0xa3: {  	[sflag:s23] =	ssyncset.done $0x0  }
0xa4: {  	[sflag:s23] =	ssyncadd.s32 $0xFFFFFFFF  }
0xa5: {  	s4 =	sld [smem:$0x0]  }
0xa6: {  	s5 =	sand.u32 $0xFFFFFFFE, s1  }
0xa7: {  	p0 =	sne.s32 s1, s5  }
0xa8: {  	s5 =	sshll.u32 @p0 s5, $0xE  }
0xa9: {  	s5 =	sadd.s32 @p0 $0x11B8D, s5;
	s6 =	sshll.u32 @p0 s4, $0x11  }
0xaa: {  	s5 =	sor.u32 @p0 s6, s5  }
0xab: {  	[sflag:s5] =	ssyncadd.remote.s32 @p0 $0x1;
	_ =	sdelay $0x1  }
0xac: {  	s5 =	simm.s32 @p0 $0x1B8D  }
0xad: {  	_ =	swait.eq @p0 [sflag:s5], $0x1  }
0xae: {  	[sflag:s5] =	ssyncadd.s32 @p0 $0xFFFFFFFF  }
0xaf: {  	s6 =	sshll.u32 @!p0 s1, $0xE  }
0xb0: {  	s6 =	sor.u32 @!p0 $0x4000, s6;
	s5 =	simm.s32 @!p0 $0x1B8D  }
0xb1: {  	s4 =	sshll.u32 @!p0 s4, $0x11;
	s6 =	sadd.s32 @!p0 $0x11B8D, s6;
	_ =	swait.eq @!p0 [sflag:s5], $0x1  }
0xb2: {  	s4 =	sor.u32 @!p0 s4, s6;
	[sflag:s5] =	ssyncadd.s32 @!p0 $0xFFFFFFFF  }
0xb3: {  	s25 =	simm.s32 $0x1B8E;
	s24 =	sld [smem:$0x3FFE];
	[sflag:s4] =	ssyncadd.remote.s32 @!p0 $0x1  }
0xb4: {  	s26 =	simm.s32 $execute0_lowered;
	[smem:$0x3FD2] =	sst s25  }
0xb5: {  	s5 =	sshll.u32 s26, $0x1;
	_ =	strace $0x8000004C;
	[dreg:$0x1] =	wrdreg $0xFFFFFFFF  }
0xb6: {  	s28 =	simm.s32 $_size_execute0_lowered;
	s3 =	sadd.s32 s3, s5;
	[dreg:$0x0] =	wrdreg $0x0  }
0xb7: {  	s5 =	sshll.u32 s28, $0x1;
	[dreg:$0x2] =	wrdreg s3  }
0xb8: {  	[dreg:$0x3] =	wrdreg s5  }
0xb9: {  	[dreg:$0x4] =	wrdreg $0xC0  }
0xba: {  	_ =	task [dreg:s22], $0x5FFFF  }
0xbb: {  	[dreg:$0x1] =	wrdreg $0xFFFFFFFF  }
0xbc: {  	[dreg:$0x0] =	wrdreg $0x60  }
0xbd: {  	[dreg:$0x2] =	wrdreg s24  }
0xbe: {  	[dreg:$0x3] =	wrdreg $0x51000  }
0xbf: {  	[dreg:$0x4] =	wrdreg $0xA  }
0xc0: {  	_ =	task.clear_ibuf [dreg:s22], $0x5FFFF;
	_ =	strace $0x9000004C  }
0xc1: {  	s29 =	simm.s32 $0xA;
	_ =	strace $0x8000004E  }
0xc2: {  	_ =	swait.ge [sflag:s29], $0x1  }
0xc3: {  	[sflag:s29] =	ssyncadd.s32 $0xFFFFFFFF  }
0xc4: {  	_ =	strace $0x9000004E  }
0xc5: {  	_ =	sfence  }
0xc6: {  	s30 =	sld [smem:$0x0];
	_ =	sdelay $0x2  }
0xc7: {  	s31 =	sshll.u32 s1, $0xD;
	s1 =	sshrl.u32 s1, $0x2  }
0xc8: {  	s4 =	sand.u32 $0x4000, s31;
	s1 =	sadd.s32 s1, s30  }
0xc9: {  	s0 =	sor.u32 s4, s0;
	s1 =	sshll.u32 s1, $0x11  }
0xca: {  	s0 =	sor.u32 s1, s0  }
0xcb: {  	s0 =	sadd.s32 $0x8F2B, s0  }
0xcc: {  	[sflag:s0] =	ssyncadd.remote.s32 $0x1  }
0xcd: {  	_ =	sfence.sel $0xFFFF  }
0xce: {  	[dreg:$0x0] =	wrdreg $0xFFFFFFFF;
	(pc) =	sbr.abs _section_cstart, $3  }
0xcf: {  	[dreg:$0x1] =	wrdreg $0xFFFFFFFF  }
0xd0: {  	_ =	task.clear_ibuf [dreg:s22], $0x2FFFF;
	_ =	strace $0x9FFFFFFF  }
0xd1: {  	(tm) =	ssettm $0x7FFFFFFF  }
tec
execute0_lowered:
.L_overlay_start_1:
0x0: {  	(tag) =	ssettag $0x1  }
0x1: {  	s0 =	rddreg [dreg:$0x0]  }
0x2: {  	s1 =	rddreg [dreg:$0x1]  }
0x3: {  	s2 =	simm.s32 $0x0;
	s5 =	srdreg.scid;
	s20 =	stileid.u32  }
0x4: {  	s28 =	simm.s32 $0x0;
	[smem:$0x7FF] =	sst s2;
	s3 =	sadd.s32 $0x51AE00, s0  }
0x5: {  	s4 =	sadd.s32 $0x2E00, s0;
	s5 =	sand.u32 $0x1, s5;
	s6 =	smul.u32 $0x4E000, s20  }
0x6: {  	s9 =	sadd.s32 $0x2EE00, s0;
	s11 =	sshll.u32 s20, $0x1;
	s12 =	smul.u32 $0x13800, s20  }
0x7: {  	s0 =	sadd.s32 $0x7D000, s0;
	s21 =	sshll.u32 s20, $0x6;
	s17 =	smul.u32 $0x26C0, s20  }
0x8: {  	s25 =	sadd.s32 $0x138000, s1;
	s29 =	smul.u32 $0x26C00, s20;
	p0 =	sne.s32 s20, $0xF  }
0x9: {  	s20 =	simm.s32 $0x3;
	_ =	strace $0x8000004D;
	s7 =	ssub.s32 $0x2, s5  }
0xa: {  	s8 =	smul.u32 $0x138800, s5;
	s18 =	sor.u32 s5, s11;
	[dreg:$0x5] =	wrdreg s25  }
0xb: {  	s25 =	simm.s32 $0x50;
	s10 =	sshrl.u32 s7, $0x1;
	s13 =	smul.u32 $0x1360, s18  }
0xc: {  	s6 =	sshrl.u32 s6, $0x2;
	s24 =	smul.u32 $0x13600, s18;
	s30 =	sadd.s32 s29, s3  }
0xd: {  	s16 =	ssub.s32 s7, s10;
	s19 =	sadd.s32 s12, s8;
	s6 =	sadd.s32 s6, s1  }
0xe: {  	s7 =	sor.u32 $0x1C03, s21;
	s8 =	sshrl.u32 s8, $0x3;
	s21 =	simm.s32 $0x80  }
0xf: {  	[dreg:$0x3] =	wrdreg s6;
	s14 =	sshrl.u32 s19, $0x3;
	s15 =	sadd.s32 $0x27000, s8  }
0x10: {  	s23 =	sshrl.u32 s13, $0x3;
	s11 =	sadd.s32 s3, s24;
	s19 =	smul.u32 $0x1360, s5  }
0x11: {  	s26 =	sadd.s32 $0x50, s13;
	s5 =	smul.u32 $0x13600, s5;
	s16 =	smax.u32 s16, $0x1  }
0x12: {  	s24 =	simm.s32 $0x1;
	s22 =	sadd.s32 s9, s14;
	s9 =	sadd.s32 s9, s15  }
0x13: {  	s10 =	sadd.s32 s4, s23;
	s13 =	sshrl.u32 s26, $0x3;
	s18 =	sshll.u32 s26, $0x4  }
0x14: {  	s14 =	sadd.s32 s0, s14;
	s15 =	sadd.s32 s0, s15;
	s23 =	simm.s32 $0x2900  }
0x15: {  	s26 =	simm.s32 $0x2;
	[dreg:$0x4] =	wrdreg s22;
	s17 =	sadd.s32 s19, s17  }
0x16: {  	s12 =	sadd.s32 s4, s13;
	s13 =	sadd.s32 s3, s18;
	s31 =	sadd.s32 $0xF0, s17  }
0x17: {  	s0 =	sadd.s32 s5, s30;
	s22 =	simm.s32 $0x2880;
	s3 =	sshrl.u32 s31, $0x3  }
0x18: {  	s5 =	sadd.s32 $0xF00, s0;
	s19 =	sadd.s32 $0xA0, s17;
	s18 =	sadd.s32 s3, s4  }
.LBB2_1:
0x19: {  	s0 =	rddreg [dreg:$0x3]  }
0x1a: {  	s3 =	rddreg [dreg:$0x4];
	s29 =	sshrl.u32 s0, $0x3  }
0x1b: {  	[spmem:s29], [sflag:s7] =	dma.local [hbm:s3], $0x2700  }
0x1c: {  	_ =	swait.ge [sflag:s20], $0x2700  }
0x1d: {  	[sflag:s20] =	ssyncset.done $0x0;
	s0 =	rddreg [dreg:$0x5]  }
0x1e: {  	[sflag:s20] =	ssyncadd.s32 $0xFFFFD900;
	s30 =	sshrl.u32 @!p0 s0, $0x3;
	s0 =	simm.s32 @!p0 $0x3  }
0x1f: {  	[spmem:s30], [sflag:s7] =	dma.local @!p0 [hbm:s9], $0x100  }
0x20: {  	_ =	swait.ge @!p0 [sflag:s0], $0x100  }
0x21: {  	[sflag:s0] =	ssyncset.done @!p0 $0x0  }
0x22: {  	[sflag:s0] =	ssyncadd.s32 @!p0 $0xFFFFFF00  }
0x23: {  	[bflag:$0x0] =	sbarrier.arrive $0xFFFF  }
0x24: {  	[tilespmem:s2], [sflag:$0x1] =	stream.linear.gather [hbm4b:s10+s2], $0x50, $0x38;
	[tilespmem:$0x18980] =	vst v63  }
0x25: {  	_ = 	snop  }
0x26: {  	[tilespmem:s21], [sflag:$0x1] =	stream.linear.gather [hbm4b:s11+s2], $0x2800, $0x38;
	[tilespmem:$0x18980] =	vst v63  }
0x27: {  	_ = 	snop  }
0x28: {  	[tilespmem:s22], [sflag:$0x2] =	stream.linear.gather [hbm4b:s12+s2], $0x50, $0x38;
	[tilespmem:$0x18980] =	vst v63  }
0x29: {  	_ = 	snop  }
0x2a: {  	[tilespmem:s23], [sflag:$0x2] =	stream.linear.gather [hbm4b:s13+s2], $0x2800, $0x38;
	[tilespmem:$0x18980] =	vst v63  }
0x2b: {  	_ =	swait.ge [sflag:s24], $0x50  }
0x2c: {  	[sflag:s24] =	ssyncset.done $0x0  }
0x2d: {  	[sflag:s24] =	ssyncadd.s32 $0xFFFFFFB0  }
0x2e: {  	_ =	swait.ge [sflag:s24], $0x2800  }
0x2f: {  	[sflag:s24] =	ssyncset.done $0x0  }
0x30: {  	[sflag:s24] =	ssyncadd.s32 $0xFFFFD800  }
0x31: {  	[spmem:s1] =	stream.indirect.scatter.add.f32 [tilespmem:s21], [sflag:$0x3], $0x80, s2, s25, $0xb8;
	[tilespmem:$0x18980] =	vst v63  }
0x32: {  	_ =	swait.ge [sflag:s20], $0x2800  }
0x33: {  	s6 =	sshrl.u32 s19, $0x3;
	[sflag:s20] =	ssyncset.done $0x0  }
0x34: {  	s0 =	sadd.s32 s4, s6;
	[sflag:s20] =	ssyncadd.s32 $0xFFFFD800  }
0x35: {  	[tilespmem:s2], [sflag:$0x1] =	stream.linear.gather [hbm4b:s0+s2], $0x50, $0x38;
	[tilespmem:$0x18980] =	vst v63  }
0x36: {  	s8 =	sadd.s32 $0xFFFFFB00, s5  }
0x37: {  	[tilespmem:s21], [sflag:$0x1] =	stream.linear.gather [hbm4b:s8+s2], $0x2800, $0x38;
	[tilespmem:$0x18980] =	vst v63  }
0x38: {  	_ =	swait.ge [sflag:s26], $0x50  }
0x39: {  	[sflag:s26] =	ssyncset.done $0x0  }
0x3a: {  	[sflag:s26] =	ssyncadd.s32 $0xFFFFFFB0  }
0x3b: {  	_ =	swait.ge [sflag:s26], $0x2800  }
0x3c: {  	[sflag:s26] =	ssyncset.done $0x0  }
0x3d: {  	[sflag:s26] =	ssyncadd.s32 $0xFFFFD800  }
0x3e: {  	[spmem:s1] =	stream.indirect.scatter.add.f32 [tilespmem:s23], [sflag:$0x3], $0x80, s22, s25, $0xb8;
	[tilespmem:$0x18980] =	vst v63  }
0x3f: {  	_ =	swait.ge [sflag:s20], $0x2800  }
0x40: {  	[sflag:s20] =	ssyncset.done $0x0  }
0x41: {  	s17 =	sadd.s32 $0x0, s18;
	s31 =	simm.s32 $0x14;
	[sflag:s20] =	ssyncadd.s32 $0xFFFFD800  }
0x42: {  	[tilespmem:s22], [sflag:$0x2] =	stream.linear.gather [hbm4b:s17+s2], $0x50, $0x38;
	[tilespmem:$0x18980] =	vst v63  }
0x43: {  	s3 =	sadd.s32 $0xA0, s19;
	s0 =	sadd.s32 $0xA00, s5;
	s17 =	smov.u32 s5  }
.LBB2_2:
0x44: {  	[tilespmem:s23], [sflag:$0x2] =	stream.linear.gather [hbm4b:s17+s2], $0x2800, $0x38;
	[tilespmem:$0x18980] =	vst v63  }
0x45: {  	s6 =	smov.u32 s31;
	s17 =	smov.u32 s0  }
0x46: {  	p1 =	sne.s32 s31, $0x244;
	s31 =	sadd.s32 $0x14, s31;
	_ =	swait.ge [sflag:s24], $0x50  }
0x47: {  	[sflag:s24] =	ssyncset.done $0x0  }
0x48: {  	[sflag:s24] =	ssyncadd.s32 $0xFFFFFFB0  }
0x49: {  	_ =	swait.ge [sflag:s24], $0x2800  }
0x4a: {  	[sflag:s24] =	ssyncset.done $0x0  }
0x4b: {  	[sflag:s24] =	ssyncadd.s32 $0xFFFFD800  }
0x4c: {  	[spmem:s1] =	stream.indirect.scatter.add.f32 [tilespmem:s21], [sflag:$0x3], $0x80, s2, s25, $0xb8;
	[tilespmem:$0x18980] =	vst v63  }
0x4d: {  	_ =	swait.ge [sflag:s20], $0x2800  }
0x4e: {  	s8 =	sshrl.u32 s3, $0x3;
	[sflag:s20] =	ssyncset.done $0x0  }
0x4f: {  	s8 =	sadd.s32 s4, s8;
	[sflag:s20] =	ssyncadd.s32 $0xFFFFD800  }
0x50: {  	[tilespmem:s2], [sflag:$0x1] =	stream.linear.gather [hbm4b:s8+s2], $0x50, $0x38;
	[tilespmem:$0x18980] =	vst v63  }
0x51: {  	s8 =	sadd.s32 $0xFFFFFB00, s0  }
0x52: {  	[tilespmem:s21], [sflag:$0x1] =	stream.linear.gather [hbm4b:s8+s2], $0x2800, $0x38;
	[tilespmem:$0x18980] =	vst v63  }
0x53: {  	_ =	swait.ge [sflag:s26], $0x50  }
0x54: {  	[sflag:s26] =	ssyncset.done $0x0  }
0x55: {  	[sflag:s26] =	ssyncadd.s32 $0xFFFFFFB0  }
0x56: {  	_ =	swait.ge [sflag:s26], $0x2800  }
0x57: {  	[sflag:s26] =	ssyncset.done $0x0  }
0x58: {  	[sflag:s26] =	ssyncadd.s32 $0xFFFFD800  }
0x59: {  	[spmem:s1] =	stream.indirect.scatter.add.f32 [tilespmem:s23], [sflag:$0x3], $0x80, s22, s25, $0xb8;
	[tilespmem:$0x18980] =	vst v63  }
.Ltmp0:
0x5a: {  	_ =	swait.ge [sflag:s20], $0x2800;
	(pc) =	sbr.rel @p1 .LBB2_2-.Ltmp0, $4  }
0x5b: {  	[sflag:s20] =	ssyncset.done $0x0  }
0x5c: {  	s6 =	sadd.s32 s6, s18;
	[sflag:s20] =	ssyncadd.s32 $0xFFFFD800  }
0x5d: {  	[tilespmem:s22], [sflag:$0x2] =	stream.linear.gather [hbm4b:s6+s2], $0x50, $0x38;
	[tilespmem:$0x18980] =	vst v63  }
0x5e: {  	s3 =	sadd.s32 $0xA0, s3;
	s0 =	sadd.s32 $0xA00, s0  }
0x5f: {  	[tilespmem:s23], [sflag:$0x2] =	stream.linear.gather [hbm4b:s17+s2], $0x2800, $0x38;
	[tilespmem:$0x18980] =	vst v63  }
0x60: {  	_ =	swait.ge [sflag:s24], $0x50  }
0x61: {  	[sflag:s24] =	ssyncset.done $0x0  }
0x62: {  	[sflag:s24] =	ssyncadd.s32 $0xFFFFFFB0  }
0x63: {  	_ =	swait.ge [sflag:s24], $0x2800  }
0x64: {  	[sflag:s24] =	ssyncset.done $0x0  }
0x65: {  	[sflag:s24] =	ssyncadd.s32 $0xFFFFD800  }
0x66: {  	[spmem:s1] =	stream.indirect.scatter.add.f32 [tilespmem:s21], [sflag:$0x3], $0x80, s2, s25, $0xb8;
	[tilespmem:$0x18980] =	vst v63  }
0x67: {  	_ =	swait.ge [sflag:s20], $0x2800  }
0x68: {  	[sflag:s20] =	ssyncset.done $0x0  }
0x69: {  	[sflag:s20] =	ssyncadd.s32 $0xFFFFD800  }
0x6a: {  	_ =	swait.ge [sflag:s26], $0x50  }
0x6b: {  	[sflag:s26] =	ssyncset.done $0x0  }
0x6c: {  	[sflag:s26] =	ssyncadd.s32 $0xFFFFFFB0  }
0x6d: {  	_ =	swait.ge [sflag:s26], $0x2800  }
0x6e: {  	[sflag:s26] =	ssyncset.done $0x0  }
0x6f: {  	[sflag:s26] =	ssyncadd.s32 $0xFFFFD800  }
0x70: {  	[spmem:s1] =	stream.indirect.scatter.add.f32 [tilespmem:s23], [sflag:$0x3], $0x80, s22, s25, $0xb8;
	[tilespmem:$0x18980] =	vst v63  }
0x71: {  	_ =	swait.ge [sflag:s20], $0x2800  }
0x72: {  	[sflag:s20] =	ssyncset.done $0x0  }
0x73: {  	[sflag:s20] =	ssyncadd.s32 $0xFFFFD800  }
0x74: {  	[bflag:$0x0] =	sbarrier.arrive $0xFFFF  }
0x75: {  	[hbm:s14], [sflag:s7] =	dma.local [spmem:s29], $0x2700  }
0x76: {  	s28 =	sadd.s32 $0x1, s28;
	_ =	swait.ge [sflag:s20], $0x2700  }
0x77: {  	p1 =	sne.s32 s28, s16;
	[sflag:s20] =	ssyncset.done $0x0  }
.Ltmp1:
0x78: {  	s0 =	simm.s32 @!p0 $0x3;
	[sflag:s20] =	ssyncadd.s32 $0xFFFFD900;
	(pc) =	sbr.rel @p1 .LBB2_1-.Ltmp1, $4  }
0x79: {  	[hbm:s15], [sflag:s7] =	dma.local @!p0 [spmem:s30], $0x100  }
0x7a: {  	_ =	swait.ge @!p0 [sflag:s0], $0x100  }
0x7b: {  	[sflag:s0] =	ssyncset.done @!p0 $0x0  }
0x7c: {  	[sflag:s0] =	ssyncadd.s32 @!p0 $0xFFFFFF00  }
0x7d: {  	_ =	sfence.sel $0x180000  }
0x7e: {  	[bflag:$0x0] =	sbarrier.arrive $0xFFFF  }
0x7f: {  	_ =	strace $0x9000004D  }
0x80: {  	s0 =	stileid.u32;
	[bflag:$0x2] =	sbarrier.arrive $0xFFFF  }
0x81: {  	p0 =	sne.s32 s0, $0x0;
	s0 =	rddreg [dreg:$0x2]  }
0x82: {  	s0 =	sadd.s32 @!p0 $0x100000, s0  }
0x83: {  	[sflag:s0] =	ssyncadd.tile.s32 @!p0 $0x1;
	_ =	shalt  }
.Lfunc_end2:
_tile_overlayer_lowered:
.L_overlay_start_2:
0x84: {  	(tag) =	ssettag $0x2  }
0x85: {  	s0 =	rddreg [dreg:$0x0];
	s2 =	stileid.u32  }
0x86: {  	s1 =	rddreg [dreg:$0x1];
	p0 =	sne.s32 s2, $0x0  }
0x87: {  	s3 =	rddreg [dreg:$0x2];
	[bflag:$0x3] =	sbarrier.arrive $0xFFFF;
	s2 =	simm.s32 @!p0 $0x1C03  }
0x88: {  	[timem:s3], [sflag:s2] =	dma.local @!p0 [hbm:s0], s1  }
0x89: {  	s0 =	simm.s32 @!p0 $0x3  }
0x8a: {  	_ =	swait.ge @!p0 [sflag:s0], s1  }
0x8b: {  	s1 =	ssub.s32 @!p0 $0x0, s1;
	[sflag:s0] =	ssyncset.done @!p0 $0x0  }
0x8c: {  	[sflag:s0] =	ssyncadd.s32 @!p0 s1  }
0x8d: {  	[bflag:$0x3] =	sbarrier.arrive $0xFFFF  }
0x8e: {  	_ =	shalt  }

// kernel: kernel.16.cloned.1.call-start
scs
__scs_entry_jumppad:
0x0: {  	(pc) =	sbr.rel $0x88, $3  }
0x1: {  	(tag) =	ssettag $0x0;
	lr =	simm.s32 $0x1  }
0x2: {  	[smem:$0x3F97] =	sst lr;
	_ =	strace $0xD0000000  }
0x3: {  	_ = 	snop  }
0x4: {  	_ = 	snop  }
0x5: {  	_ = 	snop  }
0x6: {  	_ = 	snop  }
0x7: {  	_ = 	snop  }
__scs_overlays_trampoline_lowered:
0x8: {  	[smem:$0x3FA6] =	sst s0  }
0x9: {  	[smem:$0x3FA7] =	sst s1  }
0xa: {  	[smem:$0x3FA8] =	sst s2  }
0xb: {  	[smem:$0x3FA9] =	sst s3  }
0xc: {  	[smem:$0x3FAA] =	sst s4  }
0xd: {  	[smem:$0x3FAB] =	sst s5  }
0xe: {  	[smem:$0x3FAC] =	sst s6  }
0xf: {  	[smem:$0x3FAD] =	sst s7  }
0x10: {  	[smem:$0x3FAE] =	sst s8  }
0x11: {  	[smem:$0x3FAF] =	sst s9;
	s0 =	simm.s32 @!p0 $0x0  }
0x12: {  	s1 =	sld [smem:$0x3F95];
	s0 =	simm.s32 @p0 $0x1  }
0x13: {  	[smem:$0x3FB0] =	sst s0;
	s0 =	simm.s32 @!p1 $0x0  }
0x14: {  	s2 =	sld [smem:$0x3F94];
	s0 =	simm.s32 @p1 $0x1  }
0x15: {  	[smem:$0x3FB1] =	sst s0;
	s0 =	simm.s32 @!p2 $0x0  }
0x16: {  	s3 =	sld [smem:$0x3FDB];
	s0 =	simm.s32 @p2 $0x1  }
0x17: {  	s4 =	simm.s32 $0x1BF5;
	[smem:$0x3FB3] =	sst s0  }
0x18: {  	s0 =	sld [smem:$0x3F96];
	_ =	swait.ge [sflag:s4], $0x0  }
0x19: {  	s7 =	sld [smem:$0x3F97]  }
0x1a: {  	s8 =	sadd.s32 $0xFFFFE003, lr  }
0x1b: {  	s9 =	sadd.s32 $0xFFFFFEF7, lr;
	s5 =	simm.s32 $0xFFFFFFFF;
	p2 =	slt.u32 s8, $0xFFFFF086  }
0x1c: {  	p1 =	slt.u32 s9, $0xF7A;
	s5 =	simm.s32 @!p2 $0x0  }
0x1d: {  	s5 =	simm.s32 @p1 $0x1;
	p0 =	seq.s32 s7, s2  }
0x1e: {  	s7 =	smul.u32 @!p0 $0xF7A, s2;
	p2 =	seq.s32 @!p0 s5, $0x0  }
0x1f: {  	s9 =	smul.u32 $0xF7A, s1;
	s8 =	simm.s32 @!p0 $0x1BF5;
	p2 =	por !p2, p0  }
0x20: {  	[sflag:s8] =	ssyncset.s32 @!p0 $0xFFFFF086;
	s6 =	sadd.s32 @!p0 s3, s7;
	s7 =	simm.s32 @!p0 $0x108  }
0x21: {  	s3 =	sadd.s32 s3, s9;
	s6 =	sadd.s32 @!p0 $0x88, s6;
	s7 =	simm.s32 @p2 $0x1082  }
0x22: {  	[simem:s7], [sflag:s8] =	dma.local @!p0 [hbm:s6], $0xF7A  }
0x23: {  	s9 =	sor.u32 $0xD0000000, s2;
	s6 =	simm.s32 $0x108;
	_ =	swait.ge @!p0 [sflag:s8], $0x0  }
0x24: {  	s3 =	sadd.s32 $0x88, s3;
	s6 =	simm.s32 @!p1 $0x1082;
	[sflag:s4] =	ssyncset.s32 $0xFFFFF086  }
0x25: {  	[simem:s6], [sflag:s4] =	dma.local [hbm:s3], $0xF7A  }
0x26: {  	[smem:$0x3F97] =	sst s1;
	(tag) =	ssettag s2;
	_ =	strace s9  }
0x27: {  	s1 =	sld [smem:$0x3FA7]  }
0x28: {  	s2 =	sld [smem:$0x3FA8]  }
0x29: {  	s4 =	sld [smem:$0x3FAA]  }
0x2a: {  	p0 =	seq.s32 s5, $0x0;
	s5 =	sld [smem:$0x3FAB]  }
0x2b: {  	s6 =	sld [smem:$0x3FAC]  }
0x2c: {  	s7 =	sld [smem:$0x3FAD]  }
0x2d: {  	s3 =	simm.s32 $0x108;
	s8 =	sld [smem:$0x3FAE]  }
0x2e: {  	s3 =	simm.s32 @!p0 $0x1082;
	s9 =	sld [smem:$0x3FAF]  }
0x2f: {  	lr =	sadd.s32 s0, s3;
	s0 =	sld [smem:$0x3FA6]  }
0x30: {  	s3 =	sld [smem:$0x3FA9]  }
0x31: {  	[smem:$0x3FB2] =	sst s10  }
0x32: {  	s10 =	sld [smem:$0x3FB0];
	_ =	sdelay $0x3  }
0x33: {  	p0 =	seq.s32 s10, $0x1;
	s10 =	sld [smem:$0x3FB2];
	_ =	sdelay $0x3  }
0x34: {  	[smem:$0x3FB2] =	sst s10  }
0x35: {  	s10 =	sld [smem:$0x3FB1];
	_ =	sdelay $0x3  }
0x36: {  	p1 =	seq.s32 s10, $0x1;
	s10 =	sld [smem:$0x3FB2];
	_ =	sdelay $0x3  }
0x37: {  	[smem:$0x3FB2] =	sst s10  }
0x38: {  	s10 =	sld [smem:$0x3FB3]  }
0x39: {  	_ = 	snop;
	(pc) =	sbr.ind lr, $3  }
0x3a: {  	_ = 	snop  }
0x3b: {  	_ = 	snop  }
0x3c: {  	p2 =	seq.s32 s10, $0x1;
	s10 =	sld [smem:$0x3FB2]  }
0x3d: {  	_ =	shalt  }
0x3e: {  	_ =	shalt  }
0x3f: {  	_ =	shalt  }
0x40: {  	_ =	shalt  }
0x41: {  	_ =	shalt  }
0x42: {  	_ =	shalt  }
0x43: {  	_ =	shalt  }
0x44: {  	_ =	shalt  }
0x45: {  	_ =	shalt  }
0x46: {  	_ =	shalt  }
0x47: {  	_ =	shalt  }
0x48: {  	_ =	shalt  }
0x49: {  	_ =	shalt  }
0x4a: {  	_ =	shalt  }
0x4b: {  	_ =	shalt  }
0x4c: {  	_ =	shalt  }
0x4d: {  	_ =	shalt  }
0x4e: {  	_ =	shalt  }
0x4f: {  	_ =	shalt  }
0x50: {  	_ =	shalt  }
0x51: {  	_ =	shalt  }
0x52: {  	_ =	shalt  }
0x53: {  	_ =	shalt  }
0x54: {  	_ =	shalt  }
0x55: {  	_ =	shalt  }
0x56: {  	_ =	shalt  }
0x57: {  	_ =	shalt  }
0x58: {  	_ =	shalt  }
0x59: {  	_ =	shalt  }
0x5a: {  	_ =	shalt  }
0x5b: {  	_ =	shalt  }
0x5c: {  	_ =	shalt  }
0x5d: {  	_ =	shalt  }
0x5e: {  	_ =	shalt  }
0x5f: {  	_ =	shalt  }
0x60: {  	_ =	shalt  }
0x61: {  	_ =	shalt  }
0x62: {  	_ =	shalt  }
0x63: {  	_ =	shalt  }
0x64: {  	_ =	shalt  }
0x65: {  	_ =	shalt  }
0x66: {  	_ =	shalt  }
0x67: {  	_ =	shalt  }
0x68: {  	_ =	shalt  }
0x69: {  	_ =	shalt  }
0x6a: {  	_ =	shalt  }
0x6b: {  	_ =	shalt  }
0x6c: {  	_ =	shalt  }
0x6d: {  	_ =	shalt  }
0x6e: {  	_ =	shalt  }
0x6f: {  	_ =	shalt  }
0x70: {  	_ =	shalt  }
0x71: {  	_ =	shalt  }
0x72: {  	_ =	shalt  }
0x73: {  	_ =	shalt  }
0x74: {  	_ =	shalt  }
0x75: {  	_ =	shalt  }
0x76: {  	_ =	shalt  }
0x77: {  	_ =	shalt  }
0x78: {  	_ =	shalt  }
0x79: {  	_ =	shalt  }
0x7a: {  	_ =	shalt  }
0x7b: {  	_ =	shalt  }
0x7c: {  	_ =	shalt  }
0x7d: {  	_ =	shalt  }
0x7e: {  	_ =	shalt  }
0x7f: {  	_ =	shalt  }
0x80: {  	_ =	shalt  }
0x81: {  	_ =	shalt  }
0x82: {  	_ =	shalt  }
0x83: {  	_ =	shalt  }
0x84: {  	_ =	shalt  }
0x85: {  	_ =	shalt  }
0x86: {  	_ =	shalt  }
0x87: {  	_ =	shalt  }
.Lfunc_end0:
.L_simem_size_0:
called_computation.2_lowered:
.L_overlay_start_0:
0x88: {  	s2 =	sld [smem:$0x3FD9]  }
0x89: {  	s3 =	sld [smem:$0x3FFE];
	_ =	sdelay $0x1  }
0x8a: {  	s1 =	srdreg.scid  }
0x8b: {  	s0 =	sand.u32 $0x1, s1  }
0x8c: {  	s15 =	sshll.u32 s0, $0xA;
	s2 =	sadd.s32 s3, s2  }
0x8d: {  	s2 =	sadd.s32 s2, s15  }
0x8e: {  	[smem:$0x3FBE] =	sst s2  }
0x8f: {  	_ = 	snop  }
0x90: {  	s2 =	sld [smem:$0x3FD0];
	_ =	sdelay $0x2  }
0x91: {  	s16 =	simm.s32 $0xB;
	s4 =	simm.s32 $0x10  }
0x92: {  	[smem:s4], [sflag:s16] =	dma.local [hbm:s2], $0x1  }
0x93: {  	_ =	swait.eq [sflag:s16], $0x1  }
0x94: {  	[sflag:s16] =	ssyncset.done $0x0  }
0x95: {  	[sflag:s16] =	ssyncadd.s32 $0xFFFFFFFF  }
0x96: {  	s17 =	sld [smem:$0x10];
	(tm) =	ssettm $0x1  }
0x97: {  	s18 =	sld [smem:$0x3FFB];
	_ =	sdelay $0x3  }
0x98: {  	_ =	strace s18  }
0x99: {  	s2 =	sld [smem:$0x3FFC];
	_ =	sdelay $0x3  }
0x9a: {  	_ =	strace s2  }
0x9b: {  	s2 =	sld [smem:$0x3FFD];
	_ =	sdelay $0x3  }
0x9c: {  	_ =	strace s2  }
0x9d: {  	_ =	strace $0x8FFFFFFF  }
0x9e: {  	s19 =	sld [smem:$0x3FDB];
	_ =	sdelay $0x1  }
0x9f: {  	s20 =	simm.s32 $_scs_section_size  }
0xa0: {  	s5 =	simm.s32 $_size__tile_overlayer_lowered;
	s6 =	simm.s32 $_tile_overlayer_lowered  }
0xa1: {  	s7 =	simm.s32 $0x1BFF;
	s21 =	sshll.u32 s6, $0x1;
	s4 =	sadd.s32 s20, s19  }
0xa2: {  	s22 =	simm.s32 $0x0;
	s5 =	sshll.u32 s5, $0x1;
	s6 =	sadd.s32 s21, s4  }
0xa3: {  	[timem:s22], [sflag:s7] =	dma.local [hbm:s6], s5  }
0xa4: {  	_ =	swait.ge [sflag:s7], s5  }
0xa5: {  	s5 =	ssub.s32 $0x0, s5;
	[sflag:s7] =	ssyncset.done $0x0  }
0xa6: {  	[sflag:s7] =	ssyncadd.s32 s5;
	_ =	sdelay $0x1  }
0xa7: {  	s23 =	simm.s32 $0x1B8B  }
0xa8: {  	_ =	swait.ge [sflag:s23], $0x1  }
0xa9: {  	[sflag:s23] =	ssyncset.done $0x0  }
0xaa: {  	[sflag:s23] =	ssyncadd.s32 $0xFFFFFFFF  }
0xab: {  	s5 =	sld [smem:$0x0]  }
0xac: {  	s6 =	sand.u32 $0xFFFFFFFE, s1  }
0xad: {  	p0 =	sne.s32 s1, s6  }
0xae: {  	s6 =	sshll.u32 @p0 s6, $0xE  }
0xaf: {  	s6 =	sadd.s32 @p0 $0x11B8D, s6;
	s7 =	sshll.u32 @p0 s5, $0x11  }
0xb0: {  	s6 =	sor.u32 @p0 s7, s6  }
0xb1: {  	[sflag:s6] =	ssyncadd.remote.s32 @p0 $0x1;
	_ =	sdelay $0x1  }
0xb2: {  	s6 =	simm.s32 @p0 $0x1B8D  }
0xb3: {  	_ =	swait.eq @p0 [sflag:s6], $0x1  }
0xb4: {  	[sflag:s6] =	ssyncadd.s32 @p0 $0xFFFFFFFF  }
0xb5: {  	s7 =	sshll.u32 @!p0 s1, $0xE  }
0xb6: {  	s7 =	sor.u32 @!p0 $0x4000, s7;
	s6 =	simm.s32 @!p0 $0x1B8D  }
0xb7: {  	s5 =	sshll.u32 @!p0 s5, $0x11;
	s7 =	sadd.s32 @!p0 $0x11B8D, s7;
	_ =	swait.eq @!p0 [sflag:s6], $0x1  }
0xb8: {  	s5 =	sor.u32 @!p0 s5, s7;
	[sflag:s6] =	ssyncadd.s32 @!p0 $0xFFFFFFFF  }
0xb9: {  	s25 =	simm.s32 $0x1B8E;
	s24 =	sld [smem:$0x3FFE];
	[sflag:s5] =	ssyncadd.remote.s32 @!p0 $0x1  }
0xba: {  	s26 =	simm.s32 $execute0_lowered;
	[smem:$0x3FD2] =	sst s25  }
0xbb: {  	s6 =	sshll.u32 s26, $0x1;
	_ =	strace $0x80000049;
	[dreg:$0x1] =	wrdreg $0xFFFFFFFF  }
0xbc: {  	s28 =	simm.s32 $_size_execute0_lowered;
	s4 =	sadd.s32 s4, s6;
	[dreg:$0x0] =	wrdreg $0x0  }
0xbd: {  	s6 =	sshll.u32 s28, $0x1;
	[dreg:$0x2] =	wrdreg s4  }
0xbe: {  	[dreg:$0x3] =	wrdreg s6  }
0xbf: {  	[dreg:$0x4] =	wrdreg $0xC0  }
0xc0: {  	_ =	task [dreg:s22], $0x5FFFF  }
0xc1: {  	[dreg:$0x1] =	wrdreg $0xFFFFFFFF  }
0xc2: {  	[dreg:$0x0] =	wrdreg $0x60  }
0xc3: {  	[dreg:$0x2] =	wrdreg s17  }
0xc4: {  	[dreg:$0x3] =	wrdreg s24  }
0xc5: {  	[dreg:$0x4] =	wrdreg $0x9  }
0xc6: {  	_ =	task.clear_ibuf [dreg:s22], $0x5FFFF;
	_ =	strace $0x90000049  }
0xc7: {  	s29 =	simm.s32 $0x9;
	_ =	strace $0x8000004B  }
0xc8: {  	_ =	swait.ge [sflag:s29], $0x1  }
0xc9: {  	[sflag:s29] =	ssyncadd.s32 $0xFFFFFFFF  }
0xca: {  	_ =	strace $0x9000004B  }
0xcb: {  	_ =	sfence  }
0xcc: {  	s30 =	sld [smem:$0x0];
	_ =	sdelay $0x2  }
0xcd: {  	s31 =	sshll.u32 s1, $0xD;
	s1 =	sshrl.u32 s1, $0x2  }
0xce: {  	s4 =	sand.u32 $0x4000, s31;
	s1 =	sadd.s32 s1, s30  }
0xcf: {  	s0 =	sor.u32 s4, s0;
	s1 =	sshll.u32 s1, $0x11  }
0xd0: {  	s0 =	sor.u32 s1, s0  }
0xd1: {  	s0 =	sadd.s32 $0x8F2B, s0  }
0xd2: {  	[sflag:s0] =	ssyncadd.remote.s32 $0x1  }
0xd3: {  	_ =	sfence.sel $0xFFFF  }
0xd4: {  	[dreg:$0x0] =	wrdreg $0xFFFFFFFF;
	(pc) =	sbr.abs _section_cstart, $3  }
0xd5: {  	[dreg:$0x1] =	wrdreg $0xFFFFFFFF  }
0xd6: {  	_ =	task.clear_ibuf [dreg:s22], $0x2FFFF;
	_ =	strace $0x9FFFFFFF  }
0xd7: {  	(tm) =	ssettm $0x7FFFFFFF  }
tec
execute0_lowered:
.L_overlay_start_1:
0x0: {  	(tag) =	ssettag $0x1  }
0x1: {  	s2 =	rddreg [dreg:$0x0];
	s1 =	srdreg.scid  }
0x2: {  	s0 =	stileid.u32;
	s6 =	rddreg [dreg:$0x1];
	s3 =	simm.s32 $0x0  }
0x3: {  	s12 =	simm.s32 $0x5;
	s13 =	simm.s32 $0x1400;
	s14 =	simm.s32 $0x50  }
0x4: {  	s15 =	simm.s32 $0x2800;
	s16 =	simm.s32 $0x5000;
	s17 =	simm.s32 $0xA000  }
0x5: {  	s18 =	simm.s32 $0x1450;
	s19 =	simm.s32 $0xC800;
	s20 =	simm.s32 $0x1  }
0x6: {  	s21 =	simm.s32 $0x7800;
	s22 =	simm.s32 $0x2;
	s23 =	simm.s32 $0xF000  }
0x7: {  	s24 =	simm.s32 $0x3;
	s1 =	sand.u32 $0x1, s1;
	s4 =	sshll.u32 s0, $0x1  }
0x8: {  	s25 =	simm.s32 $0x4;
	s26 =	simm.s32 $0x0;
	s5 =	sor.u32 s1, s4  }
0x9: {  	[smem:$0x7FF] =	sst s3;
	s1 =	ssub.s32 $0x2, s1;
	s4 =	smul.u32 $0x13B0, s5  }
0xa: {  	_ =	strace $0x8000004A;
	s8 =	smul.u32 $0x9D800, s5;
	s31 =	sshrl.u32 s1, $0x1  }
0xb: {  	s5 =	sadd.s32 $0x7C00, s6;
	s1 =	ssub.s32 s1, s31;
	s7 =	sshrl.u32 s4, $0x3  }
0xc: {  	s10 =	sshrl.u32 s8, $0x3;
	s9 =	sadd.s32 s7, s6;
	s6 =	sadd.s32 $0x2A4E00, s6  }
0xd: {  	s11 =	smax.u32 s1, $0x1;
	s7 =	sadd.s32 $0x29AE00, s9;
	s10 =	sadd.s32 s6, s10  }
0xe: {  	s8 =	sadd.s32 $0x29FE00, s9;
	s9 =	sadd.s32 $0x50, s4;
	s10 =	sadd.s32 $0x13600, s10  }
.LBB2_1:
0xf: {  	[tilespmem:s3], [sflag:$0x5] =	stream.linear.gather [hbm4b:s7+s3], $0x13B0, $0x38;
	[tilespmem:$0x11800] =	vst v63  }
0x10: {  	_ =	swait.ge [sflag:s12], $0x13B0  }
0x11: {  	[sflag:s12] =	ssyncset.done $0x0  }
0x12: {  	[sflag:s12] =	ssyncadd.s32 $0xFFFFEC50  }
0x13: {  	[tilespmem:s13], [sflag:$0x5] =	stream.linear.gather [hbm4b:s8+s3], $0x13B0, $0x38;
	[tilespmem:$0x11800] =	vst v63  }
0x14: {  	_ =	swait.ge [sflag:s12], $0x13B0  }
0x15: {  	[sflag:s12] =	ssyncset.done $0x0  }
0x16: {  	[sflag:s12] =	ssyncadd.s32 $0xFFFFEC50  }
0x17: {  	[tilespmem:s15], [sflag:$0x1] =	stream.indirect.gather [hbm4b:s2+s14], $0x80, s3, s14, $0xb8;
	[tilespmem:$0x11800] =	vst v63  }
0x18: {  	_ = 	snop  }
0x19: {  	[tilespmem:s16], [sflag:$0x1] =	stream.indirect.gather [hbm4b:s5+s14], $0x80, s13, s14, $0xb8;
	[tilespmem:$0x11800] =	vst v63  }
0x1a: {  	_ = 	snop  }
0x1b: {  	[tilespmem:s17], [sflag:$0x2] =	stream.indirect.gather [hbm4b:s2+s14], $0x80, s14, s14, $0xb8;
	[tilespmem:$0x11800] =	vst v63  }
0x1c: {  	s28 =	simm.s32 $0x0  }
0x1d: {  	[tilespmem:s19], [sflag:$0x2] =	stream.indirect.gather [hbm4b:s5+s14], $0x80, s18, s14, $0xb8;
	[tilespmem:$0x11800] =	vst v63  }
.LBB2_2:
0x1e: {  	_ =	swait.ge [sflag:s20], $0x2800  }
0x1f: {  	[sflag:s20] =	ssyncset.done $0x0  }
0x20: {  	[sflag:s20] =	ssyncadd.s32 $0xFFFFD800  }
0x21: {  	_ =	swait.ge [sflag:s20], $0x2800  }
0x22: {  	p0 =	seq.s32 s28, $0x0;
	[sflag:s20] =	ssyncset.done $0x0  }
0x23: {  	s1 =	simm.s32 @!p0 $0x3;
	[sflag:s20] =	ssyncadd.s32 $0xFFFFD800  }
0x24: {  	_ =	swait.ge @!p0 [sflag:s1], $0x2800  }
0x25: {  	[sflag:s1] =	ssyncset.done @!p0 $0x0  }
0x26: {  	s29 =	simm.s32 $0x0;
	[sflag:s1] =	ssyncadd.s32 @!p0 $0xFFFFD800  }
0x27: {  	v0 =	vld [tilespmem:s29+$0x2870]  }
0x28: {  	v1 =	vld [tilespmem:s29+$0x5070]  }
0x29: {  	v2 =	vld [tilespmem:s29+$0x2800]  }
0x2a: {  	v3 =	vld [tilespmem:s29+$0x5000]  }
0x2b: {  	v4 =	vld [tilespmem:s29+$0x2810]  }
0x2c: {  	v5 =	vld [tilespmem:s29+$0x5010]  }
0x2d: {  	v6 =	vld [tilespmem:s29+$0x2820]  }
0x2e: {  	v7 =	vld [tilespmem:s29+$0x2830]  }
0x2f: {  	v0 =	vadd.f32 v1, v0;
	v1 =	vld [tilespmem:s29+$0x5020]  }
0x30: {  	v2 =	vadd.f32 v3, v2;
	v3 =	vld [tilespmem:s29+$0x5030]  }
0x31: {  	v8 =	vld [tilespmem:s29+$0x5040]  }
0x32: {  	[tilespmem:s29+$0x7870] =	vst v0;
	v0 =	vadd.f32 v5, v4;
	v4 =	vld [tilespmem:s29+$0x2840]  }
0x33: {  	[tilespmem:s29+$0x7800] =	vst v2;
	v2 =	vld [tilespmem:s29+$0x5050]  }
0x34: {  	[tilespmem:s29+$0x7810] =	vst v0;
	v0 =	vld [tilespmem:s29+$0x2850];
	v1 =	vadd.f32 v1, v6  }
0x35: {  	v6 =	vadd.f32 v3, v7;
	v3 =	vld [tilespmem:s29+$0x5060]  }
0x36: {  	s30 =	simm.s32 $0x80;
	[tilespmem:s29+$0x7820] =	vst v1;
	v1 =	vld [tilespmem:s29+$0x2860]  }
0x37: {  	s31 =	simm.s32 $0x400;
	v5 =	vld [tilespmem:s30+$0x2870];
	[tilespmem:s29+$0x7830] =	vst v6;
	v4 =	vadd.f32 v8, v4  }
.LBB2_3:
0x38: {  	p1 =	sne.s32 s31, $0x9E00;
	v6 =	vld [tilespmem:s30+$0x5070]  }
0x39: {  	v7 =	vld [tilespmem:s30+$0x2800];
	[tilespmem:s29+$0x7840] =	vst v4;
	v0 =	vadd.f32 v2, v0  }
0x3a: {  	v2 =	vld [tilespmem:s30+$0x5000]  }
0x3b: {  	v4 =	vld [tilespmem:s30+$0x2810];
	[tilespmem:s29+$0x7850] =	vst v0;
	v0 =	vadd.f32 v3, v1  }
0x3c: {  	v1 =	vld [tilespmem:s30+$0x5010]  }
0x3d: {  	v3 =	vld [tilespmem:s30+$0x2820];
	v5 =	vadd.f32 v6, v5;
	[tilespmem:s29+$0x7860] =	vst v0;
	s29 =	smov.u32 s30  }
0x3e: {  	v0 =	vld [tilespmem:s29+$0x5020]  }
0x3f: {  	v2 =	vadd.f32 v2, v7;
	v6 =	vld [tilespmem:s29+$0x2830];
	[tilespmem:s29+$0x7870] =	vst v5  }
0x40: {  	v5 =	vld [tilespmem:s29+$0x5030]  }
0x41: {  	[tilespmem:s29+$0x7800] =	vst v2;
	v1 =	vadd.f32 v1, v4;
	v4 =	vld [tilespmem:s29+$0x2840]  }
0x42: {  	v7 =	vld [tilespmem:s29+$0x5040]  }
.Ltmp0:
0x43: {  	[tilespmem:s29+$0x7810] =	vst v1;
	v1 =	vadd.f32 v0, v3;
	v0 =	vld [tilespmem:s29+$0x2850];
	(pc) =	sbr.rel @p1 .LBB2_3-.Ltmp0, $4  }
0x44: {  	v2 =	vld [tilespmem:s29+$0x5050]  }
0x45: {  	[tilespmem:s29+$0x7820] =	vst v1;
	v6 =	vadd.f32 v5, v6;
	v1 =	vld [tilespmem:s29+$0x2860]  }
0x46: {  	s30 =	sshra.s32 s31, $0x2;
	v3 =	vld [tilespmem:s29+$0x5060]  }
0x47: {  	s31 =	sadd.s32 $0x200, s31;
	v5 =	vld [tilespmem:s30+$0x2870];
	[tilespmem:s29+$0x7830] =	vst v6;
	v4 =	vadd.f32 v7, v4  }
0x48: {  	v6 =	vld [tilespmem:s30+$0x5070]  }
0x49: {  	v7 =	vld [tilespmem:s30+$0x2800]  }
0x4a: {  	v8 =	vld [tilespmem:s30+$0x5000]  }
0x4b: {  	v9 =	vld [tilespmem:s30+$0x2810]  }
0x4c: {  	v10 =	vld [tilespmem:s30+$0x5010]  }
0x4d: {  	v11 =	vld [tilespmem:s30+$0x2820]  }
0x4e: {  	v12 =	vld [tilespmem:s30+$0x2830]  }
0x4f: {  	v5 =	vadd.f32 v6, v5;
	v6 =	vld [tilespmem:s30+$0x5020]  }
0x50: {  	v60 =	vld [tilespmem:s30+$0x2840]  }
0x51: {  	v61 =	vld [tilespmem:s30+$0x5040];
	v7 =	vadd.f32 v8, v7  }
0x52: {  	v62 =	vld [tilespmem:s30+$0x5050];
	[tilespmem:s30+$0x7870] =	vst v5  }
0x53: {  	v5 =	vld [tilespmem:s30+$0x5030];
	[tilespmem:s30+$0x7800] =	vst v7;
	v7 =	vadd.f32 v10, v9  }
0x54: {  	v0 =	vadd.f32 v2, v0;
	v2 =	vld [tilespmem:s30+$0x5060];
	v6 =	vadd.f32 v6, v11  }
0x55: {  	[tilespmem:s30+$0x7810] =	vst v7;
	v7 =	vld [tilespmem:s30+$0x2850]  }
0x56: {  	[tilespmem:s30+$0x7820] =	vst v6;
	v6 =	vld [tilespmem:s30+$0x2860]  }
0x57: {  	[tilespmem:s29+$0x7840] =	vst v4;
	v1 =	vadd.f32 v3, v1  }
0x58: {  	[tilespmem:s29+$0x7850] =	vst v0;
	v0 =	vadd.f32 v5, v12  }
0x59: {  	[tilespmem:s29+$0x7860] =	vst v1;
	v1 =	vadd.f32 v61, v60;
	s29 =	smul.u32 $0xA0, s28  }
0x5a: {  	[tilespmem:s30+$0x7830] =	vst v0;
	v0 =	vadd.f32 v62, v7  }
0x5b: {  	[tilespmem:s30+$0x7840] =	vst v1;
	s1 =	sadd.s32 s4, s29;
	v1 =	vadd.f32 v2, v6  }
0x5c: {  	s1 =	sshll.u32 s1, $0x4;
	[tilespmem:s30+$0x7850] =	vst v0  }
0x5d: {  	s1 =	sadd.s32 s6, s1;
	[tilespmem:s30+$0x7860] =	vst v1  }
0x5e: {  	[hbm4b:s1+s3] =	stream.linear.scatter [tilespmem:s21], [sflag:$0x3], $0x2800, $0x38;
	[tilespmem:$0x11800] =	vst v63  }
0x5f: {  	s1 =	sadd.s32 $0xA0, s29  }
0x60: {  	[tilespmem:s15], [sflag:$0x1] =	stream.indirect.gather [hbm4b:s2+s14], $0x80, s1, s14, $0xb8;
	[tilespmem:$0x11800] =	vst v63  }
0x61: {  	s1 =	sadd.s32 $0x14A0, s29  }
0x62: {  	[tilespmem:s16], [sflag:$0x1] =	stream.indirect.gather [hbm4b:s5+s14], $0x80, s1, s14, $0xb8;
	[tilespmem:$0x11800] =	vst v63  }
0x63: {  	_ =	swait.ge [sflag:s22], $0x2800  }
0x64: {  	[sflag:s22] =	ssyncset.done $0x0  }
0x65: {  	[sflag:s22] =	ssyncadd.s32 $0xFFFFD800  }
0x66: {  	_ =	swait.ge [sflag:s22], $0x2800  }
0x67: {  	[sflag:s22] =	ssyncset.done $0x0  }
0x68: {  	s1 =	simm.s32 @!p0 $0x4;
	[sflag:s22] =	ssyncadd.s32 $0xFFFFD800  }
0x69: {  	_ =	swait.ge @!p0 [sflag:s1], $0x2800  }
0x6a: {  	[sflag:s1] =	ssyncset.done @!p0 $0x0  }
0x6b: {  	s30 =	simm.s32 $0x0;
	[sflag:s1] =	ssyncadd.s32 @!p0 $0xFFFFD800  }
0x6c: {  	v0 =	vld [tilespmem:s30+$0xA070]  }
0x6d: {  	v1 =	vld [tilespmem:s30+$0xC870]  }
0x6e: {  	v2 =	vld [tilespmem:s30+$0xA000]  }
0x6f: {  	v3 =	vld [tilespmem:s30+$0xC800]  }
0x70: {  	v4 =	vld [tilespmem:s30+$0xA010]  }
0x71: {  	v5 =	vld [tilespmem:s30+$0xC810]  }
0x72: {  	v6 =	vld [tilespmem:s30+$0xA020]  }
0x73: {  	v7 =	vld [tilespmem:s30+$0xA030]  }
0x74: {  	v0 =	vadd.f32 v1, v0;
	v1 =	vld [tilespmem:s30+$0xC820]  }
0x75: {  	v2 =	vadd.f32 v3, v2;
	v3 =	vld [tilespmem:s30+$0xC830]  }
0x76: {  	v63 =	vld [tilespmem:s30+$0xC840]  }
0x77: {  	[tilespmem:s30+$0xF070] =	vst v0;
	v0 =	vadd.f32 v5, v4;
	v4 =	vld [tilespmem:s30+$0xA040]  }
0x78: {  	[tilespmem:s30+$0xF000] =	vst v2;
	v2 =	vld [tilespmem:s30+$0xC850]  }
0x79: {  	[tilespmem:s30+$0xF010] =	vst v0;
	v0 =	vld [tilespmem:s30+$0xA050];
	v1 =	vadd.f32 v1, v6  }
0x7a: {  	v6 =	vadd.f32 v3, v7;
	v3 =	vld [tilespmem:s30+$0xC860]  }
0x7b: {  	s31 =	simm.s32 $0x80;
	[tilespmem:s30+$0xF020] =	vst v1;
	v1 =	vld [tilespmem:s30+$0xA060]  }
0x7c: {  	s1 =	simm.s32 $0x400;
	v5 =	vld [tilespmem:s31+$0xA070];
	[tilespmem:s30+$0xF030] =	vst v6;
	v4 =	vadd.f32 v63, v4  }
.LBB2_5:
0x7d: {  	p0 =	sne.s32 s1, $0x9E00;
	v6 =	vld [tilespmem:s31+$0xC870]  }
0x7e: {  	v7 =	vld [tilespmem:s31+$0xA000];
	[tilespmem:s30+$0xF040] =	vst v4;
	v0 =	vadd.f32 v2, v0  }
0x7f: {  	v2 =	vld [tilespmem:s31+$0xC800]  }
0x80: {  	v4 =	vld [tilespmem:s31+$0xA010];
	[tilespmem:s30+$0xF050] =	vst v0;
	v0 =	vadd.f32 v3, v1  }
0x81: {  	v1 =	vld [tilespmem:s31+$0xC810]  }
0x82: {  	v3 =	vld [tilespmem:s31+$0xA020];
	v5 =	vadd.f32 v6, v5;
	[tilespmem:s30+$0xF060] =	vst v0;
	s30 =	smov.u32 s31  }
0x83: {  	v0 =	vld [tilespmem:s30+$0xC820]  }
0x84: {  	v2 =	vadd.f32 v2, v7;
	v6 =	vld [tilespmem:s30+$0xA030];
	[tilespmem:s30+$0xF070] =	vst v5  }
0x85: {  	v5 =	vld [tilespmem:s30+$0xC830]  }
0x86: {  	[tilespmem:s30+$0xF000] =	vst v2;
	v1 =	vadd.f32 v1, v4;
	v4 =	vld [tilespmem:s30+$0xA040]  }
0x87: {  	v7 =	vld [tilespmem:s30+$0xC840]  }
.Ltmp1:
0x88: {  	[tilespmem:s30+$0xF010] =	vst v1;
	v1 =	vadd.f32 v0, v3;
	v0 =	vld [tilespmem:s30+$0xA050];
	(pc) =	sbr.rel @p0 .LBB2_5-.Ltmp1, $4  }
0x89: {  	v2 =	vld [tilespmem:s30+$0xC850]  }
0x8a: {  	[tilespmem:s30+$0xF020] =	vst v1;
	v6 =	vadd.f32 v5, v6;
	v1 =	vld [tilespmem:s30+$0xA060]  }
0x8b: {  	s31 =	sshra.s32 s1, $0x2;
	v3 =	vld [tilespmem:s30+$0xC860]  }
0x8c: {  	s1 =	sadd.s32 $0x200, s1;
	v5 =	vld [tilespmem:s31+$0xA070];
	[tilespmem:s30+$0xF030] =	vst v6;
	v4 =	vadd.f32 v7, v4  }
0x8d: {  	v6 =	vld [tilespmem:s31+$0xC870]  }
0x8e: {  	v7 =	vld [tilespmem:s31+$0xA000]  }
0x8f: {  	v8 =	vld [tilespmem:s31+$0xC800]  }
0x90: {  	v9 =	vld [tilespmem:s31+$0xA010]  }
0x91: {  	v10 =	vld [tilespmem:s31+$0xC810]  }
0x92: {  	v11 =	vld [tilespmem:s31+$0xA020]  }
0x93: {  	v51 =	vld [tilespmem:s31+$0xC820]  }
0x94: {  	v12 =	vld [tilespmem:s31+$0xA030]  }
0x95: {  	v52 =	vld [tilespmem:s31+$0xC830]  }
0x96: {  	v54 =	vld [tilespmem:s31+$0xA040]  }
0x97: {  	v55 =	vld [tilespmem:s31+$0xC840];
	v0 =	vadd.f32 v2, v0  }
0x98: {  	v56 =	vld [tilespmem:s31+$0xA050];
	[tilespmem:s30+$0xF040] =	vst v4;
	v1 =	vadd.f32 v3, v1  }
0x99: {  	v57 =	vld [tilespmem:s31+$0xC850];
	[tilespmem:s30+$0xF050] =	vst v0;
	v5 =	vadd.f32 v6, v5  }
0x9a: {  	v58 =	vld [tilespmem:s31+$0xA060];
	v7 =	vadd.f32 v8, v7;
	[tilespmem:s30+$0xF060] =	vst v1  }
0x9b: {  	v59 =	vld [tilespmem:s31+$0xC860];
	v53 =	vadd.f32 v10, v9;
	[tilespmem:s31+$0xF070] =	vst v5  }
0x9c: {  	v6 =	vadd.f32 v51, v11;
	[tilespmem:s31+$0xF000] =	vst v7  }
0x9d: {  	v60 =	vadd.f32 v52, v12;
	[tilespmem:s31+$0xF010] =	vst v53  }
0x9e: {  	p0 =	seq.s32 s28, $0x1E;
	v61 =	vadd.f32 v55, v54;
	[tilespmem:s31+$0xF020] =	vst v6  }
.Ltmp2:
0x9f: {  	v62 =	vadd.f32 v57, v56;
	[tilespmem:s31+$0xF030] =	vst v60;
	(pc) =	sbr.rel @p0 .LBB2_8-.Ltmp2, $4  }
0xa0: {  	s1 =	sadd.s32 s29, s9;
	v63 =	vadd.f32 v59, v58;
	[tilespmem:s31+$0xF040] =	vst v61  }
0xa1: {  	s1 =	sshll.u32 s1, $0x4;
	[tilespmem:s31+$0xF050] =	vst v62  }
0xa2: {  	s1 =	sadd.s32 s6, s1;
	[tilespmem:s31+$0xF060] =	vst v63  }
0xa3: {  	[hbm4b:s1+s3] =	stream.linear.scatter [tilespmem:s23], [sflag:$0x4], $0x2800, $0x38;
	[tilespmem:$0x11800] =	vst v63  }
.Ltmp3:
0xa4: {  	(pc) =	sbr.rel .LBB2_2-.Ltmp3, $4  }
0xa5: {  	s1 =	sadd.s32 $0xF0, s29  }
0xa6: {  	[tilespmem:s17], [sflag:$0x2] =	stream.indirect.gather [hbm4b:s2+s14], $0x80, s1, s14, $0xb8;
	[tilespmem:$0x11800] =	vst v63  }
0xa7: {  	s31 =	sadd.s32 $0x14F0, s29;
	s28 =	sadd.s32 $0x1, s28  }
0xa8: {  	[tilespmem:s19], [sflag:$0x2] =	stream.indirect.gather [hbm4b:s5+s14], $0x80, s31, s14, $0xb8;
	[tilespmem:$0x11800] =	vst v63  }
.LBB2_8:
0xa9: {  	_ =	swait.ge [sflag:s20], $0x2800  }
0xaa: {  	[sflag:s20] =	ssyncset.done $0x0  }
0xab: {  	[sflag:s20] =	ssyncadd.s32 $0xFFFFD800  }
0xac: {  	_ =	swait.ge [sflag:s20], $0x2800  }
0xad: {  	[sflag:s20] =	ssyncset.done $0x0  }
0xae: {  	[sflag:s20] =	ssyncadd.s32 $0xFFFFD800  }
0xaf: {  	_ =	swait.ge [sflag:s24], $0x2800  }
0xb0: {  	[sflag:s24] =	ssyncset.done $0x0  }
0xb1: {  	s28 =	simm.s32 $0x0;
	[sflag:s24] =	ssyncadd.s32 $0xFFFFD800  }
0xb2: {  	v0 =	vld [tilespmem:s28+$0x2870]  }
0xb3: {  	v1 =	vld [tilespmem:s28+$0x5070]  }
0xb4: {  	v2 =	vld [tilespmem:s28+$0x2800]  }
0xb5: {  	v3 =	vld [tilespmem:s28+$0x5000]  }
0xb6: {  	v4 =	vld [tilespmem:s28+$0x2810]  }
0xb7: {  	v5 =	vld [tilespmem:s28+$0x5010]  }
0xb8: {  	v6 =	vld [tilespmem:s28+$0x2820]  }
0xb9: {  	v7 =	vld [tilespmem:s28+$0x2830]  }
0xba: {  	v0 =	vadd.f32 v1, v0;
	v1 =	vld [tilespmem:s28+$0x5020]  }
0xbb: {  	v2 =	vadd.f32 v3, v2;
	v3 =	vld [tilespmem:s28+$0x5030]  }
0xbc: {  	v8 =	vld [tilespmem:s28+$0x5040]  }
0xbd: {  	[tilespmem:s28+$0x7870] =	vst v0;
	v0 =	vadd.f32 v5, v4;
	v4 =	vld [tilespmem:s28+$0x2840]  }
0xbe: {  	[tilespmem:s28+$0x7800] =	vst v2;
	v2 =	vld [tilespmem:s28+$0x5050]  }
0xbf: {  	[tilespmem:s28+$0x7810] =	vst v0;
	v0 =	vld [tilespmem:s28+$0x2850];
	v1 =	vadd.f32 v1, v6  }
0xc0: {  	v6 =	vadd.f32 v3, v7;
	v3 =	vld [tilespmem:s28+$0x5060]  }
0xc1: {  	s29 =	simm.s32 $0x80;
	[tilespmem:s28+$0x7820] =	vst v1;
	v1 =	vld [tilespmem:s28+$0x2860]  }
0xc2: {  	s1 =	simm.s32 $0x400;
	v5 =	vld [tilespmem:s29+$0x2870];
	[tilespmem:s28+$0x7830] =	vst v6;
	v4 =	vadd.f32 v8, v4  }
.LBB2_9:
0xc3: {  	p0 =	sne.s32 s1, $0x9E00;
	v6 =	vld [tilespmem:s29+$0x5070]  }
0xc4: {  	v7 =	vld [tilespmem:s29+$0x2800];
	[tilespmem:s28+$0x7840] =	vst v4;
	v0 =	vadd.f32 v2, v0  }
0xc5: {  	v2 =	vld [tilespmem:s29+$0x5000]  }
0xc6: {  	v4 =	vld [tilespmem:s29+$0x2810];
	[tilespmem:s28+$0x7850] =	vst v0;
	v0 =	vadd.f32 v3, v1  }
0xc7: {  	v1 =	vld [tilespmem:s29+$0x5010]  }
0xc8: {  	v3 =	vld [tilespmem:s29+$0x2820];
	v5 =	vadd.f32 v6, v5;
	[tilespmem:s28+$0x7860] =	vst v0;
	s28 =	smov.u32 s29  }
0xc9: {  	v0 =	vld [tilespmem:s28+$0x5020]  }
0xca: {  	v2 =	vadd.f32 v2, v7;
	v6 =	vld [tilespmem:s28+$0x2830];
	[tilespmem:s28+$0x7870] =	vst v5  }
0xcb: {  	v5 =	vld [tilespmem:s28+$0x5030]  }
0xcc: {  	[tilespmem:s28+$0x7800] =	vst v2;
	v1 =	vadd.f32 v1, v4;
	v4 =	vld [tilespmem:s28+$0x2840]  }
0xcd: {  	v7 =	vld [tilespmem:s28+$0x5040]  }
.Ltmp4:
0xce: {  	[tilespmem:s28+$0x7810] =	vst v1;
	v1 =	vadd.f32 v0, v3;
	v0 =	vld [tilespmem:s28+$0x2850];
	(pc) =	sbr.rel @p0 .LBB2_9-.Ltmp4, $4  }
0xcf: {  	v2 =	vld [tilespmem:s28+$0x5050]  }
0xd0: {  	[tilespmem:s28+$0x7820] =	vst v1;
	v6 =	vadd.f32 v5, v6;
	v1 =	vld [tilespmem:s28+$0x2860]  }
0xd1: {  	s29 =	sshra.s32 s1, $0x2;
	v3 =	vld [tilespmem:s28+$0x5060]  }
0xd2: {  	s1 =	sadd.s32 $0x200, s1;
	v5 =	vld [tilespmem:s29+$0x2870];
	[tilespmem:s28+$0x7830] =	vst v6;
	v4 =	vadd.f32 v7, v4  }
0xd3: {  	v6 =	vld [tilespmem:s29+$0x5070]  }
0xd4: {  	v7 =	vld [tilespmem:s29+$0x2800]  }
0xd5: {  	v8 =	vld [tilespmem:s29+$0x5000]  }
0xd6: {  	v9 =	vld [tilespmem:s29+$0x2810]  }
0xd7: {  	v10 =	vld [tilespmem:s29+$0x5010]  }
0xd8: {  	v11 =	vld [tilespmem:s29+$0x2820]  }
0xd9: {  	v51 =	vld [tilespmem:s29+$0x5020]  }
0xda: {  	v12 =	vld [tilespmem:s29+$0x2830]  }
0xdb: {  	v52 =	vld [tilespmem:s29+$0x5030]  }
0xdc: {  	v54 =	vld [tilespmem:s29+$0x2840]  }
0xdd: {  	v55 =	vld [tilespmem:s29+$0x5040];
	v0 =	vadd.f32 v2, v0  }
0xde: {  	v56 =	vld [tilespmem:s29+$0x2850];
	[tilespmem:s28+$0x7840] =	vst v4;
	v1 =	vadd.f32 v3, v1  }
0xdf: {  	v57 =	vld [tilespmem:s29+$0x5050];
	[tilespmem:s28+$0x7850] =	vst v0;
	v5 =	vadd.f32 v6, v5  }
0xe0: {  	v58 =	vld [tilespmem:s29+$0x2860];
	v7 =	vadd.f32 v8, v7;
	[tilespmem:s28+$0x7860] =	vst v1  }
0xe1: {  	v59 =	vld [tilespmem:s29+$0x5060];
	v53 =	vadd.f32 v10, v9;
	[tilespmem:s29+$0x7870] =	vst v5  }
0xe2: {  	v6 =	vadd.f32 v51, v11;
	[tilespmem:s29+$0x7800] =	vst v7  }
0xe3: {  	v60 =	vadd.f32 v52, v12;
	[tilespmem:s29+$0x7810] =	vst v53  }
0xe4: {  	v61 =	vadd.f32 v55, v54;
	[tilespmem:s29+$0x7820] =	vst v6  }
0xe5: {  	v62 =	vadd.f32 v57, v56;
	[tilespmem:s29+$0x7830] =	vst v60  }
0xe6: {  	v63 =	vadd.f32 v59, v58;
	[tilespmem:s29+$0x7840] =	vst v61  }
0xe7: {  	[tilespmem:s29+$0x7850] =	vst v62  }
0xe8: {  	s26 =	sadd.s32 $0x1, s26;
	[tilespmem:s29+$0x7860] =	vst v63  }
0xe9: {  	[hbm4b:s10+s3] =	stream.linear.scatter [tilespmem:s21], [sflag:$0x3], $0x2800, $0x38;
	[tilespmem:$0x11800] =	vst v63  }
0xea: {  	p0 =	sne.s32 s26, s11;
	_ =	swait.ge [sflag:s24], $0x2800  }
.Ltmp5:
0xeb: {  	[sflag:s24] =	ssyncset.done $0x0;
	(pc) =	sbr.rel @p0 .LBB2_1-.Ltmp5, $4  }
0xec: {  	[sflag:s24] =	ssyncadd.s32 $0xFFFFD800  }
0xed: {  	_ =	swait.ge [sflag:s25], $0x2800  }
0xee: {  	[sflag:s25] =	ssyncset.done $0x0  }
0xef: {  	[sflag:s25] =	ssyncadd.s32 $0xFFFFD800  }
0xf0: {  	_ =	sfence.sel $0x180000  }
0xf1: {  	[bflag:$0x0] =	sbarrier.arrive $0xFFFF  }
0xf2: {  	_ =	strace $0x9000004A  }
0xf3: {  	[bflag:$0x2] =	sbarrier.arrive $0xFFFF  }
0xf4: {  	p0 =	sne.s32 s0, $0x0;
	s0 =	rddreg [dreg:$0x2]  }
0xf5: {  	s0 =	sadd.s32 @!p0 $0x100000, s0  }
0xf6: {  	[sflag:s0] =	ssyncadd.tile.s32 @!p0 $0x1;
	_ =	shalt  }
.Lfunc_end2:
_tile_overlayer_lowered:
.L_overlay_start_2:
0xf7: {  	(tag) =	ssettag $0x2  }
0xf8: {  	s0 =	rddreg [dreg:$0x0];
	s2 =	stileid.u32  }
0xf9: {  	s1 =	rddreg [dreg:$0x1];
	p0 =	sne.s32 s2, $0x0  }
0xfa: {  	s3 =	rddreg [dreg:$0x2];
	[bflag:$0x3] =	sbarrier.arrive $0xFFFF;
	s2 =	simm.s32 @!p0 $0x1C05  }
0xfb: {  	[timem:s3], [sflag:s2] =	dma.local @!p0 [hbm:s0], s1  }
0xfc: {  	s0 =	simm.s32 @!p0 $0x5  }
0xfd: {  	_ =	swait.ge @!p0 [sflag:s0], s1  }
0xfe: {  	s1 =	ssub.s32 @!p0 $0x0, s1;
	[sflag:s0] =	ssyncset.done @!p0 $0x0  }
0xff: {  	[sflag:s0] =	ssyncadd.s32 @!p0 s1  }
0x100: {  	[bflag:$0x3] =	sbarrier.arrive $0xFFFF  }
0x101: {  	_ =	shalt  }

// kernel: kernel.19.cloned.1.call-start
scs
__scs_entry_jumppad:
0x0: {  	(pc) =	sbr.rel $0x88, $3  }
0x1: {  	(tag) =	ssettag $0x0;
	lr =	simm.s32 $0x1  }
0x2: {  	[smem:$0x3F97] =	sst lr;
	_ =	strace $0xD0000000  }
0x3: {  	_ = 	snop  }
0x4: {  	_ = 	snop  }
0x5: {  	_ = 	snop  }
0x6: {  	_ = 	snop  }
0x7: {  	_ = 	snop  }
__scs_overlays_trampoline_lowered:
0x8: {  	[smem:$0x3FA6] =	sst s0  }
0x9: {  	[smem:$0x3FA7] =	sst s1  }
0xa: {  	[smem:$0x3FA8] =	sst s2  }
0xb: {  	[smem:$0x3FA9] =	sst s3  }
0xc: {  	[smem:$0x3FAA] =	sst s4  }
0xd: {  	[smem:$0x3FAB] =	sst s5  }
0xe: {  	[smem:$0x3FAC] =	sst s6  }
0xf: {  	[smem:$0x3FAD] =	sst s7  }
0x10: {  	[smem:$0x3FAE] =	sst s8  }
0x11: {  	[smem:$0x3FAF] =	sst s9;
	s0 =	simm.s32 @!p0 $0x0  }
0x12: {  	s1 =	sld [smem:$0x3F95];
	s0 =	simm.s32 @p0 $0x1  }
0x13: {  	[smem:$0x3FB0] =	sst s0;
	s0 =	simm.s32 @!p1 $0x0  }
0x14: {  	s2 =	sld [smem:$0x3F94];
	s0 =	simm.s32 @p1 $0x1  }
0x15: {  	[smem:$0x3FB1] =	sst s0;
	s0 =	simm.s32 @!p2 $0x0  }
0x16: {  	s3 =	sld [smem:$0x3FDB];
	s0 =	simm.s32 @p2 $0x1  }
0x17: {  	s4 =	simm.s32 $0x1BF5;
	[smem:$0x3FB3] =	sst s0  }
0x18: {  	s0 =	sld [smem:$0x3F96];
	_ =	swait.ge [sflag:s4], $0x0  }
0x19: {  	s7 =	sld [smem:$0x3F97]  }
0x1a: {  	s8 =	sadd.s32 $0xFFFFE003, lr  }
0x1b: {  	s9 =	sadd.s32 $0xFFFFFEF7, lr;
	s5 =	simm.s32 $0xFFFFFFFF;
	p2 =	slt.u32 s8, $0xFFFFF086  }
0x1c: {  	p1 =	slt.u32 s9, $0xF7A;
	s5 =	simm.s32 @!p2 $0x0  }
0x1d: {  	s5 =	simm.s32 @p1 $0x1;
	p0 =	seq.s32 s7, s2  }
0x1e: {  	s7 =	smul.u32 @!p0 $0xF7A, s2;
	p2 =	seq.s32 @!p0 s5, $0x0  }
0x1f: {  	s9 =	smul.u32 $0xF7A, s1;
	s8 =	simm.s32 @!p0 $0x1BF5;
	p2 =	por !p2, p0  }
0x20: {  	[sflag:s8] =	ssyncset.s32 @!p0 $0xFFFFF086;
	s6 =	sadd.s32 @!p0 s3, s7;
	s7 =	simm.s32 @!p0 $0x108  }
0x21: {  	s3 =	sadd.s32 s3, s9;
	s6 =	sadd.s32 @!p0 $0x88, s6;
	s7 =	simm.s32 @p2 $0x1082  }
0x22: {  	[simem:s7], [sflag:s8] =	dma.local @!p0 [hbm:s6], $0xF7A  }
0x23: {  	s9 =	sor.u32 $0xD0000000, s2;
	s6 =	simm.s32 $0x108;
	_ =	swait.ge @!p0 [sflag:s8], $0x0  }
0x24: {  	s3 =	sadd.s32 $0x88, s3;
	s6 =	simm.s32 @!p1 $0x1082;
	[sflag:s4] =	ssyncset.s32 $0xFFFFF086  }
0x25: {  	[simem:s6], [sflag:s4] =	dma.local [hbm:s3], $0xF7A  }
0x26: {  	[smem:$0x3F97] =	sst s1;
	(tag) =	ssettag s2;
	_ =	strace s9  }
0x27: {  	s1 =	sld [smem:$0x3FA7]  }
0x28: {  	s2 =	sld [smem:$0x3FA8]  }
0x29: {  	s4 =	sld [smem:$0x3FAA]  }
0x2a: {  	p0 =	seq.s32 s5, $0x0;
	s5 =	sld [smem:$0x3FAB]  }
0x2b: {  	s6 =	sld [smem:$0x3FAC]  }
0x2c: {  	s7 =	sld [smem:$0x3FAD]  }
0x2d: {  	s3 =	simm.s32 $0x108;
	s8 =	sld [smem:$0x3FAE]  }
0x2e: {  	s3 =	simm.s32 @!p0 $0x1082;
	s9 =	sld [smem:$0x3FAF]  }
0x2f: {  	lr =	sadd.s32 s0, s3;
	s0 =	sld [smem:$0x3FA6]  }
0x30: {  	s3 =	sld [smem:$0x3FA9]  }
0x31: {  	[smem:$0x3FB2] =	sst s10  }
0x32: {  	s10 =	sld [smem:$0x3FB0];
	_ =	sdelay $0x3  }
0x33: {  	p0 =	seq.s32 s10, $0x1;
	s10 =	sld [smem:$0x3FB2];
	_ =	sdelay $0x3  }
0x34: {  	[smem:$0x3FB2] =	sst s10  }
0x35: {  	s10 =	sld [smem:$0x3FB1];
	_ =	sdelay $0x3  }
0x36: {  	p1 =	seq.s32 s10, $0x1;
	s10 =	sld [smem:$0x3FB2];
	_ =	sdelay $0x3  }
0x37: {  	[smem:$0x3FB2] =	sst s10  }
0x38: {  	s10 =	sld [smem:$0x3FB3]  }
0x39: {  	_ = 	snop;
	(pc) =	sbr.ind lr, $3  }
0x3a: {  	_ = 	snop  }
0x3b: {  	_ = 	snop  }
0x3c: {  	p2 =	seq.s32 s10, $0x1;
	s10 =	sld [smem:$0x3FB2]  }
0x3d: {  	_ =	shalt  }
0x3e: {  	_ =	shalt  }
0x3f: {  	_ =	shalt  }
0x40: {  	_ =	shalt  }
0x41: {  	_ =	shalt  }
0x42: {  	_ =	shalt  }
0x43: {  	_ =	shalt  }
0x44: {  	_ =	shalt  }
0x45: {  	_ =	shalt  }
0x46: {  	_ =	shalt  }
0x47: {  	_ =	shalt  }
0x48: {  	_ =	shalt  }
0x49: {  	_ =	shalt  }
0x4a: {  	_ =	shalt  }
0x4b: {  	_ =	shalt  }
0x4c: {  	_ =	shalt  }
0x4d: {  	_ =	shalt  }
0x4e: {  	_ =	shalt  }
0x4f: {  	_ =	shalt  }
0x50: {  	_ =	shalt  }
0x51: {  	_ =	shalt  }
0x52: {  	_ =	shalt  }
0x53: {  	_ =	shalt  }
0x54: {  	_ =	shalt  }
0x55: {  	_ =	shalt  }
0x56: {  	_ =	shalt  }
0x57: {  	_ =	shalt  }
0x58: {  	_ =	shalt  }
0x59: {  	_ =	shalt  }
0x5a: {  	_ =	shalt  }
0x5b: {  	_ =	shalt  }
0x5c: {  	_ =	shalt  }
0x5d: {  	_ =	shalt  }
0x5e: {  	_ =	shalt  }
0x5f: {  	_ =	shalt  }
0x60: {  	_ =	shalt  }
0x61: {  	_ =	shalt  }
0x62: {  	_ =	shalt  }
0x63: {  	_ =	shalt  }
0x64: {  	_ =	shalt  }
0x65: {  	_ =	shalt  }
0x66: {  	_ =	shalt  }
0x67: {  	_ =	shalt  }
0x68: {  	_ =	shalt  }
0x69: {  	_ =	shalt  }
0x6a: {  	_ =	shalt  }
0x6b: {  	_ =	shalt  }
0x6c: {  	_ =	shalt  }
0x6d: {  	_ =	shalt  }
0x6e: {  	_ =	shalt  }
0x6f: {  	_ =	shalt  }
0x70: {  	_ =	shalt  }
0x71: {  	_ =	shalt  }
0x72: {  	_ =	shalt  }
0x73: {  	_ =	shalt  }
0x74: {  	_ =	shalt  }
0x75: {  	_ =	shalt  }
0x76: {  	_ =	shalt  }
0x77: {  	_ =	shalt  }
0x78: {  	_ =	shalt  }
0x79: {  	_ =	shalt  }
0x7a: {  	_ =	shalt  }
0x7b: {  	_ =	shalt  }
0x7c: {  	_ =	shalt  }
0x7d: {  	_ =	shalt  }
0x7e: {  	_ =	shalt  }
0x7f: {  	_ =	shalt  }
0x80: {  	_ =	shalt  }
0x81: {  	_ =	shalt  }
0x82: {  	_ =	shalt  }
0x83: {  	_ =	shalt  }
0x84: {  	_ =	shalt  }
0x85: {  	_ =	shalt  }
0x86: {  	_ =	shalt  }
0x87: {  	_ =	shalt  }
.Lfunc_end0:
.L_simem_size_0:
called_computation.3_lowered:
.L_overlay_start_0:
0x88: {  	s2 =	sld [smem:$0x3FD9]  }
0x89: {  	s3 =	sld [smem:$0x3FFE];
	_ =	sdelay $0x1  }
0x8a: {  	s1 =	srdreg.scid  }
0x8b: {  	s0 =	sand.u32 $0x1, s1  }
0x8c: {  	s16 =	sshll.u32 s0, $0xA;
	s2 =	sadd.s32 s3, s2  }
0x8d: {  	s2 =	sadd.s32 s2, s16  }
0x8e: {  	[smem:$0x3FBE] =	sst s2  }
0x8f: {  	_ = 	snop  }
0x90: {  	(tm) =	ssettm $0x1  }
0x91: {  	s17 =	sld [smem:$0x3FFB];
	_ =	sdelay $0x3  }
0x92: {  	_ =	strace s17  }
0x93: {  	s2 =	sld [smem:$0x3FFC];
	_ =	sdelay $0x3  }
0x94: {  	_ =	strace s2  }
0x95: {  	s2 =	sld [smem:$0x3FFD];
	_ =	sdelay $0x3  }
0x96: {  	_ =	strace s2  }
0x97: {  	_ =	strace $0x8FFFFFFF  }
0x98: {  	s18 =	sld [smem:$0x3FDB];
	_ =	sdelay $0x1  }
0x99: {  	s19 =	simm.s32 $_scs_section_size  }
0x9a: {  	s4 =	simm.s32 $_size__tile_overlayer_lowered;
	s5 =	simm.s32 $_tile_overlayer_lowered  }
0x9b: {  	s22 =	simm.s32 $0x1BFF;
	s21 =	sshll.u32 s5, $0x1;
	s2 =	sadd.s32 s19, s18  }
0x9c: {  	s6 =	simm.s32 $0x0;
	s20 =	sshll.u32 s4, $0x1;
	s4 =	sadd.s32 s21, s2  }
0x9d: {  	[timem:s6], [sflag:s22] =	dma.local [hbm:s4], s20  }
0x9e: {  	_ =	swait.ge [sflag:s22], s20  }
0x9f: {  	s3 =	ssub.s32 $0x0, s20;
	[sflag:s22] =	ssyncset.done $0x0  }
0xa0: {  	[sflag:s22] =	ssyncadd.s32 s3;
	_ =	sdelay $0x1  }
0xa1: {  	s23 =	simm.s32 $0x1B8B  }
0xa2: {  	_ =	swait.ge [sflag:s23], $0x1  }
0xa3: {  	[sflag:s23] =	ssyncset.done $0x0  }
0xa4: {  	s25 =	simm.s32 $0x1B8E;
	s24 =	sld [smem:$0x3FFE];
	[sflag:s23] =	ssyncadd.s32 $0xFFFFFFFF  }
0xa5: {  	s26 =	simm.s32 $execute0_lowered;
	[smem:$0x3FD2] =	sst s25  }
0xa6: {  	s4 =	sshll.u32 s26, $0x1;
	_ =	strace $0x8000004F;
	[dreg:$0x1] =	wrdreg $0xFFFFFFFF  }
0xa7: {  	s28 =	simm.s32 $_size_execute0_lowered;
	s2 =	sadd.s32 s2, s4;
	[dreg:$0x0] =	wrdreg $0x0  }
0xa8: {  	s4 =	sshll.u32 s28, $0x1;
	[dreg:$0x2] =	wrdreg s2  }
0xa9: {  	[dreg:$0x3] =	wrdreg s4  }
0xaa: {  	[dreg:$0x4] =	wrdreg $0xC0  }
0xab: {  	_ =	task [dreg:s6], $0x5FFFF  }
0xac: {  	[dreg:$0x1] =	wrdreg $0xFFFFFFFF  }
0xad: {  	[dreg:$0x0] =	wrdreg $0x60  }
0xae: {  	[dreg:$0x2] =	wrdreg s24  }
0xaf: {  	[dreg:$0x3] =	wrdreg $0x51000  }
0xb0: {  	[dreg:$0x4] =	wrdreg $0x9  }
0xb1: {  	_ =	task.clear_ibuf [dreg:s6], $0x5FFFF;
	_ =	strace $0x9000004F  }
0xb2: {  	s29 =	simm.s32 $0x9;
	_ =	strace $0x80000051  }
0xb3: {  	_ =	swait.ge [sflag:s29], $0x1  }
0xb4: {  	[sflag:s29] =	ssyncadd.s32 $0xFFFFFFFF  }
0xb5: {  	_ =	strace $0x90000051  }
0xb6: {  	_ =	sfence  }
0xb7: {  	s30 =	sld [smem:$0x0];
	_ =	sdelay $0x2  }
0xb8: {  	s31 =	sshll.u32 s1, $0xD;
	s1 =	sshrl.u32 s1, $0x2  }
0xb9: {  	s3 =	sand.u32 $0x4000, s31;
	s1 =	sadd.s32 s1, s30  }
0xba: {  	s0 =	sor.u32 s3, s0;
	s1 =	sshll.u32 s1, $0x11  }
0xbb: {  	s0 =	sor.u32 s1, s0  }
0xbc: {  	s0 =	sadd.s32 $0x8F2B, s0  }
0xbd: {  	[sflag:s0] =	ssyncadd.remote.s32 $0x1  }
0xbe: {  	_ =	sfence.sel $0xFFFF  }
0xbf: {  	[dreg:$0x0] =	wrdreg $0xFFFFFFFF;
	(pc) =	sbr.abs _section_cstart, $3  }
0xc0: {  	[dreg:$0x1] =	wrdreg $0xFFFFFFFF  }
0xc1: {  	_ =	task.clear_ibuf [dreg:s6], $0x2FFFF;
	_ =	strace $0x9FFFFFFF  }
0xc2: {  	(tm) =	ssettm $0x7FFFFFFF  }
0xc3: {  	_ =	shalt  }
tec
execute0_lowered:
.L_overlay_start_1:
0x0: {  	(tag) =	ssettag $0x1  }
0x1: {  	s0 =	rddreg [dreg:$0x0]  }
0x2: {  	s1 =	rddreg [dreg:$0x1];
	s3 =	simm.s32 $0x0  }
0x3: {  	s2 =	srdreg.scid;
	s22 =	stileid.u32;
	s28 =	simm.s32 $0x50  }
0x4: {  	s29 =	simm.s32 $0x2;
	s30 =	simm.s32 $0x0;
	[smem:$0x7FF] =	sst s3  }
0x5: {  	s5 =	sadd.s32 $0x786E00, s0;
	s2 =	sand.u32 $0x1, s2;
	s6 =	smul.u32 $0x4E000, s22  }
0x6: {  	s4 =	sadd.s32 $0x29AE00, s0;
	s9 =	sadd.s32 $0x7D000, s0;
	s11 =	smul.u32 $0x13800, s22  }
0x7: {  	s0 =	sadd.s32 $0x2E00, s0;
	s24 =	sshll.u32 s22, $0x1;
	s21 =	smul.u32 $0x2760, s22  }
0x8: {  	s15 =	sshll.u32 s22, $0x6;
	s18 =	sadd.s32 $0x138000, s1;
	s8 =	smul.u32 $0x138800, s2  }
0x9: {  	p0 =	sne.s32 s22, $0xF;
	s25 =	sor.u32 s2, s24;
	s24 =	smul.u32 $0x13B0, s2  }
0xa: {  	_ =	strace $0x80000050;
	[dreg:$0x5] =	wrdreg s18;
	s18 =	smul.u32 $0x27600, s22  }
0xb: {  	s7 =	ssub.s32 $0x2, s2;
	s2 =	smul.u32 $0x13B00, s2;
	s22 =	simm.s32 $0x3  }
0xc: {  	s10 =	sshrl.u32 s7, $0x1;
	s6 =	sshrl.u32 s6, $0x2;
	s17 =	smul.u32 $0x13B0, s25  }
0xd: {  	s12 =	smul.u32 $0x13B00, s25;
	s16 =	ssub.s32 s7, s10;
	s26 =	sadd.s32 s11, s8  }
0xe: {  	s6 =	sadd.s32 s6, s1;
	s8 =	sshrl.u32 s8, $0x3;
	s25 =	sadd.s32 s18, s5  }
0xf: {  	[dreg:$0x3] =	wrdreg s6;
	s31 =	sshrl.u32 s26, $0x3;
	s8 =	sadd.s32 $0x27000, s8  }
0x10: {  	s19 =	sshrl.u32 s17, $0x3;
	s13 =	sadd.s32 $0x50, s17;
	s11 =	sadd.s32 s5, s12  }
0x11: {  	s23 =	sadd.s32 $0x1360, s17;
	s16 =	smax.u32 s16, $0x1;
	s6 =	sadd.s32 s24, s21  }
0x12: {  	s26 =	sadd.s32 s2, s25;
	s24 =	simm.s32 $0x2880;
	s25 =	simm.s32 $0x2900  }
0x13: {  	s7 =	sadd.s32 s9, s31;
	s9 =	sadd.s32 s9, s8;
	s20 =	sadd.s32 s4, s19  }
0x14: {  	s14 =	sshrl.u32 s13, $0x3;
	s13 =	sshll.u32 s13, $0x4;
	[dreg:$0x4] =	wrdreg s7  }
0x15: {  	s17 =	sshrl.u32 s23, $0x3;
	s19 =	sadd.s32 $0xF0, s6;
	[dreg:$0x6] =	wrdreg s9  }
0x16: {  	s21 =	sadd.s32 $0xA0, s6;
	s7 =	sor.u32 $0x1C03, s15;
	[dreg:$0x7] =	wrdreg s20  }
0x17: {  	s12 =	sadd.s32 s4, s14;
	s13 =	sadd.s32 s5, s13;
	s14 =	sadd.s32 s0, s31  }
0x18: {  	s15 =	sadd.s32 s0, s8;
	s17 =	sadd.s32 s4, s17;
	s0 =	sshll.u32 s23, $0x4  }
0x19: {  	s31 =	sshrl.u32 s19, $0x3;
	s8 =	sadd.s32 $0xF00, s26;
	s23 =	simm.s32 $0x80  }
0x1a: {  	s26 =	simm.s32 $0x1;
	s18 =	sadd.s32 s5, s0;
	s20 =	sadd.s32 s31, s4  }
.LBB2_1:
0x1b: {  	s0 =	rddreg [dreg:$0x3]  }
0x1c: {  	s5 =	rddreg [dreg:$0x4];
	s31 =	sshrl.u32 s0, $0x3  }
0x1d: {  	[spmem:s31], [sflag:s7] =	dma.local [hbm:s5], $0x2700  }
0x1e: {  	_ =	swait.ge [sflag:s22], $0x2700  }
0x1f: {  	[sflag:s22] =	ssyncset.done $0x0;
	s0 =	rddreg [dreg:$0x5]  }
0x20: {  	s2 =	rddreg [dreg:$0x6];
	[sflag:s22] =	ssyncadd.s32 $0xFFFFD900;
	s0 =	sshrl.u32 @!p0 s0, $0x3  }
0x21: {  	[spmem:s0], [sflag:s7] =	dma.local @!p0 [hbm:s2], $0x100  }
0x22: {  	s2 =	simm.s32 @!p0 $0x3  }
0x23: {  	_ =	swait.ge @!p0 [sflag:s2], $0x100  }
0x24: {  	[sflag:s2] =	ssyncset.done @!p0 $0x0  }
0x25: {  	[sflag:s2] =	ssyncadd.s32 @!p0 $0xFFFFFF00  }
0x26: {  	[bflag:$0x0] =	sbarrier.arrive $0xFFFF  }
0x27: {  	s6 =	rddreg [dreg:$0x7]  }
0x28: {  	[tilespmem:s3], [sflag:$0x1] =	stream.linear.gather [hbm4b:s6+s3], $0x50, $0x38;
	[tilespmem:$0x18980] =	vst v63  }
0x29: {  	_ = 	snop  }
0x2a: {  	[tilespmem:s23], [sflag:$0x1] =	stream.linear.gather [hbm4b:s11+s3], $0x2800, $0x38;
	[tilespmem:$0x18980] =	vst v63  }
0x2b: {  	_ = 	snop  }
0x2c: {  	[tilespmem:s24], [sflag:$0x2] =	stream.linear.gather [hbm4b:s12+s3], $0x50, $0x38;
	[tilespmem:$0x18980] =	vst v63  }
0x2d: {  	_ = 	snop  }
0x2e: {  	[tilespmem:s25], [sflag:$0x2] =	stream.linear.gather [hbm4b:s13+s3], $0x2800, $0x38;
	[tilespmem:$0x18980] =	vst v63  }
0x2f: {  	_ =	swait.ge [sflag:s26], $0x50  }
0x30: {  	[sflag:s26] =	ssyncset.done $0x0  }
0x31: {  	[sflag:s26] =	ssyncadd.s32 $0xFFFFFFB0  }
0x32: {  	_ =	swait.ge [sflag:s26], $0x2800  }
0x33: {  	[sflag:s26] =	ssyncset.done $0x0  }
0x34: {  	[sflag:s26] =	ssyncadd.s32 $0xFFFFD800  }
0x35: {  	[spmem:s1] =	stream.indirect.scatter.add.f32 [tilespmem:s23], [sflag:$0x3], $0x80, s3, s28, $0xb8;
	[tilespmem:$0x18980] =	vst v63  }
0x36: {  	_ =	swait.ge [sflag:s22], $0x2800  }
0x37: {  	s9 =	sshrl.u32 s21, $0x3;
	[sflag:s22] =	ssyncset.done $0x0  }
0x38: {  	s2 =	sadd.s32 s4, s9;
	[sflag:s22] =	ssyncadd.s32 $0xFFFFD800  }
0x39: {  	[tilespmem:s3], [sflag:$0x1] =	stream.linear.gather [hbm4b:s2+s3], $0x50, $0x38;
	[tilespmem:$0x18980] =	vst v63  }
0x3a: {  	s10 =	sadd.s32 $0xFFFFFB00, s8  }
0x3b: {  	[tilespmem:s23], [sflag:$0x1] =	stream.linear.gather [hbm4b:s10+s3], $0x2800, $0x38;
	[tilespmem:$0x18980] =	vst v63  }
0x3c: {  	_ =	swait.ge [sflag:s29], $0x50  }
0x3d: {  	[sflag:s29] =	ssyncset.done $0x0  }
0x3e: {  	[sflag:s29] =	ssyncadd.s32 $0xFFFFFFB0  }
0x3f: {  	_ =	swait.ge [sflag:s29], $0x2800  }
0x40: {  	[sflag:s29] =	ssyncset.done $0x0  }
0x41: {  	[sflag:s29] =	ssyncadd.s32 $0xFFFFD800  }
0x42: {  	[spmem:s1] =	stream.indirect.scatter.add.f32 [tilespmem:s25], [sflag:$0x3], $0x80, s24, s28, $0xb8;
	[tilespmem:$0x18980] =	vst v63  }
0x43: {  	_ =	swait.ge [sflag:s22], $0x2800  }
0x44: {  	[sflag:s22] =	ssyncset.done $0x0  }
0x45: {  	s19 =	sadd.s32 $0x0, s20;
	s5 =	sadd.s32 $0xA00, s8;
	[sflag:s22] =	ssyncadd.s32 $0xFFFFD800  }
0x46: {  	[tilespmem:s24], [sflag:$0x2] =	stream.linear.gather [hbm4b:s19+s3], $0x50, $0x38;
	[tilespmem:$0x18980] =	vst v63  }
0x47: {  	s6 =	sadd.s32 $0xA0, s21;
	s2 =	simm.s32 $0x14;
	s19 =	smov.u32 s8  }
.LBB2_2:
0x48: {  	[tilespmem:s25], [sflag:$0x2] =	stream.linear.gather [hbm4b:s19+s3], $0x2800, $0x38;
	[tilespmem:$0x18980] =	vst v63  }
0x49: {  	s9 =	smov.u32 s2;
	s19 =	smov.u32 s5  }
0x4a: {  	p1 =	sne.s32 s2, $0x244;
	s2 =	sadd.s32 $0x14, s2;
	_ =	swait.ge [sflag:s26], $0x50  }
0x4b: {  	[sflag:s26] =	ssyncset.done $0x0  }
0x4c: {  	[sflag:s26] =	ssyncadd.s32 $0xFFFFFFB0  }
0x4d: {  	_ =	swait.ge [sflag:s26], $0x2800  }
0x4e: {  	[sflag:s26] =	ssyncset.done $0x0  }
0x4f: {  	[sflag:s26] =	ssyncadd.s32 $0xFFFFD800  }
0x50: {  	[spmem:s1] =	stream.indirect.scatter.add.f32 [tilespmem:s23], [sflag:$0x3], $0x80, s3, s28, $0xb8;
	[tilespmem:$0x18980] =	vst v63  }
0x51: {  	_ =	swait.ge [sflag:s22], $0x2800  }
0x52: {  	s10 =	sshrl.u32 s6, $0x3;
	[sflag:s22] =	ssyncset.done $0x0  }
0x53: {  	s10 =	sadd.s32 s4, s10;
	[sflag:s22] =	ssyncadd.s32 $0xFFFFD800  }
0x54: {  	[tilespmem:s3], [sflag:$0x1] =	stream.linear.gather [hbm4b:s10+s3], $0x50, $0x38;
	[tilespmem:$0x18980] =	vst v63  }
0x55: {  	s10 =	sadd.s32 $0xFFFFFB00, s5  }
0x56: {  	[tilespmem:s23], [sflag:$0x1] =	stream.linear.gather [hbm4b:s10+s3], $0x2800, $0x38;
	[tilespmem:$0x18980] =	vst v63  }
0x57: {  	_ =	swait.ge [sflag:s29], $0x50  }
0x58: {  	[sflag:s29] =	ssyncset.done $0x0  }
0x59: {  	[sflag:s29] =	ssyncadd.s32 $0xFFFFFFB0  }
0x5a: {  	_ =	swait.ge [sflag:s29], $0x2800  }
0x5b: {  	[sflag:s29] =	ssyncset.done $0x0  }
0x5c: {  	[sflag:s29] =	ssyncadd.s32 $0xFFFFD800  }
0x5d: {  	[spmem:s1] =	stream.indirect.scatter.add.f32 [tilespmem:s25], [sflag:$0x3], $0x80, s24, s28, $0xb8;
	[tilespmem:$0x18980] =	vst v63  }
.Ltmp0:
0x5e: {  	_ =	swait.ge [sflag:s22], $0x2800;
	(pc) =	sbr.rel @p1 .LBB2_2-.Ltmp0, $4  }
0x5f: {  	[sflag:s22] =	ssyncset.done $0x0  }
0x60: {  	s9 =	sadd.s32 s9, s20;
	[sflag:s22] =	ssyncadd.s32 $0xFFFFD800  }
0x61: {  	[tilespmem:s24], [sflag:$0x2] =	stream.linear.gather [hbm4b:s9+s3], $0x50, $0x38;
	[tilespmem:$0x18980] =	vst v63  }
0x62: {  	s6 =	sadd.s32 $0xA0, s6;
	s5 =	sadd.s32 $0xA00, s5  }
0x63: {  	[tilespmem:s25], [sflag:$0x2] =	stream.linear.gather [hbm4b:s19+s3], $0x2800, $0x38;
	[tilespmem:$0x18980] =	vst v63  }
0x64: {  	_ =	swait.ge [sflag:s26], $0x50  }
0x65: {  	[sflag:s26] =	ssyncset.done $0x0  }
0x66: {  	[sflag:s26] =	ssyncadd.s32 $0xFFFFFFB0  }
0x67: {  	_ =	swait.ge [sflag:s26], $0x2800  }
0x68: {  	[sflag:s26] =	ssyncset.done $0x0  }
0x69: {  	[sflag:s26] =	ssyncadd.s32 $0xFFFFD800  }
0x6a: {  	[spmem:s1] =	stream.indirect.scatter.add.f32 [tilespmem:s23], [sflag:$0x3], $0x80, s3, s28, $0xb8;
	[tilespmem:$0x18980] =	vst v63  }
0x6b: {  	_ =	swait.ge [sflag:s22], $0x2800  }
0x6c: {  	[sflag:s22] =	ssyncset.done $0x0  }
0x6d: {  	[sflag:s22] =	ssyncadd.s32 $0xFFFFD800  }
0x6e: {  	[tilespmem:s3], [sflag:$0x1] =	stream.linear.gather [hbm4b:s17+s3], $0x50, $0x38;
	[tilespmem:$0x18980] =	vst v63  }
0x6f: {  	_ = 	snop  }
0x70: {  	[tilespmem:s23], [sflag:$0x1] =	stream.linear.gather [hbm4b:s18+s3], $0x2800, $0x38;
	[tilespmem:$0x18980] =	vst v63  }
0x71: {  	_ =	swait.ge [sflag:s29], $0x50  }
0x72: {  	[sflag:s29] =	ssyncset.done $0x0  }
0x73: {  	[sflag:s29] =	ssyncadd.s32 $0xFFFFFFB0  }
0x74: {  	_ =	swait.ge [sflag:s29], $0x2800  }
0x75: {  	[sflag:s29] =	ssyncset.done $0x0  }
0x76: {  	[sflag:s29] =	ssyncadd.s32 $0xFFFFD800  }
0x77: {  	[spmem:s1] =	stream.indirect.scatter.add.f32 [tilespmem:s25], [sflag:$0x3], $0x80, s24, s28, $0xb8;
	[tilespmem:$0x18980] =	vst v63  }
0x78: {  	_ =	swait.ge [sflag:s22], $0x2800  }
0x79: {  	[sflag:s22] =	ssyncset.done $0x0  }
0x7a: {  	[sflag:s22] =	ssyncadd.s32 $0xFFFFD800  }
0x7b: {  	_ =	swait.ge [sflag:s26], $0x50  }
0x7c: {  	[sflag:s26] =	ssyncset.done $0x0  }
0x7d: {  	[sflag:s26] =	ssyncadd.s32 $0xFFFFFFB0  }
0x7e: {  	_ =	swait.ge [sflag:s26], $0x2800  }
0x7f: {  	[sflag:s26] =	ssyncset.done $0x0  }
0x80: {  	[sflag:s26] =	ssyncadd.s32 $0xFFFFD800  }
0x81: {  	[spmem:s1] =	stream.indirect.scatter.add.f32 [tilespmem:s23], [sflag:$0x3], $0x80, s3, s28, $0xb8;
	[tilespmem:$0x18980] =	vst v63  }
0x82: {  	_ =	swait.ge [sflag:s22], $0x2800  }
0x83: {  	[sflag:s22] =	ssyncset.done $0x0  }
0x84: {  	[sflag:s22] =	ssyncadd.s32 $0xFFFFD800  }
0x85: {  	[bflag:$0x0] =	sbarrier.arrive $0xFFFF  }
0x86: {  	[hbm:s14], [sflag:s7] =	dma.local [spmem:s31], $0x2700  }
0x87: {  	_ =	swait.ge [sflag:s22], $0x2700  }
0x88: {  	s30 =	sadd.s32 $0x1, s30;
	[sflag:s22] =	ssyncset.done $0x0  }
0x89: {  	p1 =	sne.s32 s30, s16;
	[sflag:s22] =	ssyncadd.s32 $0xFFFFD900  }
0x8a: {  	[hbm:s15], [sflag:s7] =	dma.local @!p0 [spmem:s0], $0x100  }
.Ltmp1:
0x8b: {  	_ = 	snop;
	(pc) =	sbr.rel @p1 .LBB2_1-.Ltmp1, $4  }
0x8c: {  	s0 =	simm.s32 @!p0 $0x3  }
0x8d: {  	_ =	swait.ge @!p0 [sflag:s0], $0x100  }
0x8e: {  	[sflag:s0] =	ssyncset.done @!p0 $0x0  }
0x8f: {  	[sflag:s0] =	ssyncadd.s32 @!p0 $0xFFFFFF00  }
0x90: {  	_ =	sfence.sel $0x180000  }
0x91: {  	[bflag:$0x0] =	sbarrier.arrive $0xFFFF  }
0x92: {  	_ =	strace $0x90000050  }
0x93: {  	s0 =	stileid.u32;
	[bflag:$0x2] =	sbarrier.arrive $0xFFFF  }
0x94: {  	p0 =	sne.s32 s0, $0x0;
	s0 =	rddreg [dreg:$0x2]  }
0x95: {  	s0 =	sadd.s32 @!p0 $0x100000, s0  }
0x96: {  	[sflag:s0] =	ssyncadd.tile.s32 @!p0 $0x1;
	_ =	shalt  }
.Lfunc_end2:
_tile_overlayer_lowered:
.L_overlay_start_2:
0x97: {  	(tag) =	ssettag $0x2  }
0x98: {  	s0 =	rddreg [dreg:$0x0];
	s2 =	stileid.u32  }
0x99: {  	s1 =	rddreg [dreg:$0x1];
	p0 =	sne.s32 s2, $0x0  }
0x9a: {  	s3 =	rddreg [dreg:$0x2];
	[bflag:$0x3] =	sbarrier.arrive $0xFFFF;
	s2 =	simm.s32 @!p0 $0x1C03  }
0x9b: {  	[timem:s3], [sflag:s2] =	dma.local @!p0 [hbm:s0], s1  }
0x9c: {  	s0 =	simm.s32 @!p0 $0x3  }
0x9d: {  	_ =	swait.ge @!p0 [sflag:s0], s1  }
0x9e: {  	s1 =	ssub.s32 @!p0 $0x0, s1;
	[sflag:s0] =	ssyncset.done @!p0 $0x0  }
0x9f: {  	[sflag:s0] =	ssyncadd.s32 @!p0 s1  }
0xa0: {  	[bflag:$0x3] =	sbarrier.arrive $0xFFFF  }
0xa1: {  	_ =	shalt  }

</sc_bundles>
